<compile_context>
chip_gen: v7x
topology: tpu7x:2x2x1
jax: 0.10.2.dev20260603
libtpu: 0.0.44.dev20260713+nightly
codegen_flags: <defaults>
</compile_context>

<pallas_src>
import functools

import jax
import jax.numpy as jnp
from jax import lax
from jax.experimental import pallas as pl
from jax.experimental.pallas import tpu as pltpu
from jax.experimental.pallas import tpu_sc as plsc

_N = 10000
_NP = 10240
_E = 320000
_EP = 327680
_G = 16
_DIN = 128
_DH = 128

_NTILES = 32
_EPT = _EP // _NTILES
_K = 128
_NCH = _EPT // _K
_RPT = _NP // 16

_mesh = plsc.VectorSubcoreMesh(core_axis_name="c", subcore_axis_name="s")



def _deg_body(dst_hbm, ones_hbm, zeros_hbm, out_hbm, dstl, ones_v, acc, sem):
    c = lax.axis_index("c")
    s = lax.axis_index("s")
    row0 = s * _RPT
    crow = (c * 16 + s) * _NCH
    pltpu.sync_copy(zeros_hbm, acc.at[pl.ds(row0, _RPT)])
    pltpu.sync_copy(ones_hbm, ones_v)
    pltpu.sync_copy(dst_hbm.at[pl.ds(crow, _NCH)], dstl)
    plsc.subcore_barrier()

    def body(i, carry):
        pltpu.sync_copy(ones_v, acc.at[dstl.at[i]], add=True)
        return carry

    lax.fori_loop(0, _NCH, body, 0)
    plsc.subcore_barrier()
    pltpu.sync_copy(acc.at[pl.ds(row0, _RPT)], out_hbm.at[c, pl.ds(row0, _RPT)])


_sc_deg = pl.kernel(
    _deg_body,
    out_type=jax.ShapeDtypeStruct((2, _NP), jnp.float32),
    mesh=_mesh,
    scratch_types=[
        pltpu.VMEM((_NCH, _K), jnp.int32),
        pltpu.VMEM((_K,), jnp.float32),
        pltpu.VMEM_SHARED((_NP,), jnp.float32),
        pltpu.SemaphoreType.DMA,
    ],
)


def _make_spmm(width):
    def body(v_hbm, src_hbm, dst_hbm, zeros_hbm, out_hbm,
             srcl, dstl, rows0, rows1, acc, sem0, sem1, semz):
        c = lax.axis_index("c")
        s = lax.axis_index("s")
        row0 = s * _RPT
        crow = (c * 16 + s) * _NCH
        pltpu.async_copy(zeros_hbm, acc.at[pl.ds(row0, _RPT)], semz)

        nch_h = _NCH // 2
        npairs = nch_h // 2
        for h in range(2):
            pltpu.sync_copy(src_hbm.at[pl.ds(crow + h * nch_h, nch_h)], srcl)
            pltpu.sync_copy(dst_hbm.at[pl.ds(crow + h * nch_h, nch_h)], dstl)
            pltpu.async_copy(v_hbm.at[srcl.at[0]], rows0, sem0)
            if h == 0:
                pltpu.make_async_copy(zeros_hbm, acc.at[pl.ds(row0, _RPT)],
                                      semz).wait()
                plsc.subcore_barrier()

            def step(j, carry):
                i0 = 2 * j
                pltpu.async_copy(v_hbm.at[srcl.at[i0 + 1]], rows1, sem1)
                pltpu.make_async_copy(v_hbm.at[srcl.at[i0]], rows0,
                                      sem0).wait()
                pltpu.sync_copy(rows0, acc.at[dstl.at[i0]], add=True)

                @pl.when(j < npairs - 1)
                def _():
                    pltpu.async_copy(v_hbm.at[srcl.at[i0 + 2]], rows0, sem0)

                pltpu.make_async_copy(v_hbm.at[srcl.at[i0 + 1]], rows1,
                                      sem1).wait()
                pltpu.sync_copy(rows1, acc.at[dstl.at[i0 + 1]], add=True)
                return carry

            lax.fori_loop(0, npairs, step, 0)
        plsc.subcore_barrier()
        pltpu.sync_copy(acc.at[pl.ds(row0, _RPT)],
                        out_hbm.at[c, pl.ds(row0, _RPT)])

    return pl.kernel(
        body,
        out_type=jax.ShapeDtypeStruct((2, _NP, width), jnp.float32),
        mesh=_mesh,
        scratch_types=[
            pltpu.VMEM((_NCH // 2, _K), jnp.int32),
            pltpu.VMEM((_NCH // 2, _K), jnp.int32),
            pltpu.VMEM((_K, width), jnp.float32),
            pltpu.VMEM((_K, width), jnp.float32),
            pltpu.VMEM_SHARED((_NP, width), jnp.float32),
            pltpu.SemaphoreType.DMA,
            pltpu.SemaphoreType.DMA,
            pltpu.SemaphoreType.DMA,
        ],
    )


_spmm128 = _make_spmm(128)



_B = 1024
_GRID = _NP // _B


def _tc0_body(degp_ref, x_ref, w_ref, dinv_ref, out_ref):
    deg = (degp_ref[0, :] + degp_ref[1, :] + 1.0).reshape(_B, 1)
    dinv = lax.rsqrt(deg)
    dinv_ref[...] = dinv
    out_ref[...] = dinv * jnp.dot(x_ref[...], w_ref[...],
                                  preferred_element_type=jnp.float32)


def _tc0(degp, xp, w1):
    return pl.pallas_call(
        _tc0_body,
        grid=(_GRID,),
        in_specs=[
            pl.BlockSpec((2, _B), lambda i: (0, i)),
            pl.BlockSpec((_B, _DIN), lambda i: (i, 0)),
            pl.BlockSpec((_DIN, _DH), lambda i: (0, 0)),
        ],
        out_specs=[
            pl.BlockSpec((_B, 1), lambda i: (i, 0)),
            pl.BlockSpec((_B, _DH), lambda i: (i, 0)),
        ],
        out_shape=[
            jax.ShapeDtypeStruct((_NP, 1), jnp.float32),
            jax.ShapeDtypeStruct((_NP, _DH), jnp.float32),
        ],
    )(degp, xp, w1)


def _tc_mid_body(dinv_ref, p_ref, v_ref, b_ref, w_ref, out_ref):
    dinv = dinv_ref[...]
    t = p_ref[0] + p_ref[1] + v_ref[...]
    h = jnp.maximum(dinv * t + b_ref[...], 0.0)
    out_ref[...] = dinv * jnp.dot(h, w_ref[...],
                                  preferred_element_type=jnp.float32)


def _tc_mid(dinv, p, v, b, w, win, wout):
    return pl.pallas_call(
        _tc_mid_body,
        grid=(_GRID,),
        in_specs=[
            pl.BlockSpec((_B, 1), lambda i: (i, 0)),
            pl.BlockSpec((2, _B, win), lambda i: (0, i, 0)),
            pl.BlockSpec((_B, win), lambda i: (i, 0)),
            pl.BlockSpec((1, win), lambda i: (0, 0)),
            pl.BlockSpec((win, wout), lambda i: (0, 0)),
        ],
        out_specs=pl.BlockSpec((_B, wout), lambda i: (i, 0)),
        out_shape=jax.ShapeDtypeStruct((_NP, wout), jnp.float32),
    )(dinv, p, v, b, w)


def _tc_final_body(dinv_ref, p_ref, v_ref, b_ref, bat_ref, wfc_ref, bfc_ref,
                   out_ref, sums, counts):
    i = pl.program_id(0)
    dinv = dinv_ref[...]
    t = p_ref[0] + p_ref[1] + v_ref[...]
    h = jnp.maximum(dinv * t + b_ref[...], 0.0)
    ids = bat_ref[...]
    groups = lax.broadcasted_iota(jnp.int32, (_B, _G), 1)
    mask = (ids == groups).astype(jnp.float32)
    blk_sums = lax.dot_general(mask, h, (((0,), (0,)), ((), ())),
                               preferred_element_type=jnp.float32)
    blk_counts = lax.dot_general(mask, jnp.ones((_B, 1), jnp.float32),
                                 (((0,), (0,)), ((), ())),
                                 preferred_element_type=jnp.float32)

    @pl.when(i == 0)
    def _():
        sums[...] = jnp.zeros_like(sums)
        counts[...] = jnp.zeros_like(counts)

    sums[...] += blk_sums
    counts[...] += blk_counts

    @pl.when(i == _GRID - 1)
    def _():
        pooled = sums[...] / jnp.maximum(counts[...], 1.0)
        out_ref[...] = (jnp.dot(pooled, wfc_ref[...],
                                preferred_element_type=jnp.float32)
                        + bfc_ref[...])


def _tc_final(dinv, p, v, b, batp, wfc, bfc):
    return pl.pallas_call(
        _tc_final_body,
        grid=(_GRID,),
        in_specs=[
            pl.BlockSpec((_B, 1), lambda i: (i, 0)),
            pl.BlockSpec((2, _B, 128), lambda i: (0, i, 0)),
            pl.BlockSpec((_B, 128), lambda i: (i, 0)),
            pl.BlockSpec((1, 128), lambda i: (0, 0)),
            pl.BlockSpec((_B, 1), lambda i: (i, 0)),
            pl.BlockSpec((128, 1), lambda i: (0, 0)),
            pl.BlockSpec((1, 1), lambda i: (0, 0)),
        ],
        out_specs=pl.BlockSpec((_G, 1), lambda i: (0, 0)),
        out_shape=jax.ShapeDtypeStruct((_G, 1), jnp.float32),
        scratch_shapes=[
            pltpu.VMEM((_G, 128), jnp.float32),
            pltpu.VMEM((_G, 1), jnp.float32),
        ],
    )(dinv, p, v, b, batp, wfc, bfc)



def kernel(x, edge_index, batch, W1, b1, W2, b2, W3, b3, Wfc, bfc):
    npad = _NP - _N
    dum = (jnp.arange(_EP - _E, dtype=jnp.int32) % npad) + _N
    srcp = jnp.concatenate([edge_index[0], dum]).reshape(_EP // _K, _K)
    dstp = jnp.concatenate([edge_index[1], dum]).reshape(_EP // _K, _K)
    xp = jnp.concatenate([x, jnp.zeros((npad, _DIN), jnp.float32)])
    batp = jnp.concatenate(
        [batch, jnp.full((npad,), _G, batch.dtype)]).reshape(_NP, 1)

    ones1 = jnp.ones((_K,), jnp.float32)
    z1 = jnp.zeros((_RPT,), jnp.float32)
    z128 = jnp.zeros((_RPT, 128), jnp.float32)

    W3p = jnp.concatenate([W3, jnp.zeros((_DH, 64), jnp.float32)], axis=1)
    b3p = jnp.concatenate([b3, jnp.zeros((64,), jnp.float32)]).reshape(1, -1)
    Wfcp = jnp.concatenate([Wfc, jnp.zeros((64, 1), jnp.float32)], axis=0)

    degp = _sc_deg(dstp, ones1, z1)
    dinv, v1 = _tc0(degp, xp, W1)
    p1 = _spmm128(v1, srcp, dstp, z128)
    v2 = _tc_mid(dinv, p1, v1, b1.reshape(1, -1), W2, 128, 128)
    p2 = _spmm128(v2, srcp, dstp, z128)
    v3 = _tc_mid(dinv, p2, v2, b2.reshape(1, -1), W3p, 128, 128)
    p3 = _spmm128(v3, srcp, dstp, z128)
    out = _tc_final(dinv, p3, v3, b3p, batp, Wfcp, bfc.reshape(1, -1))
    return out.reshape(_G)

# --- scband reference (transcript-rebuilt; emitter-appended) ---
"""Pipeline reference for scband-gnnregressor-81595788689871 (READ-ONLY COPY).

The authoritative reference and input builder live on the scoring server;
editing this copy changes nothing except your own understanding.
"""

import jax, jax.numpy as jnp
import numpy as np

N = 10000
E = 320000
DIN = 128
DH = 128
DO = 1
G = 16


def setup_inputs(seed: int = 0) -> dict:
    key = jax.random.key(seed)
    ks = jax.random.split(key, 12)
    x = jax.random.normal(ks[0], (N, DIN), dtype=jnp.float32)
    edge_index = jax.random.randint(ks[1], (2, E), 0, N, dtype=jnp.int32)
    batch = jnp.sort(jax.random.randint(ks[2], (N,), 0, G, dtype=jnp.int32))
    W1 = jax.random.normal(ks[3], (DIN, DH), dtype=jnp.float32) * 0.05
    b1 = jnp.zeros((DH,), dtype=jnp.float32)
    W2 = jax.random.normal(ks[4], (DH, DH), dtype=jnp.float32) * 0.05
    b2 = jnp.zeros((DH,), dtype=jnp.float32)
    W3 = jax.random.normal(ks[5], (DH, DH // 2), dtype=jnp.float32) * 0.05
    b3 = jnp.zeros((DH // 2,), dtype=jnp.float32)
    Wfc = jax.random.normal(ks[6], (DH // 2, DO), dtype=jnp.float32) * 0.05
    bfc = jnp.zeros((DO,), dtype=jnp.float32)
    return {"x": x, "edge_index": edge_index, "batch": batch,
            "W1": W1, "b1": b1, "W2": W2, "b2": b2,
            "W3": W3, "b3": b3, "Wfc": Wfc, "bfc": bfc}


def _gcn_conv(h, src, dst, norm, W, b, n_nodes):
    h = h @ W
    msg = h[src] * norm[:, None]
    out = jax.ops.segment_sum(msg, dst, num_segments=n_nodes)
    return out + b


def reference(x, edge_index, batch, W1, b1, W2, b2, W3, b3, Wfc, bfc):
    # GCN normalization with self-loops: D^{-1/2} (A + I) D^{-1/2}
    loops = jnp.arange(N, dtype=edge_index.dtype)
    src = jnp.concatenate([edge_index[0], loops])
    dst = jnp.concatenate([edge_index[1], loops])
    deg = jax.ops.segment_sum(jnp.ones_like(dst, dtype=x.dtype), dst, num_segments=N)
    dinv = jnp.where(deg > 0, 1.0 / jnp.sqrt(deg), 0.0)
    norm = dinv[src] * dinv[dst]
    h = jax.nn.relu(_gcn_conv(x, src, dst, norm, W1, b1, N))
    # dropout is identity in eval mode
    h = jax.nn.relu(_gcn_conv(h, src, dst, norm, W2, b2, N))
    h = jax.nn.relu(_gcn_conv(h, src, dst, norm, W3, b3, N))
    # global mean pool over batch ids
    counts = jax.ops.segment_sum(jnp.ones((N,), dtype=h.dtype), batch, num_segments=G)
    sums = jax.ops.segment_sum(h, batch, num_segments=G)
    pooled = sums / jnp.maximum(counts, 1.0)[:, None]
    out = pooled @ Wfc + bfc
    return out.squeeze(-1)

if __name__ == "__main__":
    import jax
    _d = setup_inputs()
    print(jax.jit(kernel)(*tuple(_d.values())))

</pallas_src>

<mosaic_0001>
#map = affine_map<(d0, d1) -> (0, 0)>
#map1 = affine_map<(d0, d1) -> (0)>
module attributes {stable_mosaic.version = 14 : i64} {
  func.func @_deg_body(%arg0: i32, %arg1: i32, %arg2: memref<2560x128xi32, #tpu.memory_space<hbm>>, %arg3: memref<128xf32, #tpu.memory_space<hbm>>, %arg4: memref<640xf32, #tpu.memory_space<hbm>>, %arg5: memref<2x10240xf32, #tpu.memory_space<hbm>>, %arg6: memref<80x128xi32, #tpu.memory_space<vmem>>, %arg7: memref<128xf32, #tpu.memory_space<vmem>>, %arg8: memref<10240xf32, #tpu.memory_space<vmem_shared>>, %arg9: memref<!tpu.dma_semaphore, #tpu.memory_space<semaphore_mem>>) attributes {dimension_semantics = [#tpu.dimension_semantics<core_parallel>, #tpu.dimension_semantics<subcore_parallel>], iteration_bounds = array<i64: 2, 16>, scalar_prefetch = 0 : i64, scratch_operands = 4 : i64, tpu.core_type = #tpu.core_type<sc_vector_subcore>, window_params = [{transform_indices = #map}, {transform_indices = #map1}, {transform_indices = #map1}, {transform_indices = #map}]} {
    %mul3A = arith.constant 640 : i32
    %mul3A_0 = arith.muli %arg1, %mul3A : i32
    %mul3A_1 = arith.constant 16 : i32
    %mul3A_2 = arith.muli %arg0, %mul3A_1 : i32
    %add3A = arith.addi %mul3A_2, %arg1 : i32
    %mul3A_3 = arith.constant 80 : i32
    %mul3A_4 = arith.muli %add3A, %mul3A_3 : i32
    "tpu.region"() ({
      %run_scoped3A = tpu.sem_alloc : memref<!tpu.dma_semaphore, #tpu.memory_space<semaphore_mem>>
      %dma_start3A = tpu.memref_slice %arg8[%mul3A_0] : memref<10240xf32, #tpu.memory_space<vmem_shared>> -> memref<640xf32, #tpu.memory_space<vmem_shared>>
      tpu.enqueue_dma source(%arg4 : memref<640xf32, #tpu.memory_space<hbm>>) target(%dma_start3A : memref<640xf32, #tpu.memory_space<vmem_shared>>) target_semaphore(%run_scoped3A : memref<!tpu.dma_semaphore, #tpu.memory_space<semaphore_mem>>)
      %dma_wait3A = tpu.memref_slice %arg8[%mul3A_0] : memref<10240xf32, #tpu.memory_space<vmem_shared>> -> memref<640xf32, #tpu.memory_space<vmem_shared>>
      tpu.wait_dma2 semaphore(%run_scoped3A : memref<!tpu.dma_semaphore, #tpu.memory_space<semaphore_mem>>) src(%arg4 : memref<640xf32, #tpu.memory_space<hbm>>) dst(%dma_wait3A : memref<640xf32, #tpu.memory_space<vmem_shared>>)
      tpu.yield
    }) : () -> ()
    "tpu.region"() ({
      %run_scoped3A = tpu.sem_alloc : memref<!tpu.dma_semaphore, #tpu.memory_space<semaphore_mem>>
      tpu.enqueue_dma source(%arg3 : memref<128xf32, #tpu.memory_space<hbm>>) target(%arg7 : memref<128xf32, #tpu.memory_space<vmem>>) target_semaphore(%run_scoped3A : memref<!tpu.dma_semaphore, #tpu.memory_space<semaphore_mem>>)
      tpu.wait_dma2 semaphore(%run_scoped3A : memref<!tpu.dma_semaphore, #tpu.memory_space<semaphore_mem>>) src(%arg3 : memref<128xf32, #tpu.memory_space<hbm>>) dst(%arg7 : memref<128xf32, #tpu.memory_space<vmem>>)
      tpu.yield
    }) : () -> ()
    "tpu.region"() ({
      %run_scoped3A = tpu.sem_alloc : memref<!tpu.dma_semaphore, #tpu.memory_space<semaphore_mem>>
      %dma_start3A = arith.constant 0 : i32
      %dma_start3A_11 = tpu.memref_slice %arg2[%mul3A_4, %dma_start3A] : memref<2560x128xi32, #tpu.memory_space<hbm>> -> memref<80x128xi32, #tpu.memory_space<hbm>>
      %dma_start3A_12 = arith.constant 0 : i32
      %dma_start3A_13 = tpu.memref_slice %arg2[%mul3A_4, %dma_start3A_12] : memref<2560x128xi32, #tpu.memory_space<hbm>> -> memref<80x128xi32, #tpu.memory_space<hbm>>
      tpu.enqueue_dma source(%dma_start3A_13 : memref<80x128xi32, #tpu.memory_space<hbm>>) target(%arg6 : memref<80x128xi32, #tpu.memory_space<vmem>>) target_semaphore(%run_scoped3A : memref<!tpu.dma_semaphore, #tpu.memory_space<semaphore_mem>>)
      %dma_wait3A = arith.constant 0 : i32
      %dma_wait3A_14 = tpu.memref_slice %arg2[%mul3A_4, %dma_wait3A] : memref<2560x128xi32, #tpu.memory_space<hbm>> -> memref<80x128xi32, #tpu.memory_space<hbm>>
      %dma_wait3A_15 = arith.constant 0 : i32
      %dma_wait3A_16 = tpu.memref_slice %arg2[%mul3A_4, %dma_wait3A_15] : memref<2560x128xi32, #tpu.memory_space<hbm>> -> memref<80x128xi32, #tpu.memory_space<hbm>>
      tpu.wait_dma2 semaphore(%run_scoped3A : memref<!tpu.dma_semaphore, #tpu.memory_space<semaphore_mem>>) src(%dma_wait3A_16 : memref<80x128xi32, #tpu.memory_space<hbm>>) dst(%arg6 : memref<80x128xi32, #tpu.memory_space<vmem>>)
      tpu.yield
    }) : () -> ()
    %barrier3A = arith.constant 0 : index
    tpu.barrier barrier_id(%barrier3A)
    %scan3A = arith.constant 0 : i32
    %scan3A_5 = arith.constant 0 : i32
    %scan3A_6 = arith.constant 80 : i32
    %scan3A_7 = arith.addi %scan3A_5, %scan3A_6 : i32
    %scan3A_8 = arith.constant 1 : i32
    scf.for %scan3A_11 = %scan3A_5 to %scan3A_7 step %scan3A_8  : i32 {
      "tpu.region"() ({
        %run_scoped3A = tpu.sem_alloc : memref<!tpu.dma_semaphore, #tpu.memory_space<semaphore_mem>>
        %dma_start3A = arith.constant 0 : i32
        %dma_start3A_12 = tpu.memref_slice %arg6[%scan3A_11, %dma_start3A] : memref<80x128xi32, #tpu.memory_space<vmem>> -> memref<1x128xi32, #tpu.memory_space<vmem>>
        %dma_start3A_13 = tpu.memref_squeeze %dma_start3A_12 : memref<1x128xi32, #tpu.memory_space<vmem>> -> memref<128xi32, #tpu.memory_space<vmem>>
        %dma_start3A_14 = arith.constant 0 : i32
        %dma_start3A_15 = tpu.memref_slice %arg8[%dma_start3A_14] : memref<10240xf32, #tpu.memory_space<vmem_shared>> -> memref<10240xf32, #tpu.memory_space<vmem_shared>>
        tpu.enqueue_indirect_dma source(%arg7 : memref<128xf32, #tpu.memory_space<vmem>>) target(%dma_start3A_15 : memref<10240xf32, #tpu.memory_space<vmem_shared>>) offsets(%dma_start3A_13 : memref<128xi32, #tpu.memory_space<vmem>>) semaphore(%run_scoped3A : memref<!tpu.dma_semaphore, #tpu.memory_space<semaphore_mem>>) {add = true}
        %dma_wait3A = arith.constant 0 : i32
        %dma_wait3A_16 = tpu.memref_slice %arg6[%scan3A_11, %dma_wait3A] : memref<80x128xi32, #tpu.memory_space<vmem>> -> memref<1x128xi32, #tpu.memory_space<vmem>>
        %dma_wait3A_17 = tpu.memref_squeeze %dma_wait3A_16 : memref<1x128xi32, #tpu.memory_space<vmem>> -> memref<128xi32, #tpu.memory_space<vmem>>
        %dma_wait3A_18 = arith.constant 0 : i32
        %dma_wait3A_19 = tpu.memref_slice %arg8[%dma_wait3A_18] : memref<10240xf32, #tpu.memory_space<vmem_shared>> -> memref<10240xf32, #tpu.memory_space<vmem_shared>>
        tpu.wait_indirect_dma semaphore(%run_scoped3A : memref<!tpu.dma_semaphore, #tpu.memory_space<semaphore_mem>>) src(%arg7 : memref<128xf32, #tpu.memory_space<vmem>>) dst(%dma_wait3A_19 : memref<10240xf32, #tpu.memory_space<vmem_shared>>)
        tpu.yield
      }) : () -> ()
    }
    %scan3A_9 = arith.constant 80 : i32
    %barrier3A_10 = arith.constant 0 : index
    tpu.barrier barrier_id(%barrier3A_10)
    "tpu.region"() ({
      %run_scoped3A = tpu.sem_alloc : memref<!tpu.dma_semaphore, #tpu.memory_space<semaphore_mem>>
      %dma_start3A = tpu.memref_slice %arg5[%arg0, %mul3A_0] : memref<2x10240xf32, #tpu.memory_space<hbm>> -> memref<1x640xf32, #tpu.memory_space<hbm>>
      %dma_start3A_11 = tpu.memref_squeeze %dma_start3A : memref<1x640xf32, #tpu.memory_space<hbm>> -> memref<640xf32, #tpu.memory_space<hbm>>
      %dma_start3A_12 = tpu.memref_slice %arg8[%mul3A_0] : memref<10240xf32, #tpu.memory_space<vmem_shared>> -> memref<640xf32, #tpu.memory_space<vmem_shared>>
      tpu.enqueue_dma source(%dma_start3A_12 : memref<640xf32, #tpu.memory_space<vmem_shared>>) target(%dma_start3A_11 : memref<640xf32, #tpu.memory_space<hbm>>) target_semaphore(%run_scoped3A : memref<!tpu.dma_semaphore, #tpu.memory_space<semaphore_mem>>)
      %dma_wait3A = tpu.memref_slice %arg5[%arg0, %mul3A_0] : memref<2x10240xf32, #tpu.memory_space<hbm>> -> memref<1x640xf32, #tpu.memory_space<hbm>>
      %dma_wait3A_13 = tpu.memref_squeeze %dma_wait3A : memref<1x640xf32, #tpu.memory_space<hbm>> -> memref<640xf32, #tpu.memory_space<hbm>>
      %dma_wait3A_14 = tpu.memref_slice %arg8[%mul3A_0] : memref<10240xf32, #tpu.memory_space<vmem_shared>> -> memref<640xf32, #tpu.memory_space<vmem_shared>>
      tpu.wait_dma2 semaphore(%run_scoped3A : memref<!tpu.dma_semaphore, #tpu.memory_space<semaphore_mem>>) src(%dma_wait3A_14 : memref<640xf32, #tpu.memory_space<vmem_shared>>) dst(%dma_wait3A_13 : memref<640xf32, #tpu.memory_space<hbm>>)
      tpu.yield
    }) : () -> ()
    return
  }
}

#map = affine_map<(d0, d1) -> (0, 0)>
#map1 = affine_map<(d0, d1) -> (0, 0, 0)>
module attributes {stable_mosaic.version = 14 : i64} {
  func.func @body(%arg0: i32, %arg1: i32, %arg2: memref<10240x128xf32, #tpu.memory_space<hbm>>, %arg3: memref<2560x128xi32, #tpu.memory_space<hbm>>, %arg4: memref<2560x128xi32, #tpu.memory_space<hbm>>, %arg5: memref<640x128xf32, #tpu.memory_space<hbm>>, %arg6: memref<2x10240x128xf32, #tpu.memory_space<hbm>>, %arg7: memref<40x128xi32, #tpu.memory_space<vmem>>, %arg8: memref<40x128xi32, #tpu.memory_space<vmem>>, %arg9: memref<128x128xf32, #tpu.memory_space<vmem>>, %arg10: memref<128x128xf32, #tpu.memory_space<vmem>>, %arg11: memref<10240x128xf32, #tpu.memory_space<vmem_shared>>, %arg12: memref<!tpu.dma_semaphore, #tpu.memory_space<semaphore_mem>>, %arg13: memref<!tpu.dma_semaphore, #tpu.memory_space<semaphore_mem>>, %arg14: memref<!tpu.dma_semaphore, #tpu.memory_space<semaphore_mem>>) attributes {dimension_semantics = [#tpu.dimension_semantics<core_parallel>, #tpu.dimension_semantics<subcore_parallel>], iteration_bounds = array<i64: 2, 16>, scalar_prefetch = 0 : i64, scratch_operands = 8 : i64, tpu.core_type = #tpu.core_type<sc_vector_subcore>, window_params = [{transform_indices = #map}, {transform_indices = #map}, {transform_indices = #map}, {transform_indices = #map}, {transform_indices = #map1}]} {
    %mul3A = arith.constant 640 : i32
    %mul3A_0 = arith.muli %arg1, %mul3A : i32
    %mul3A_1 = arith.constant 16 : i32
    %mul3A_2 = arith.muli %arg0, %mul3A_1 : i32
    %add3A = arith.addi %mul3A_2, %arg1 : i32
    %mul3A_3 = arith.constant 80 : i32
    %mul3A_4 = arith.muli %add3A, %mul3A_3 : i32
    %dma_start3A = arith.constant 0 : i32
    %dma_start3A_5 = tpu.memref_slice %arg11[%mul3A_0, %dma_start3A] : memref<10240x128xf32, #tpu.memory_space<vmem_shared>> -> memref<640x128xf32, #tpu.memory_space<vmem_shared>>
    tpu.enqueue_dma source(%arg5 : memref<640x128xf32, #tpu.memory_space<hbm>>) target(%dma_start3A_5 : memref<640x128xf32, #tpu.memory_space<vmem_shared>>) target_semaphore(%arg14 : memref<!tpu.dma_semaphore, #tpu.memory_space<semaphore_mem>>)
    %add3A_6 = arith.constant 0 : i32
    %add3A_7 = arith.addi %mul3A_4, %add3A_6 : i32
    "tpu.region"() ({
      %run_scoped3A = tpu.sem_alloc : memref<!tpu.dma_semaphore, #tpu.memory_space<semaphore_mem>>
      %dma_start3A_41 = arith.constant 0 : i32
      %dma_start3A_42 = tpu.memref_slice %arg3[%add3A_7, %dma_start3A_41] : memref<2560x128xi32, #tpu.memory_space<hbm>> -> memref<40x128xi32, #tpu.memory_space<hbm>>
      %dma_start3A_43 = arith.constant 0 : i32
      %dma_start3A_44 = tpu.memref_slice %arg3[%add3A_7, %dma_start3A_43] : memref<2560x128xi32, #tpu.memory_space<hbm>> -> memref<40x128xi32, #tpu.memory_space<hbm>>
      tpu.enqueue_dma source(%dma_start3A_44 : memref<40x128xi32, #tpu.memory_space<hbm>>) target(%arg7 : memref<40x128xi32, #tpu.memory_space<vmem>>) target_semaphore(%run_scoped3A : memref<!tpu.dma_semaphore, #tpu.memory_space<semaphore_mem>>)
      %dma_wait3A_45 = arith.constant 0 : i32
      %dma_wait3A_46 = tpu.memref_slice %arg3[%add3A_7, %dma_wait3A_45] : memref<2560x128xi32, #tpu.memory_space<hbm>> -> memref<40x128xi32, #tpu.memory_space<hbm>>
      %dma_wait3A_47 = arith.constant 0 : i32
      %dma_wait3A_48 = tpu.memref_slice %arg3[%add3A_7, %dma_wait3A_47] : memref<2560x128xi32, #tpu.memory_space<hbm>> -> memref<40x128xi32, #tpu.memory_space<hbm>>
      tpu.wait_dma2 semaphore(%run_scoped3A : memref<!tpu.dma_semaphore, #tpu.memory_space<semaphore_mem>>) src(%dma_wait3A_48 : memref<40x128xi32, #tpu.memory_space<hbm>>) dst(%arg7 : memref<40x128xi32, #tpu.memory_space<vmem>>)
      tpu.yield
    }) : () -> ()
    %add3A_8 = arith.constant 0 : i32
    %add3A_9 = arith.addi %mul3A_4, %add3A_8 : i32
    "tpu.region"() ({
      %run_scoped3A = tpu.sem_alloc : memref<!tpu.dma_semaphore, #tpu.memory_space<semaphore_mem>>
      %dma_start3A_41 = arith.constant 0 : i32
      %dma_start3A_42 = tpu.memref_slice %arg4[%add3A_9, %dma_start3A_41] : memref<2560x128xi32, #tpu.memory_space<hbm>> -> memref<40x128xi32, #tpu.memory_space<hbm>>
      %dma_start3A_43 = arith.constant 0 : i32
      %dma_start3A_44 = tpu.memref_slice %arg4[%add3A_9, %dma_start3A_43] : memref<2560x128xi32, #tpu.memory_space<hbm>> -> memref<40x128xi32, #tpu.memory_space<hbm>>
      tpu.enqueue_dma source(%dma_start3A_44 : memref<40x128xi32, #tpu.memory_space<hbm>>) target(%arg8 : memref<40x128xi32, #tpu.memory_space<vmem>>) target_semaphore(%run_scoped3A : memref<!tpu.dma_semaphore, #tpu.memory_space<semaphore_mem>>)
      %dma_wait3A_45 = arith.constant 0 : i32
      %dma_wait3A_46 = tpu.memref_slice %arg4[%add3A_9, %dma_wait3A_45] : memref<2560x128xi32, #tpu.memory_space<hbm>> -> memref<40x128xi32, #tpu.memory_space<hbm>>
      %dma_wait3A_47 = arith.constant 0 : i32
      %dma_wait3A_48 = tpu.memref_slice %arg4[%add3A_9, %dma_wait3A_47] : memref<2560x128xi32, #tpu.memory_space<hbm>> -> memref<40x128xi32, #tpu.memory_space<hbm>>
      tpu.wait_dma2 semaphore(%run_scoped3A : memref<!tpu.dma_semaphore, #tpu.memory_space<semaphore_mem>>) src(%dma_wait3A_48 : memref<40x128xi32, #tpu.memory_space<hbm>>) dst(%arg8 : memref<40x128xi32, #tpu.memory_space<vmem>>)
      tpu.yield
    }) : () -> ()
    %dma_start3A_10 = arith.constant 0 : i32
    %dma_start3A_11 = arith.constant 0 : i32
    %dma_start3A_12 = tpu.memref_slice %arg7[%dma_start3A_10, %dma_start3A_11] : memref<40x128xi32, #tpu.memory_space<vmem>> -> memref<1x128xi32, #tpu.memory_space<vmem>>
    %dma_start3A_13 = tpu.memref_squeeze %dma_start3A_12 : memref<1x128xi32, #tpu.memory_space<vmem>> -> memref<128xi32, #tpu.memory_space<vmem>>
    %dma_start3A_14 = arith.constant 0 : i32
    %dma_start3A_15 = arith.constant 0 : i32
    %dma_start3A_16 = tpu.memref_slice %arg2[%dma_start3A_14, %dma_start3A_15] : memref<10240x128xf32, #tpu.memory_space<hbm>> -> memref<10240x128xf32, #tpu.memory_space<hbm>>
    tpu.enqueue_indirect_dma source(%dma_start3A_16 : memref<10240x128xf32, #tpu.memory_space<hbm>>) target(%arg9 : memref<128x128xf32, #tpu.memory_space<vmem>>) offsets(%dma_start3A_13 : memref<128xi32, #tpu.memory_space<vmem>>) semaphore(%arg12 : memref<!tpu.dma_semaphore, #tpu.memory_space<semaphore_mem>>)
    %dma_wait3A = arith.constant 0 : i32
    %dma_wait3A_17 = tpu.memref_slice %arg11[%mul3A_0, %dma_wait3A] : memref<10240x128xf32, #tpu.memory_space<vmem_shared>> -> memref<640x128xf32, #tpu.memory_space<vmem_shared>>
    tpu.wait_dma2 semaphore(%arg14 : memref<!tpu.dma_semaphore, #tpu.memory_space<semaphore_mem>>) src(%arg5 : memref<640x128xf32, #tpu.memory_space<hbm>>) dst(%dma_wait3A_17 : memref<640x128xf32, #tpu.memory_space<vmem_shared>>)
    %barrier3A = arith.constant 0 : index
    tpu.barrier barrier_id(%barrier3A)
    %scan3A = arith.constant 0 : i32
    %scan3A_18 = arith.constant 0 : i32
    %scan3A_19 = arith.constant 20 : i32
    %scan3A_20 = arith.addi %scan3A_18, %scan3A_19 : i32
    %scan3A_21 = arith.constant 1 : i32
    scf.for %scan3A_41 = %scan3A_18 to %scan3A_20 step %scan3A_21  : i32 {
      %mul3A_42 = arith.constant 2 : i32
      %mul3A_43 = arith.muli %mul3A_42, %scan3A_41 : i32
      %add3A_44 = arith.constant 1 : i32
      %add3A_45 = arith.addi %mul3A_43, %add3A_44 : i32
      %dma_start3A_46 = arith.constant 0 : i32
      %dma_start3A_47 = tpu.memref_slice %arg7[%add3A_45, %dma_start3A_46] : memref<40x128xi32, #tpu.memory_space<vmem>> -> memref<1x128xi32, #tpu.memory_space<vmem>>
      %dma_start3A_48 = tpu.memref_squeeze %dma_start3A_47 : memref<1x128xi32, #tpu.memory_space<vmem>> -> memref<128xi32, #tpu.memory_space<vmem>>
      %dma_start3A_49 = arith.constant 0 : i32
      %dma_start3A_50 = arith.constant 0 : i32
      %dma_start3A_51 = tpu.memref_slice %arg2[%dma_start3A_49, %dma_start3A_50] : memref<10240x128xf32, #tpu.memory_space<hbm>> -> memref<10240x128xf32, #tpu.memory_space<hbm>>
      tpu.enqueue_indirect_dma source(%dma_start3A_51 : memref<10240x128xf32, #tpu.memory_space<hbm>>) target(%arg10 : memref<128x128xf32, #tpu.memory_space<vmem>>) offsets(%dma_start3A_48 : memref<128xi32, #tpu.memory_space<vmem>>) semaphore(%arg13 : memref<!tpu.dma_semaphore, #tpu.memory_space<semaphore_mem>>)
      %dma_wait3A_52 = arith.constant 0 : i32
      %dma_wait3A_53 = tpu.memref_slice %arg7[%mul3A_43, %dma_wait3A_52] : memref<40x128xi32, #tpu.memory_space<vmem>> -> memref<1x128xi32, #tpu.memory_space<vmem>>
      %dma_wait3A_54 = tpu.memref_squeeze %dma_wait3A_53 : memref<1x128xi32, #tpu.memory_space<vmem>> -> memref<128xi32, #tpu.memory_space<vmem>>
      %dma_wait3A_55 = arith.constant 0 : i32
      %dma_wait3A_56 = arith.constant 0 : i32
      %dma_wait3A_57 = tpu.memref_slice %arg2[%dma_wait3A_55, %dma_wait3A_56] : memref<10240x128xf32, #tpu.memory_space<hbm>> -> memref<10240x128xf32, #tpu.memory_space<hbm>>
      tpu.wait_indirect_dma semaphore(%arg12 : memref<!tpu.dma_semaphore, #tpu.memory_space<semaphore_mem>>) src(%dma_wait3A_57 : memref<10240x128xf32, #tpu.memory_space<hbm>>) dst(%arg9 : memref<128x128xf32, #tpu.memory_space<vmem>>)
      "tpu.region"() ({
        %run_scoped3A = tpu.sem_alloc : memref<!tpu.dma_semaphore, #tpu.memory_space<semaphore_mem>>
        %dma_start3A_70 = arith.constant 0 : i32
        %dma_start3A_71 = tpu.memref_slice %arg8[%mul3A_43, %dma_start3A_70] : memref<40x128xi32, #tpu.memory_space<vmem>> -> memref<1x128xi32, #tpu.memory_space<vmem>>
        %dma_start3A_72 = tpu.memref_squeeze %dma_start3A_71 : memref<1x128xi32, #tpu.memory_space<vmem>> -> memref<128xi32, #tpu.memory_space<vmem>>
        %dma_start3A_73 = arith.constant 0 : i32
        %dma_start3A_74 = arith.constant 0 : i32
        %dma_start3A_75 = tpu.memref_slice %arg11[%dma_start3A_73, %dma_start3A_74] : memref<10240x128xf32, #tpu.memory_space<vmem_shared>> -> memref<10240x128xf32, #tpu.memory_space<vmem_shared>>
        tpu.enqueue_indirect_dma source(%arg9 : memref<128x128xf32, #tpu.memory_space<vmem>>) target(%dma_start3A_75 : memref<10240x128xf32, #tpu.memory_space<vmem_shared>>) offsets(%dma_start3A_72 : memref<128xi32, #tpu.memory_space<vmem>>) semaphore(%run_scoped3A : memref<!tpu.dma_semaphore, #tpu.memory_space<semaphore_mem>>) {add = true}
        %dma_wait3A_76 = arith.constant 0 : i32
        %dma_wait3A_77 = tpu.memref_slice %arg8[%mul3A_43, %dma_wait3A_76] : memref<40x128xi32, #tpu.memory_space<vmem>> -> memref<1x128xi32, #tpu.memory_space<vmem>>
        %dma_wait3A_78 = tpu.memref_squeeze %dma_wait3A_77 : memref<1x128xi32, #tpu.memory_space<vmem>> -> memref<128xi32, #tpu.memory_space<vmem>>
        %dma_wait3A_79 = arith.constant 0 : i32
        %dma_wait3A_80 = arith.constant 0 : i32
        %dma_wait3A_81 = tpu.memref_slice %arg11[%dma_wait3A_79, %dma_wait3A_80] : memref<10240x128xf32, #tpu.memory_space<vmem_shared>> -> memref<10240x128xf32, #tpu.memory_space<vmem_shared>>
        tpu.wait_indirect_dma semaphore(%run_scoped3A : memref<!tpu.dma_semaphore, #tpu.memory_space<semaphore_mem>>) src(%arg9 : memref<128x128xf32, #tpu.memory_space<vmem>>) dst(%dma_wait3A_81 : memref<10240x128xf32, #tpu.memory_space<vmem_shared>>)
        tpu.yield
      }) : () -> ()
      %lt3A = arith.constant 19 : i32
      %lt3A_58 = arith.cmpi slt, %scan3A_41, %lt3A : i32
      %convert_element_type3A = arith.extui %lt3A_58 : i1 to i32
      %cond3A = arith.constant 0 : i32
      %cond3A_59 = arith.cmpi ne, %convert_element_type3A, %cond3A : i32
      scf.if %cond3A_59 {
        %add3A_70 = arith.constant 2 : i32
        %add3A_71 = arith.addi %mul3A_43, %add3A_70 : i32
        %dma_start3A_72 = arith.constant 0 : i32
        %dma_start3A_73 = tpu.memref_slice %arg7[%add3A_71, %dma_start3A_72] : memref<40x128xi32, #tpu.memory_space<vmem>> -> memref<1x128xi32, #tpu.memory_space<vmem>>
        %dma_start3A_74 = tpu.memref_squeeze %dma_start3A_73 : memref<1x128xi32, #tpu.memory_space<vmem>> -> memref<128xi32, #tpu.memory_space<vmem>>
        %dma_start3A_75 = arith.constant 0 : i32
        %dma_start3A_76 = arith.constant 0 : i32
        %dma_start3A_77 = tpu.memref_slice %arg2[%dma_start3A_75, %dma_start3A_76] : memref<10240x128xf32, #tpu.memory_space<hbm>> -> memref<10240x128xf32, #tpu.memory_space<hbm>>
        tpu.enqueue_indirect_dma source(%dma_start3A_77 : memref<10240x128xf32, #tpu.memory_space<hbm>>) target(%arg9 : memref<128x128xf32, #tpu.memory_space<vmem>>) offsets(%dma_start3A_74 : memref<128xi32, #tpu.memory_space<vmem>>) semaphore(%arg12 : memref<!tpu.dma_semaphore, #tpu.memory_space<semaphore_mem>>)
      } else {
      }
      %add3A_60 = arith.constant 1 : i32
      %add3A_61 = arith.addi %mul3A_43, %add3A_60 : i32
      %dma_wait3A_62 = arith.constant 0 : i32
      %dma_wait3A_63 = tpu.memref_slice %arg7[%add3A_61, %dma_wait3A_62] : memref<40x128xi32, #tpu.memory_space<vmem>> -> memref<1x128xi32, #tpu.memory_space<vmem>>
      %dma_wait3A_64 = tpu.memref_squeeze %dma_wait3A_63 : memref<1x128xi32, #tpu.memory_space<vmem>> -> memref<128xi32, #tpu.memory_space<vmem>>
      %dma_wait3A_65 = arith.constant 0 : i32
      %dma_wait3A_66 = arith.constant 0 : i32
      %dma_wait3A_67 = tpu.memref_slice %arg2[%dma_wait3A_65, %dma_wait3A_66] : memref<10240x128xf32, #tpu.memory_space<hbm>> -> memref<10240x128xf32, #tpu.memory_space<hbm>>
      tpu.wait_indirect_dma semaphore(%arg13 : memref<!tpu.dma_semaphore, #tpu.memory_space<semaphore_mem>>) src(%dma_wait3A_67 : memref<10240x128xf32, #tpu.memory_space<hbm>>) dst(%arg10 : memref<128x128xf32, #tpu.memory_space<vmem>>)
      %add3A_68 = arith.constant 1 : i32
      %add3A_69 = arith.addi %mul3A_43, %add3A_68 : i32
      "tpu.region"() ({
        %run_scoped3A = tpu.sem_alloc : memref<!tpu.dma_semaphore, #tpu.memory_space<semaphore_mem>>
        %dma_start3A_70 = arith.constant 0 : i32
        %dma_start3A_71 = tpu.memref_slice %arg8[%add3A_69, %dma_start3A_70] : memref<40x128xi32, #tpu.memory_space<vmem>> -> memref<1x128xi32, #tpu.memory_space<vmem>>
        %dma_start3A_72 = tpu.memref_squeeze %dma_start3A_71 : memref<1x128xi32, #tpu.memory_space<vmem>> -> memref<128xi32, #tpu.memory_space<vmem>>
        %dma_start3A_73 = arith.constant 0 : i32
        %dma_start3A_74 = arith.constant 0 : i32
        %dma_start3A_75 = tpu.memref_slice %arg11[%dma_start3A_73, %dma_start3A_74] : memref<10240x128xf32, #tpu.memory_space<vmem_shared>> -> memref<10240x128xf32, #tpu.memory_space<vmem_shared>>
        tpu.enqueue_indirect_dma source(%arg10 : memref<128x128xf32, #tpu.memory_space<vmem>>) target(%dma_start3A_75 : memref<10240x128xf32, #tpu.memory_space<vmem_shared>>) offsets(%dma_start3A_72 : memref<128xi32, #tpu.memory_space<vmem>>) semaphore(%run_scoped3A : memref<!tpu.dma_semaphore, #tpu.memory_space<semaphore_mem>>) {add = true}
        %dma_wait3A_76 = arith.constant 0 : i32
        %dma_wait3A_77 = tpu.memref_slice %arg8[%add3A_69, %dma_wait3A_76] : memref<40x128xi32, #tpu.memory_space<vmem>> -> memref<1x128xi32, #tpu.memory_space<vmem>>
        %dma_wait3A_78 = tpu.memref_squeeze %dma_wait3A_77 : memref<1x128xi32, #tpu.memory_space<vmem>> -> memref<128xi32, #tpu.memory_space<vmem>>
        %dma_wait3A_79 = arith.constant 0 : i32
        %dma_wait3A_80 = arith.constant 0 : i32
        %dma_wait3A_81 = tpu.memref_slice %arg11[%dma_wait3A_79, %dma_wait3A_80] : memref<10240x128xf32, #tpu.memory_space<vmem_shared>> -> memref<10240x128xf32, #tpu.memory_space<vmem_shared>>
        tpu.wait_indirect_dma semaphore(%run_scoped3A : memref<!tpu.dma_semaphore, #tpu.memory_space<semaphore_mem>>) src(%arg10 : memref<128x128xf32, #tpu.memory_space<vmem>>) dst(%dma_wait3A_81 : memref<10240x128xf32, #tpu.memory_space<vmem_shared>>)
        tpu.yield
      }) : () -> ()
    }
    %scan3A_22 = arith.constant 20 : i32
    %add3A_23 = arith.constant 40 : i32
    %add3A_24 = arith.addi %mul3A_4, %add3A_23 : i32
    "tpu.region"() ({
      %run_scoped3A = tpu.sem_alloc : memref<!tpu.dma_semaphore, #tpu.memory_space<semaphore_mem>>
      %dma_start3A_41 = arith.constant 0 : i32
      %dma_start3A_42 = tpu.memref_slice %arg3[%add3A_24, %dma_start3A_41] : memref<2560x128xi32, #tpu.memory_space<hbm>> -> memref<40x128xi32, #tpu.memory_space<hbm>>
      %dma_start3A_43 = arith.constant 0 : i32
      %dma_start3A_44 = tpu.memref_slice %arg3[%add3A_24, %dma_start3A_43] : memref<2560x128xi32, #tpu.memory_space<hbm>> -> memref<40x128xi32, #tpu.memory_space<hbm>>
      tpu.enqueue_dma source(%dma_start3A_44 : memref<40x128xi32, #tpu.memory_space<hbm>>) target(%arg7 : memref<40x128xi32, #tpu.memory_space<vmem>>) target_semaphore(%run_scoped3A : memref<!tpu.dma_semaphore, #tpu.memory_space<semaphore_mem>>)
      %dma_wait3A_45 = arith.constant 0 : i32
      %dma_wait3A_46 = tpu.memref_slice %arg3[%add3A_24, %dma_wait3A_45] : memref<2560x128xi32, #tpu.memory_space<hbm>> -> memref<40x128xi32, #tpu.memory_space<hbm>>
      %dma_wait3A_47 = arith.constant 0 : i32
      %dma_wait3A_48 = tpu.memref_slice %arg3[%add3A_24, %dma_wait3A_47] : memref<2560x128xi32, #tpu.memory_space<hbm>> -> memref<40x128xi32, #tpu.memory_space<hbm>>
      tpu.wait_dma2 semaphore(%run_scoped3A : memref<!tpu.dma_semaphore, #tpu.memory_space<semaphore_mem>>) src(%dma_wait3A_48 : memref<40x128xi32, #tpu.memory_space<hbm>>) dst(%arg7 : memref<40x128xi32, #tpu.memory_space<vmem>>)
      tpu.yield
    }) : () -> ()
    %add3A_25 = arith.constant 40 : i32
    %add3A_26 = arith.addi %mul3A_4, %add3A_25 : i32
    "tpu.region"() ({
      %run_scoped3A = tpu.sem_alloc : memref<!tpu.dma_semaphore, #tpu.memory_space<semaphore_mem>>
      %dma_start3A_41 = arith.constant 0 : i32
      %dma_start3A_42 = tpu.memref_slice %arg4[%add3A_26, %dma_start3A_41] : memref<2560x128xi32, #tpu.memory_space<hbm>> -> memref<40x128xi32, #tpu.memory_space<hbm>>
      %dma_start3A_43 = arith.constant 0 : i32
      %dma_start3A_44 = tpu.memref_slice %arg4[%add3A_26, %dma_start3A_43] : memref<2560x128xi32, #tpu.memory_space<hbm>> -> memref<40x128xi32, #tpu.memory_space<hbm>>
      tpu.enqueue_dma source(%dma_start3A_44 : memref<40x128xi32, #tpu.memory_space<hbm>>) target(%arg8 : memref<40x128xi32, #tpu.memory_space<vmem>>) target_semaphore(%run_scoped3A : memref<!tpu.dma_semaphore, #tpu.memory_space<semaphore_mem>>)
      %dma_wait3A_45 = arith.constant 0 : i32
      %dma_wait3A_46 = tpu.memref_slice %arg4[%add3A_26, %dma_wait3A_45] : memref<2560x128xi32, #tpu.memory_space<hbm>> -> memref<40x128xi32, #tpu.memory_space<hbm>>
      %dma_wait3A_47 = arith.constant 0 : i32
      %dma_wait3A_48 = tpu.memref_slice %arg4[%add3A_26, %dma_wait3A_47] : memref<2560x128xi32, #tpu.memory_space<hbm>> -> memref<40x128xi32, #tpu.memory_space<hbm>>
      tpu.wait_dma2 semaphore(%run_scoped3A : memref<!tpu.dma_semaphore, #tpu.memory_space<semaphore_mem>>) src(%dma_wait3A_48 : memref<40x128xi32, #tpu.memory_space<hbm>>) dst(%arg8 : memref<40x128xi32, #tpu.memory_space<vmem>>)
      tpu.yield
    }) : () -> ()
    %dma_start3A_27 = arith.constant 0 : i32
    %dma_start3A_28 = arith.constant 0 : i32
    %dma_start3A_29 = tpu.memref_slice %arg7[%dma_start3A_27, %dma_start3A_28] : memref<40x128xi32, #tpu.memory_space<vmem>> -> memref<1x128xi32, #tpu.memory_space<vmem>>
    %dma_start3A_30 = tpu.memref_squeeze %dma_start3A_29 : memref<1x128xi32, #tpu.memory_space<vmem>> -> memref<128xi32, #tpu.memory_space<vmem>>
    %dma_start3A_31 = arith.constant 0 : i32
    %dma_start3A_32 = arith.constant 0 : i32
    %dma_start3A_33 = tpu.memref_slice %arg2[%dma_start3A_31, %dma_start3A_32] : memref<10240x128xf32, #tpu.memory_space<hbm>> -> memref<10240x128xf32, #tpu.memory_space<hbm>>
    tpu.enqueue_indirect_dma source(%dma_start3A_33 : memref<10240x128xf32, #tpu.memory_space<hbm>>) target(%arg9 : memref<128x128xf32, #tpu.memory_space<vmem>>) offsets(%dma_start3A_30 : memref<128xi32, #tpu.memory_space<vmem>>) semaphore(%arg12 : memref<!tpu.dma_semaphore, #tpu.memory_space<semaphore_mem>>)
    %scan3A_34 = arith.constant 0 : i32
    %scan3A_35 = arith.constant 0 : i32
    %scan3A_36 = arith.constant 20 : i32
    %scan3A_37 = arith.addi %scan3A_35, %scan3A_36 : i32
    %scan3A_38 = arith.constant 1 : i32
    scf.for %scan3A_41 = %scan3A_35 to %scan3A_37 step %scan3A_38  : i32 {
      %mul3A_42 = arith.constant 2 : i32
      %mul3A_43 = arith.muli %mul3A_42, %scan3A_41 : i32
      %add3A_44 = arith.constant 1 : i32
      %add3A_45 = arith.addi %mul3A_43, %add3A_44 : i32
      %dma_start3A_46 = arith.constant 0 : i32
      %dma_start3A_47 = tpu.memref_slice %arg7[%add3A_45, %dma_start3A_46] : memref<40x128xi32, #tpu.memory_space<vmem>> -> memref<1x128xi32, #tpu.memory_space<vmem>>
      %dma_start3A_48 = tpu.memref_squeeze %dma_start3A_47 : memref<1x128xi32, #tpu.memory_space<vmem>> -> memref<128xi32, #tpu.memory_space<vmem>>
      %dma_start3A_49 = arith.constant 0 : i32
      %dma_start3A_50 = arith.constant 0 : i32
      %dma_start3A_51 = tpu.memref_slice %arg2[%dma_start3A_49, %dma_start3A_50] : memref<10240x128xf32, #tpu.memory_space<hbm>> -> memref<10240x128xf32, #tpu.memory_space<hbm>>
      tpu.enqueue_indirect_dma source(%dma_start3A_51 : memref<10240x128xf32, #tpu.memory_space<hbm>>) target(%arg10 : memref<128x128xf32, #tpu.memory_space<vmem>>) offsets(%dma_start3A_48 : memref<128xi32, #tpu.memory_space<vmem>>) semaphore(%arg13 : memref<!tpu.dma_semaphore, #tpu.memory_space<semaphore_mem>>)
      %dma_wait3A_52 = arith.constant 0 : i32
      %dma_wait3A_53 = tpu.memref_slice %arg7[%mul3A_43, %dma_wait3A_52] : memref<40x128xi32, #tpu.memory_space<vmem>> -> memref<1x128xi32, #tpu.memory_space<vmem>>
      %dma_wait3A_54 = tpu.memref_squeeze %dma_wait3A_53 : memref<1x128xi32, #tpu.memory_space<vmem>> -> memref<128xi32, #tpu.memory_space<vmem>>
      %dma_wait3A_55 = arith.constant 0 : i32
      %dma_wait3A_56 = arith.constant 0 : i32
      %dma_wait3A_57 = tpu.memref_slice %arg2[%dma_wait3A_55, %dma_wait3A_56] : memref<10240x128xf32, #tpu.memory_space<hbm>> -> memref<10240x128xf32, #tpu.memory_space<hbm>>
      tpu.wait_indirect_dma semaphore(%arg12 : memref<!tpu.dma_semaphore, #tpu.memory_space<semaphore_mem>>) src(%dma_wait3A_57 : memref<10240x128xf32, #tpu.memory_space<hbm>>) dst(%arg9 : memref<128x128xf32, #tpu.memory_space<vmem>>)
      "tpu.region"() ({
        %run_scoped3A = tpu.sem_alloc : memref<!tpu.dma_semaphore, #tpu.memory_space<semaphore_mem>>
        %dma_start3A_70 = arith.constant 0 : i32
        %dma_start3A_71 = tpu.memref_slice %arg8[%mul3A_43, %dma_start3A_70] : memref<40x128xi32, #tpu.memory_space<vmem>> -> memref<1x128xi32, #tpu.memory_space<vmem>>
        %dma_start3A_72 = tpu.memref_squeeze %dma_start3A_71 : memref<1x128xi32, #tpu.memory_space<vmem>> -> memref<128xi32, #tpu.memory_space<vmem>>
        %dma_start3A_73 = arith.constant 0 : i32
        %dma_start3A_74 = arith.constant 0 : i32
        %dma_start3A_75 = tpu.memref_slice %arg11[%dma_start3A_73, %dma_start3A_74] : memref<10240x128xf32, #tpu.memory_space<vmem_shared>> -> memref<10240x128xf32, #tpu.memory_space<vmem_shared>>
        tpu.enqueue_indirect_dma source(%arg9 : memref<128x128xf32, #tpu.memory_space<vmem>>) target(%dma_start3A_75 : memref<10240x128xf32, #tpu.memory_space<vmem_shared>>) offsets(%dma_start3A_72 : memref<128xi32, #tpu.memory_space<vmem>>) semaphore(%run_scoped3A : memref<!tpu.dma_semaphore, #tpu.memory_space<semaphore_mem>>) {add = true}
        %dma_wait3A_76 = arith.constant 0 : i32
        %dma_wait3A_77 = tpu.memref_slice %arg8[%mul3A_43, %dma_wait3A_76] : memref<40x128xi32, #tpu.memory_space<vmem>> -> memref<1x128xi32, #tpu.memory_space<vmem>>
        %dma_wait3A_78 = tpu.memref_squeeze %dma_wait3A_77 : memref<1x128xi32, #tpu.memory_space<vmem>> -> memref<128xi32, #tpu.memory_space<vmem>>
        %dma_wait3A_79 = arith.constant 0 : i32
        %dma_wait3A_80 = arith.constant 0 : i32
        %dma_wait3A_81 = tpu.memref_slice %arg11[%dma_wait3A_79, %dma_wait3A_80] : memref<10240x128xf32, #tpu.memory_space<vmem_shared>> -> memref<10240x128xf32, #tpu.memory_space<vmem_shared>>
        tpu.wait_indirect_dma semaphore(%run_scoped3A : memref<!tpu.dma_semaphore, #tpu.memory_space<semaphore_mem>>) src(%arg9 : memref<128x128xf32, #tpu.memory_space<vmem>>) dst(%dma_wait3A_81 : memref<10240x128xf32, #tpu.memory_space<vmem_shared>>)
        tpu.yield
      }) : () -> ()
      %lt3A = arith.constant 19 : i32
      %lt3A_58 = arith.cmpi slt, %scan3A_41, %lt3A : i32
      %convert_element_type3A = arith.extui %lt3A_58 : i1 to i32
      %cond3A = arith.constant 0 : i32
      %cond3A_59 = arith.cmpi ne, %convert_element_type3A, %cond3A : i32
      scf.if %cond3A_59 {
        %add3A_70 = arith.constant 2 : i32
        %add3A_71 = arith.addi %mul3A_43, %add3A_70 : i32
        %dma_start3A_72 = arith.constant 0 : i32
        %dma_start3A_73 = tpu.memref_slice %arg7[%add3A_71, %dma_start3A_72] : memref<40x128xi32, #tpu.memory_space<vmem>> -> memref<1x128xi32, #tpu.memory_space<vmem>>
        %dma_start3A_74 = tpu.memref_squeeze %dma_start3A_73 : memref<1x128xi32, #tpu.memory_space<vmem>> -> memref<128xi32, #tpu.memory_space<vmem>>
        %dma_start3A_75 = arith.constant 0 : i32
        %dma_start3A_76 = arith.constant 0 : i32
        %dma_start3A_77 = tpu.memref_slice %arg2[%dma_start3A_75, %dma_start3A_76] : memref<10240x128xf32, #tpu.memory_space<hbm>> -> memref<10240x128xf32, #tpu.memory_space<hbm>>
        tpu.enqueue_indirect_dma source(%dma_start3A_77 : memref<10240x128xf32, #tpu.memory_space<hbm>>) target(%arg9 : memref<128x128xf32, #tpu.memory_space<vmem>>) offsets(%dma_start3A_74 : memref<128xi32, #tpu.memory_space<vmem>>) semaphore(%arg12 : memref<!tpu.dma_semaphore, #tpu.memory_space<semaphore_mem>>)
      } else {
      }
      %add3A_60 = arith.constant 1 : i32
      %add3A_61 = arith.addi %mul3A_43, %add3A_60 : i32
      %dma_wait3A_62 = arith.constant 0 : i32
      %dma_wait3A_63 = tpu.memref_slice %arg7[%add3A_61, %dma_wait3A_62] : memref<40x128xi32, #tpu.memory_space<vmem>> -> memref<1x128xi32, #tpu.memory_space<vmem>>
      %dma_wait3A_64 = tpu.memref_squeeze %dma_wait3A_63 : memref<1x128xi32, #tpu.memory_space<vmem>> -> memref<128xi32, #tpu.memory_space<vmem>>
      %dma_wait3A_65 = arith.constant 0 : i32
      %dma_wait3A_66 = arith.constant 0 : i32
      %dma_wait3A_67 = tpu.memref_slice %arg2[%dma_wait3A_65, %dma_wait3A_66] : memref<10240x128xf32, #tpu.memory_space<hbm>> -> memref<10240x128xf32, #tpu.memory_space<hbm>>
      tpu.wait_indirect_dma semaphore(%arg13 : memref<!tpu.dma_semaphore, #tpu.memory_space<semaphore_mem>>) src(%dma_wait3A_67 : memref<10240x128xf32, #tpu.memory_space<hbm>>) dst(%arg10 : memref<128x128xf32, #tpu.memory_space<vmem>>)
      %add3A_68 = arith.constant 1 : i32
      %add3A_69 = arith.addi %mul3A_43, %add3A_68 : i32
      "tpu.region"() ({
        %run_scoped3A = tpu.sem_alloc : memref<!tpu.dma_semaphore, #tpu.memory_space<semaphore_mem>>
        %dma_start3A_70 = arith.constant 0 : i32
        %dma_start3A_71 = tpu.memref_slice %arg8[%add3A_69, %dma_start3A_70] : memref<40x128xi32, #tpu.memory_space<vmem>> -> memref<1x128xi32, #tpu.memory_space<vmem>>
        %dma_start3A_72 = tpu.memref_squeeze %dma_start3A_71 : memref<1x128xi32, #tpu.memory_space<vmem>> -> memref<128xi32, #tpu.memory_space<vmem>>
        %dma_start3A_73 = arith.constant 0 : i32
        %dma_start3A_74 = arith.constant 0 : i32
        %dma_start3A_75 = tpu.memref_slice %arg11[%dma_start3A_73, %dma_start3A_74] : memref<10240x128xf32, #tpu.memory_space<vmem_shared>> -> memref<10240x128xf32, #tpu.memory_space<vmem_shared>>
        tpu.enqueue_indirect_dma source(%arg10 : memref<128x128xf32, #tpu.memory_space<vmem>>) target(%dma_start3A_75 : memref<10240x128xf32, #tpu.memory_space<vmem_shared>>) offsets(%dma_start3A_72 : memref<128xi32, #tpu.memory_space<vmem>>) semaphore(%run_scoped3A : memref<!tpu.dma_semaphore, #tpu.memory_space<semaphore_mem>>) {add = true}
        %dma_wait3A_76 = arith.constant 0 : i32
        %dma_wait3A_77 = tpu.memref_slice %arg8[%add3A_69, %dma_wait3A_76] : memref<40x128xi32, #tpu.memory_space<vmem>> -> memref<1x128xi32, #tpu.memory_space<vmem>>
        %dma_wait3A_78 = tpu.memref_squeeze %dma_wait3A_77 : memref<1x128xi32, #tpu.memory_space<vmem>> -> memref<128xi32, #tpu.memory_space<vmem>>
        %dma_wait3A_79 = arith.constant 0 : i32
        %dma_wait3A_80 = arith.constant 0 : i32
        %dma_wait3A_81 = tpu.memref_slice %arg11[%dma_wait3A_79, %dma_wait3A_80] : memref<10240x128xf32, #tpu.memory_space<vmem_shared>> -> memref<10240x128xf32, #tpu.memory_space<vmem_shared>>
        tpu.wait_indirect_dma semaphore(%run_scoped3A : memref<!tpu.dma_semaphore, #tpu.memory_space<semaphore_mem>>) src(%arg10 : memref<128x128xf32, #tpu.memory_space<vmem>>) dst(%dma_wait3A_81 : memref<10240x128xf32, #tpu.memory_space<vmem_shared>>)
        tpu.yield
      }) : () -> ()
    }
    %scan3A_39 = arith.constant 20 : i32
    %barrier3A_40 = arith.constant 0 : index
    tpu.barrier barrier_id(%barrier3A_40)
    "tpu.region"() ({
      %run_scoped3A = tpu.sem_alloc : memref<!tpu.dma_semaphore, #tpu.memory_space<semaphore_mem>>
      %dma_start3A_41 = arith.constant 0 : i32
      %dma_start3A_42 = tpu.memref_slice %arg6[%arg0, %mul3A_0, %dma_start3A_41] : memref<2x10240x128xf32, #tpu.memory_space<hbm>> -> memref<1x640x128xf32, #tpu.memory_space<hbm>>
      %dma_start3A_43 = tpu.memref_squeeze %dma_start3A_42 : memref<1x640x128xf32, #tpu.memory_space<hbm>> -> memref<640x128xf32, #tpu.memory_space<hbm>>
      %dma_start3A_44 = arith.constant 0 : i32
      %dma_start3A_45 = tpu.memref_slice %arg11[%mul3A_0, %dma_start3A_44] : memref<10240x128xf32, #tpu.memory_space<vmem_shared>> -> memref<640x128xf32, #tpu.memory_space<vmem_shared>>
      tpu.enqueue_dma source(%dma_start3A_45 : memref<640x128xf32, #tpu.memory_space<vmem_shared>>) target(%dma_start3A_43 : memref<640x128xf32, #tpu.memory_space<hbm>>) target_semaphore(%run_scoped3A : memref<!tpu.dma_semaphore, #tpu.memory_space<semaphore_mem>>)
      %dma_wait3A_46 = arith.constant 0 : i32
      %dma_wait3A_47 = tpu.memref_slice %arg6[%arg0, %mul3A_0, %dma_wait3A_46] : memref<2x10240x128xf32, #tpu.memory_space<hbm>> -> memref<1x640x128xf32, #tpu.memory_space<hbm>>
      %dma_wait3A_48 = tpu.memref_squeeze %dma_wait3A_47 : memref<1x640x128xf32, #tpu.memory_space<hbm>> -> memref<640x128xf32, #tpu.memory_space<hbm>>
      %dma_wait3A_49 = arith.constant 0 : i32
      %dma_wait3A_50 = tpu.memref_slice %arg11[%mul3A_0, %dma_wait3A_49] : memref<10240x128xf32, #tpu.memory_space<vmem_shared>> -> memref<640x128xf32, #tpu.memory_space<vmem_shared>>
      tpu.wait_dma2 semaphore(%run_scoped3A : memref<!tpu.dma_semaphore, #tpu.memory_space<semaphore_mem>>) src(%dma_wait3A_50 : memref<640x128xf32, #tpu.memory_space<vmem_shared>>) dst(%dma_wait3A_48 : memref<640x128xf32, #tpu.memory_space<hbm>>)
      tpu.yield
    }) : () -> ()
    return
  }
}

#map = affine_map<(d0, d1) -> (0, 0)>
#map1 = affine_map<(d0, d1) -> (0, 0, 0)>
module attributes {stable_mosaic.version = 14 : i64} {
  func.func @body(%arg0: i32, %arg1: i32, %arg2: memref<10240x128xf32, #tpu.memory_space<hbm>>, %arg3: memref<2560x128xi32, #tpu.memory_space<hbm>>, %arg4: memref<2560x128xi32, #tpu.memory_space<hbm>>, %arg5: memref<640x128xf32, #tpu.memory_space<hbm>>, %arg6: memref<2x10240x128xf32, #tpu.memory_space<hbm>>, %arg7: memref<40x128xi32, #tpu.memory_space<vmem>>, %arg8: memref<40x128xi32, #tpu.memory_space<vmem>>, %arg9: memref<128x128xf32, #tpu.memory_space<vmem>>, %arg10: memref<128x128xf32, #tpu.memory_space<vmem>>, %arg11: memref<10240x128xf32, #tpu.memory_space<vmem_shared>>, %arg12: memref<!tpu.dma_semaphore, #tpu.memory_space<semaphore_mem>>, %arg13: memref<!tpu.dma_semaphore, #tpu.memory_space<semaphore_mem>>, %arg14: memref<!tpu.dma_semaphore, #tpu.memory_space<semaphore_mem>>) attributes {dimension_semantics = [#tpu.dimension_semantics<core_parallel>, #tpu.dimension_semantics<subcore_parallel>], iteration_bounds = array<i64: 2, 16>, scalar_prefetch = 0 : i64, scratch_operands = 8 : i64, tpu.core_type = #tpu.core_type<sc_vector_subcore>, window_params = [{transform_indices = #map}, {transform_indices = #map}, {transform_indices = #map}, {transform_indices = #map}, {transform_indices = #map1}]} {
    %mul3A = arith.constant 640 : i32
    %mul3A_0 = arith.muli %arg1, %mul3A : i32
    %mul3A_1 = arith.constant 16 : i32
    %mul3A_2 = arith.muli %arg0, %mul3A_1 : i32
    %add3A = arith.addi %mul3A_2, %arg1 : i32
    %mul3A_3 = arith.constant 80 : i32
    %mul3A_4 = arith.muli %add3A, %mul3A_3 : i32
    %dma_start3A = arith.constant 0 : i32
    %dma_start3A_5 = tpu.memref_slice %arg11[%mul3A_0, %dma_start3A] : memref<10240x128xf32, #tpu.memory_space<vmem_shared>> -> memref<640x128xf32, #tpu.memory_space<vmem_shared>>
    tpu.enqueue_dma source(%arg5 : memref<640x128xf32, #tpu.memory_space<hbm>>) target(%dma_start3A_5 : memref<640x128xf32, #tpu.memory_space<vmem_shared>>) target_semaphore(%arg14 : memref<!tpu.dma_semaphore, #tpu.memory_space<semaphore_mem>>)
    %add3A_6 = arith.constant 0 : i32
    %add3A_7 = arith.addi %mul3A_4, %add3A_6 : i32
    "tpu.region"() ({
      %run_scoped3A = tpu.sem_alloc : memref<!tpu.dma_semaphore, #tpu.memory_space<semaphore_mem>>
      %dma_start3A_41 = arith.constant 0 : i32
      %dma_start3A_42 = tpu.memref_slice %arg3[%add3A_7, %dma_start3A_41] : memref<2560x128xi32, #tpu.memory_space<hbm>> -> memref<40x128xi32, #tpu.memory_space<hbm>>
      %dma_start3A_43 = arith.constant 0 : i32
      %dma_start3A_44 = tpu.memref_slice %arg3[%add3A_7, %dma_start3A_43] : memref<2560x128xi32, #tpu.memory_space<hbm>> -> memref<40x128xi32, #tpu.memory_space<hbm>>
      tpu.enqueue_dma source(%dma_start3A_44 : memref<40x128xi32, #tpu.memory_space<hbm>>) target(%arg7 : memref<40x128xi32, #tpu.memory_space<vmem>>) target_semaphore(%run_scoped3A : memref<!tpu.dma_semaphore, #tpu.memory_space<semaphore_mem>>)
      %dma_wait3A_45 = arith.constant 0 : i32
      %dma_wait3A_46 = tpu.memref_slice %arg3[%add3A_7, %dma_wait3A_45] : memref<2560x128xi32, #tpu.memory_space<hbm>> -> memref<40x128xi32, #tpu.memory_space<hbm>>
      %dma_wait3A_47 = arith.constant 0 : i32
      %dma_wait3A_48 = tpu.memref_slice %arg3[%add3A_7, %dma_wait3A_47] : memref<2560x128xi32, #tpu.memory_space<hbm>> -> memref<40x128xi32, #tpu.memory_space<hbm>>
      tpu.wait_dma2 semaphore(%run_scoped3A : memref<!tpu.dma_semaphore, #tpu.memory_space<semaphore_mem>>) src(%dma_wait3A_48 : memref<40x128xi32, #tpu.memory_space<hbm>>) dst(%arg7 : memref<40x128xi32, #tpu.memory_space<vmem>>)
      tpu.yield
    }) : () -> ()
    %add3A_8 = arith.constant 0 : i32
    %add3A_9 = arith.addi %mul3A_4, %add3A_8 : i32
    "tpu.region"() ({
      %run_scoped3A = tpu.sem_alloc : memref<!tpu.dma_semaphore, #tpu.memory_space<semaphore_mem>>
      %dma_start3A_41 = arith.constant 0 : i32
      %dma_start3A_42 = tpu.memref_slice %arg4[%add3A_9, %dma_start3A_41] : memref<2560x128xi32, #tpu.memory_space<hbm>> -> memref<40x128xi32, #tpu.memory_space<hbm>>
      %dma_start3A_43 = arith.constant 0 : i32
      %dma_start3A_44 = tpu.memref_slice %arg4[%add3A_9, %dma_start3A_43] : memref<2560x128xi32, #tpu.memory_space<hbm>> -> memref<40x128xi32, #tpu.memory_space<hbm>>
      tpu.enqueue_dma source(%dma_start3A_44 : memref<40x128xi32, #tpu.memory_space<hbm>>) target(%arg8 : memref<40x128xi32, #tpu.memory_space<vmem>>) target_semaphore(%run_scoped3A : memref<!tpu.dma_semaphore, #tpu.memory_space<semaphore_mem>>)
      %dma_wait3A_45 = arith.constant 0 : i32
      %dma_wait3A_46 = tpu.memref_slice %arg4[%add3A_9, %dma_wait3A_45] : memref<2560x128xi32, #tpu.memory_space<hbm>> -> memref<40x128xi32, #tpu.memory_space<hbm>>
      %dma_wait3A_47 = arith.constant 0 : i32
      %dma_wait3A_48 = tpu.memref_slice %arg4[%add3A_9, %dma_wait3A_47] : memref<2560x128xi32, #tpu.memory_space<hbm>> -> memref<40x128xi32, #tpu.memory_space<hbm>>
      tpu.wait_dma2 semaphore(%run_scoped3A : memref<!tpu.dma_semaphore, #tpu.memory_space<semaphore_mem>>) src(%dma_wait3A_48 : memref<40x128xi32, #tpu.memory_space<hbm>>) dst(%arg8 : memref<40x128xi32, #tpu.memory_space<vmem>>)
      tpu.yield
    }) : () -> ()
    %dma_start3A_10 = arith.constant 0 : i32
    %dma_start3A_11 = arith.constant 0 : i32
    %dma_start3A_12 = tpu.memref_slice %arg7[%dma_start3A_10, %dma_start3A_11] : memref<40x128xi32, #tpu.memory_space<vmem>> -> memref<1x128xi32, #tpu.memory_space<vmem>>
    %dma_start3A_13 = tpu.memref_squeeze %dma_start3A_12 : memref<1x128xi32, #tpu.memory_space<vmem>> -> memref<128xi32, #tpu.memory_space<vmem>>
    %dma_start3A_14 = arith.constant 0 : i32
    %dma_start3A_15 = arith.constant 0 : i32
    %dma_start3A_16 = tpu.memref_slice %arg2[%dma_start3A_14, %dma_start3A_15] : memref<10240x128xf32, #tpu.memory_space<hbm>> -> memref<10240x128xf32, #tpu.memory_space<hbm>>
    tpu.enqueue_indirect_dma source(%dma_start3A_16 : memref<10240x128xf32, #tpu.memory_space<hbm>>) target(%arg9 : memref<128x128xf32, #tpu.memory_space<vmem>>) offsets(%dma_start3A_13 : memref<128xi32, #tpu.memory_space<vmem>>) semaphore(%arg12 : memref<!tpu.dma_semaphore, #tpu.memory_space<semaphore_mem>>)
    %dma_wait3A = arith.constant 0 : i32
    %dma_wait3A_17 = tpu.memref_slice %arg11[%mul3A_0, %dma_wait3A] : memref<10240x128xf32, #tpu.memory_space<vmem_shared>> -> memref<640x128xf32, #tpu.memory_space<vmem_shared>>
    tpu.wait_dma2 semaphore(%arg14 : memref<!tpu.dma_semaphore, #tpu.memory_space<semaphore_mem>>) src(%arg5 : memref<640x128xf32, #tpu.memory_space<hbm>>) dst(%dma_wait3A_17 : memref<640x128xf32, #tpu.memory_space<vmem_shared>>)
    %barrier3A = arith.constant 0 : index
    tpu.barrier barrier_id(%barrier3A)
    %scan3A = arith.constant 0 : i32
    %scan3A_18 = arith.constant 0 : i32
    %scan3A_19 = arith.constant 20 : i32
    %scan3A_20 = arith.addi %scan3A_18, %scan3A_19 : i32
    %scan3A_21 = arith.constant 1 : i32
    scf.for %scan3A_41 = %scan3A_18 to %scan3A_20 step %scan3A_21  : i32 {
      %mul3A_42 = arith.constant 2 : i32
      %mul3A_43 = arith.muli %mul3A_42, %scan3A_41 : i32
      %add3A_44 = arith.constant 1 : i32
      %add3A_45 = arith.addi %mul3A_43, %add3A_44 : i32
      %dma_start3A_46 = arith.constant 0 : i32
      %dma_start3A_47 = tpu.memref_slice %arg7[%add3A_45, %dma_start3A_46] : memref<40x128xi32, #tpu.memory_space<vmem>> -> memref<1x128xi32, #tpu.memory_space<vmem>>
      %dma_start3A_48 = tpu.memref_squeeze %dma_start3A_47 : memref<1x128xi32, #tpu.memory_space<vmem>> -> memref<128xi32, #tpu.memory_space<vmem>>
      %dma_start3A_49 = arith.constant 0 : i32
      %dma_start3A_50 = arith.constant 0 : i32
      %dma_start3A_51 = tpu.memref_slice %arg2[%dma_start3A_49, %dma_start3A_50] : memref<10240x128xf32, #tpu.memory_space<hbm>> -> memref<10240x128xf32, #tpu.memory_space<hbm>>
      tpu.enqueue_indirect_dma source(%dma_start3A_51 : memref<10240x128xf32, #tpu.memory_space<hbm>>) target(%arg10 : memref<128x128xf32, #tpu.memory_space<vmem>>) offsets(%dma_start3A_48 : memref<128xi32, #tpu.memory_space<vmem>>) semaphore(%arg13 : memref<!tpu.dma_semaphore, #tpu.memory_space<semaphore_mem>>)
      %dma_wait3A_52 = arith.constant 0 : i32
      %dma_wait3A_53 = tpu.memref_slice %arg7[%mul3A_43, %dma_wait3A_52] : memref<40x128xi32, #tpu.memory_space<vmem>> -> memref<1x128xi32, #tpu.memory_space<vmem>>
      %dma_wait3A_54 = tpu.memref_squeeze %dma_wait3A_53 : memref<1x128xi32, #tpu.memory_space<vmem>> -> memref<128xi32, #tpu.memory_space<vmem>>
      %dma_wait3A_55 = arith.constant 0 : i32
      %dma_wait3A_56 = arith.constant 0 : i32
      %dma_wait3A_57 = tpu.memref_slice %arg2[%dma_wait3A_55, %dma_wait3A_56] : memref<10240x128xf32, #tpu.memory_space<hbm>> -> memref<10240x128xf32, #tpu.memory_space<hbm>>
      tpu.wait_indirect_dma semaphore(%arg12 : memref<!tpu.dma_semaphore, #tpu.memory_space<semaphore_mem>>) src(%dma_wait3A_57 : memref<10240x128xf32, #tpu.memory_space<hbm>>) dst(%arg9 : memref<128x128xf32, #tpu.memory_space<vmem>>)
      "tpu.region"() ({
        %run_scoped3A = tpu.sem_alloc : memref<!tpu.dma_semaphore, #tpu.memory_space<semaphore_mem>>
        %dma_start3A_70 = arith.constant 0 : i32
        %dma_start3A_71 = tpu.memref_slice %arg8[%mul3A_43, %dma_start3A_70] : memref<40x128xi32, #tpu.memory_space<vmem>> -> memref<1x128xi32, #tpu.memory_space<vmem>>
        %dma_start3A_72 = tpu.memref_squeeze %dma_start3A_71 : memref<1x128xi32, #tpu.memory_space<vmem>> -> memref<128xi32, #tpu.memory_space<vmem>>
        %dma_start3A_73 = arith.constant 0 : i32
        %dma_start3A_74 = arith.constant 0 : i32
        %dma_start3A_75 = tpu.memref_slice %arg11[%dma_start3A_73, %dma_start3A_74] : memref<10240x128xf32, #tpu.memory_space<vmem_shared>> -> memref<10240x128xf32, #tpu.memory_space<vmem_shared>>
        tpu.enqueue_indirect_dma source(%arg9 : memref<128x128xf32, #tpu.memory_space<vmem>>) target(%dma_start3A_75 : memref<10240x128xf32, #tpu.memory_space<vmem_shared>>) offsets(%dma_start3A_72 : memref<128xi32, #tpu.memory_space<vmem>>) semaphore(%run_scoped3A : memref<!tpu.dma_semaphore, #tpu.memory_space<semaphore_mem>>) {add = true}
        %dma_wait3A_76 = arith.constant 0 : i32
        %dma_wait3A_77 = tpu.memref_slice %arg8[%mul3A_43, %dma_wait3A_76] : memref<40x128xi32, #tpu.memory_space<vmem>> -> memref<1x128xi32, #tpu.memory_space<vmem>>
        %dma_wait3A_78 = tpu.memref_squeeze %dma_wait3A_77 : memref<1x128xi32, #tpu.memory_space<vmem>> -> memref<128xi32, #tpu.memory_space<vmem>>
        %dma_wait3A_79 = arith.constant 0 : i32
        %dma_wait3A_80 = arith.constant 0 : i32
        %dma_wait3A_81 = tpu.memref_slice %arg11[%dma_wait3A_79, %dma_wait3A_80] : memref<10240x128xf32, #tpu.memory_space<vmem_shared>> -> memref<10240x128xf32, #tpu.memory_space<vmem_shared>>
        tpu.wait_indirect_dma semaphore(%run_scoped3A : memref<!tpu.dma_semaphore, #tpu.memory_space<semaphore_mem>>) src(%arg9 : memref<128x128xf32, #tpu.memory_space<vmem>>) dst(%dma_wait3A_81 : memref<10240x128xf32, #tpu.memory_space<vmem_shared>>)
        tpu.yield
      }) : () -> ()
      %lt3A = arith.constant 19 : i32
      %lt3A_58 = arith.cmpi slt, %scan3A_41, %lt3A : i32
      %convert_element_type3A = arith.extui %lt3A_58 : i1 to i32
      %cond3A = arith.constant 0 : i32
      %cond3A_59 = arith.cmpi ne, %convert_element_type3A, %cond3A : i32
      scf.if %cond3A_59 {
        %add3A_70 = arith.constant 2 : i32
        %add3A_71 = arith.addi %mul3A_43, %add3A_70 : i32
        %dma_start3A_72 = arith.constant 0 : i32
        %dma_start3A_73 = tpu.memref_slice %arg7[%add3A_71, %dma_start3A_72] : memref<40x128xi32, #tpu.memory_space<vmem>> -> memref<1x128xi32, #tpu.memory_space<vmem>>
        %dma_start3A_74 = tpu.memref_squeeze %dma_start3A_73 : memref<1x128xi32, #tpu.memory_space<vmem>> -> memref<128xi32, #tpu.memory_space<vmem>>
        %dma_start3A_75 = arith.constant 0 : i32
        %dma_start3A_76 = arith.constant 0 : i32
        %dma_start3A_77 = tpu.memref_slice %arg2[%dma_start3A_75, %dma_start3A_76] : memref<10240x128xf32, #tpu.memory_space<hbm>> -> memref<10240x128xf32, #tpu.memory_space<hbm>>
        tpu.enqueue_indirect_dma source(%dma_start3A_77 : memref<10240x128xf32, #tpu.memory_space<hbm>>) target(%arg9 : memref<128x128xf32, #tpu.memory_space<vmem>>) offsets(%dma_start3A_74 : memref<128xi32, #tpu.memory_space<vmem>>) semaphore(%arg12 : memref<!tpu.dma_semaphore, #tpu.memory_space<semaphore_mem>>)
      } else {
      }
      %add3A_60 = arith.constant 1 : i32
      %add3A_61 = arith.addi %mul3A_43, %add3A_60 : i32
      %dma_wait3A_62 = arith.constant 0 : i32
      %dma_wait3A_63 = tpu.memref_slice %arg7[%add3A_61, %dma_wait3A_62] : memref<40x128xi32, #tpu.memory_space<vmem>> -> memref<1x128xi32, #tpu.memory_space<vmem>>
      %dma_wait3A_64 = tpu.memref_squeeze %dma_wait3A_63 : memref<1x128xi32, #tpu.memory_space<vmem>> -> memref<128xi32, #tpu.memory_space<vmem>>
      %dma_wait3A_65 = arith.constant 0 : i32
      %dma_wait3A_66 = arith.constant 0 : i32
      %dma_wait3A_67 = tpu.memref_slice %arg2[%dma_wait3A_65, %dma_wait3A_66] : memref<10240x128xf32, #tpu.memory_space<hbm>> -> memref<10240x128xf32, #tpu.memory_space<hbm>>
      tpu.wait_indirect_dma semaphore(%arg13 : memref<!tpu.dma_semaphore, #tpu.memory_space<semaphore_mem>>) src(%dma_wait3A_67 : memref<10240x128xf32, #tpu.memory_space<hbm>>) dst(%arg10 : memref<128x128xf32, #tpu.memory_space<vmem>>)
      %add3A_68 = arith.constant 1 : i32
      %add3A_69 = arith.addi %mul3A_43, %add3A_68 : i32
      "tpu.region"() ({
        %run_scoped3A = tpu.sem_alloc : memref<!tpu.dma_semaphore, #tpu.memory_space<semaphore_mem>>
        %dma_start3A_70 = arith.constant 0 : i32
        %dma_start3A_71 = tpu.memref_slice %arg8[%add3A_69, %dma_start3A_70] : memref<40x128xi32, #tpu.memory_space<vmem>> -> memref<1x128xi32, #tpu.memory_space<vmem>>
        %dma_start3A_72 = tpu.memref_squeeze %dma_start3A_71 : memref<1x128xi32, #tpu.memory_space<vmem>> -> memref<128xi32, #tpu.memory_space<vmem>>
        %dma_start3A_73 = arith.constant 0 : i32
        %dma_start3A_74 = arith.constant 0 : i32
        %dma_start3A_75 = tpu.memref_slice %arg11[%dma_start3A_73, %dma_start3A_74] : memref<10240x128xf32, #tpu.memory_space<vmem_shared>> -> memref<10240x128xf32, #tpu.memory_space<vmem_shared>>
        tpu.enqueue_indirect_dma source(%arg10 : memref<128x128xf32, #tpu.memory_space<vmem>>) target(%dma_start3A_75 : memref<10240x128xf32, #tpu.memory_space<vmem_shared>>) offsets(%dma_start3A_72 : memref<128xi32, #tpu.memory_space<vmem>>) semaphore(%run_scoped3A : memref<!tpu.dma_semaphore, #tpu.memory_space<semaphore_mem>>) {add = true}
        %dma_wait3A_76 = arith.constant 0 : i32
        %dma_wait3A_77 = tpu.memref_slice %arg8[%add3A_69, %dma_wait3A_76] : memref<40x128xi32, #tpu.memory_space<vmem>> -> memref<1x128xi32, #tpu.memory_space<vmem>>
        %dma_wait3A_78 = tpu.memref_squeeze %dma_wait3A_77 : memref<1x128xi32, #tpu.memory_space<vmem>> -> memref<128xi32, #tpu.memory_space<vmem>>
        %dma_wait3A_79 = arith.constant 0 : i32
        %dma_wait3A_80 = arith.constant 0 : i32
        %dma_wait3A_81 = tpu.memref_slice %arg11[%dma_wait3A_79, %dma_wait3A_80] : memref<10240x128xf32, #tpu.memory_space<vmem_shared>> -> memref<10240x128xf32, #tpu.memory_space<vmem_shared>>
        tpu.wait_indirect_dma semaphore(%run_scoped3A : memref<!tpu.dma_semaphore, #tpu.memory_space<semaphore_mem>>) src(%arg10 : memref<128x128xf32, #tpu.memory_space<vmem>>) dst(%dma_wait3A_81 : memref<10240x128xf32, #tpu.memory_space<vmem_shared>>)
        tpu.yield
      }) : () -> ()
    }
    %scan3A_22 = arith.constant 20 : i32
    %add3A_23 = arith.constant 40 : i32
    %add3A_24 = arith.addi %mul3A_4, %add3A_23 : i32
    "tpu.region"() ({
      %run_scoped3A = tpu.sem_alloc : memref<!tpu.dma_semaphore, #tpu.memory_space<semaphore_mem>>
      %dma_start3A_41 = arith.constant 0 : i32
      %dma_start3A_42 = tpu.memref_slice %arg3[%add3A_24, %dma_start3A_41] : memref<2560x128xi32, #tpu.memory_space<hbm>> -> memref<40x128xi32, #tpu.memory_space<hbm>>
      %dma_start3A_43 = arith.constant 0 : i32
      %dma_start3A_44 = tpu.memref_slice %arg3[%add3A_24, %dma_start3A_43] : memref<2560x128xi32, #tpu.memory_space<hbm>> -> memref<40x128xi32, #tpu.memory_space<hbm>>
      tpu.enqueue_dma source(%dma_start3A_44 : memref<40x128xi32, #tpu.memory_space<hbm>>) target(%arg7 : memref<40x128xi32, #tpu.memory_space<vmem>>) target_semaphore(%run_scoped3A : memref<!tpu.dma_semaphore, #tpu.memory_space<semaphore_mem>>)
      %dma_wait3A_45 = arith.constant 0 : i32
      %dma_wait3A_46 = tpu.memref_slice %arg3[%add3A_24, %dma_wait3A_45] : memref<2560x128xi32, #tpu.memory_space<hbm>> -> memref<40x128xi32, #tpu.memory_space<hbm>>
      %dma_wait3A_47 = arith.constant 0 : i32
      %dma_wait3A_48 = tpu.memref_slice %arg3[%add3A_24, %dma_wait3A_47] : memref<2560x128xi32, #tpu.memory_space<hbm>> -> memref<40x128xi32, #tpu.memory_space<hbm>>
      tpu.wait_dma2 semaphore(%run_scoped3A : memref<!tpu.dma_semaphore, #tpu.memory_space<semaphore_mem>>) src(%dma_wait3A_48 : memref<40x128xi32, #tpu.memory_space<hbm>>) dst(%arg7 : memref<40x128xi32, #tpu.memory_space<vmem>>)
      tpu.yield
    }) : () -> ()
    %add3A_25 = arith.constant 40 : i32
    %add3A_26 = arith.addi %mul3A_4, %add3A_25 : i32
    "tpu.region"() ({
      %run_scoped3A = tpu.sem_alloc : memref<!tpu.dma_semaphore, #tpu.memory_space<semaphore_mem>>
      %dma_start3A_41 = arith.constant 0 : i32
      %dma_start3A_42 = tpu.memref_slice %arg4[%add3A_26, %dma_start3A_41] : memref<2560x128xi32, #tpu.memory_space<hbm>> -> memref<40x128xi32, #tpu.memory_space<hbm>>
      %dma_start3A_43 = arith.constant 0 : i32
      %dma_start3A_44 = tpu.memref_slice %arg4[%add3A_26, %dma_start3A_43] : memref<2560x128xi32, #tpu.memory_space<hbm>> -> memref<40x128xi32, #tpu.memory_space<hbm>>
      tpu.enqueue_dma source(%dma_start3A_44 : memref<40x128xi32, #tpu.memory_space<hbm>>) target(%arg8 : memref<40x128xi32, #tpu.memory_space<vmem>>) target_semaphore(%run_scoped3A : memref<!tpu.dma_semaphore, #tpu.memory_space<semaphore_mem>>)
      %dma_wait3A_45 = arith.constant 0 : i32
      %dma_wait3A_46 = tpu.memref_slice %arg4[%add3A_26, %dma_wait3A_45] : memref<2560x128xi32, #tpu.memory_space<hbm>> -> memref<40x128xi32, #tpu.memory_space<hbm>>
      %dma_wait3A_47 = arith.constant 0 : i32
      %dma_wait3A_48 = tpu.memref_slice %arg4[%add3A_26, %dma_wait3A_47] : memref<2560x128xi32, #tpu.memory_space<hbm>> -> memref<40x128xi32, #tpu.memory_space<hbm>>
      tpu.wait_dma2 semaphore(%run_scoped3A : memref<!tpu.dma_semaphore, #tpu.memory_space<semaphore_mem>>) src(%dma_wait3A_48 : memref<40x128xi32, #tpu.memory_space<hbm>>) dst(%arg8 : memref<40x128xi32, #tpu.memory_space<vmem>>)
      tpu.yield
    }) : () -> ()
    %dma_start3A_27 = arith.constant 0 : i32
    %dma_start3A_28 = arith.constant 0 : i32
    %dma_start3A_29 = tpu.memref_slice %arg7[%dma_start3A_27, %dma_start3A_28] : memref<40x128xi32, #tpu.memory_space<vmem>> -> memref<1x128xi32, #tpu.memory_space<vmem>>
    %dma_start3A_30 = tpu.memref_squeeze %dma_start3A_29 : memref<1x128xi32, #tpu.memory_space<vmem>> -> memref<128xi32, #tpu.memory_space<vmem>>
    %dma_start3A_31 = arith.constant 0 : i32
    %dma_start3A_32 = arith.constant 0 : i32
    %dma_start3A_33 = tpu.memref_slice %arg2[%dma_start3A_31, %dma_start3A_32] : memref<10240x128xf32, #tpu.memory_space<hbm>> -> memref<10240x128xf32, #tpu.memory_space<hbm>>
    tpu.enqueue_indirect_dma source(%dma_start3A_33 : memref<10240x128xf32, #tpu.memory_space<hbm>>) target(%arg9 : memref<128x128xf32, #tpu.memory_space<vmem>>) offsets(%dma_start3A_30 : memref<128xi32, #tpu.memory_space<vmem>>) semaphore(%arg12 : memref<!tpu.dma_semaphore, #tpu.memory_space<semaphore_mem>>)
    %scan3A_34 = arith.constant 0 : i32
    %scan3A_35 = arith.constant 0 : i32
    %scan3A_36 = arith.constant 20 : i32
    %scan3A_37 = arith.addi %scan3A_35, %scan3A_36 : i32
    %scan3A_38 = arith.constant 1 : i32
    scf.for %scan3A_41 = %scan3A_35 to %scan3A_37 step %scan3A_38  : i32 {
      %mul3A_42 = arith.constant 2 : i32
      %mul3A_43 = arith.muli %mul3A_42, %scan3A_41 : i32
      %add3A_44 = arith.constant 1 : i32
      %add3A_45 = arith.addi %mul3A_43, %add3A_44 : i32
      %dma_start3A_46 = arith.constant 0 : i32
      %dma_start3A_47 = tpu.memref_slice %arg7[%add3A_45, %dma_start3A_46] : memref<40x128xi32, #tpu.memory_space<vmem>> -> memref<1x128xi32, #tpu.memory_space<vmem>>
      %dma_start3A_48 = tpu.memref_squeeze %dma_start3A_47 : memref<1x128xi32, #tpu.memory_space<vmem>> -> memref<128xi32, #tpu.memory_space<vmem>>
      %dma_start3A_49 = arith.constant 0 : i32
      %dma_start3A_50 = arith.constant 0 : i32
      %dma_start3A_51 = tpu.memref_slice %arg2[%dma_start3A_49, %dma_start3A_50] : memref<10240x128xf32, #tpu.memory_space<hbm>> -> memref<10240x128xf32, #tpu.memory_space<hbm>>
      tpu.enqueue_indirect_dma source(%dma_start3A_51 : memref<10240x128xf32, #tpu.memory_space<hbm>>) target(%arg10 : memref<128x128xf32, #tpu.memory_space<vmem>>) offsets(%dma_start3A_48 : memref<128xi32, #tpu.memory_space<vmem>>) semaphore(%arg13 : memref<!tpu.dma_semaphore, #tpu.memory_space<semaphore_mem>>)
      %dma_wait3A_52 = arith.constant 0 : i32
      %dma_wait3A_53 = tpu.memref_slice %arg7[%mul3A_43, %dma_wait3A_52] : memref<40x128xi32, #tpu.memory_space<vmem>> -> memref<1x128xi32, #tpu.memory_space<vmem>>
      %dma_wait3A_54 = tpu.memref_squeeze %dma_wait3A_53 : memref<1x128xi32, #tpu.memory_space<vmem>> -> memref<128xi32, #tpu.memory_space<vmem>>
      %dma_wait3A_55 = arith.constant 0 : i32
      %dma_wait3A_56 = arith.constant 0 : i32
      %dma_wait3A_57 = tpu.memref_slice %arg2[%dma_wait3A_55, %dma_wait3A_56] : memref<10240x128xf32, #tpu.memory_space<hbm>> -> memref<10240x128xf32, #tpu.memory_space<hbm>>
      tpu.wait_indirect_dma semaphore(%arg12 : memref<!tpu.dma_semaphore, #tpu.memory_space<semaphore_mem>>) src(%dma_wait3A_57 : memref<10240x128xf32, #tpu.memory_space<hbm>>) dst(%arg9 : memref<128x128xf32, #tpu.memory_space<vmem>>)
      "tpu.region"() ({
        %run_scoped3A = tpu.sem_alloc : memref<!tpu.dma_semaphore, #tpu.memory_space<semaphore_mem>>
        %dma_start3A_70 = arith.constant 0 : i32
        %dma_start3A_71 = tpu.memref_slice %arg8[%mul3A_43, %dma_start3A_70] : memref<40x128xi32, #tpu.memory_space<vmem>> -> memref<1x128xi32, #tpu.memory_space<vmem>>
        %dma_start3A_72 = tpu.memref_squeeze %dma_start3A_71 : memref<1x128xi32, #tpu.memory_space<vmem>> -> memref<128xi32, #tpu.memory_space<vmem>>
        %dma_start3A_73 = arith.constant 0 : i32
        %dma_start3A_74 = arith.constant 0 : i32
        %dma_start3A_75 = tpu.memref_slice %arg11[%dma_start3A_73, %dma_start3A_74] : memref<10240x128xf32, #tpu.memory_space<vmem_shared>> -> memref<10240x128xf32, #tpu.memory_space<vmem_shared>>
        tpu.enqueue_indirect_dma source(%arg9 : memref<128x128xf32, #tpu.memory_space<vmem>>) target(%dma_start3A_75 : memref<10240x128xf32, #tpu.memory_space<vmem_shared>>) offsets(%dma_start3A_72 : memref<128xi32, #tpu.memory_space<vmem>>) semaphore(%run_scoped3A : memref<!tpu.dma_semaphore, #tpu.memory_space<semaphore_mem>>) {add = true}
        %dma_wait3A_76 = arith.constant 0 : i32
        %dma_wait3A_77 = tpu.memref_slice %arg8[%mul3A_43, %dma_wait3A_76] : memref<40x128xi32, #tpu.memory_space<vmem>> -> memref<1x128xi32, #tpu.memory_space<vmem>>
        %dma_wait3A_78 = tpu.memref_squeeze %dma_wait3A_77 : memref<1x128xi32, #tpu.memory_space<vmem>> -> memref<128xi32, #tpu.memory_space<vmem>>
        %dma_wait3A_79 = arith.constant 0 : i32
        %dma_wait3A_80 = arith.constant 0 : i32
        %dma_wait3A_81 = tpu.memref_slice %arg11[%dma_wait3A_79, %dma_wait3A_80] : memref<10240x128xf32, #tpu.memory_space<vmem_shared>> -> memref<10240x128xf32, #tpu.memory_space<vmem_shared>>
        tpu.wait_indirect_dma semaphore(%run_scoped3A : memref<!tpu.dma_semaphore, #tpu.memory_space<semaphore_mem>>) src(%arg9 : memref<128x128xf32, #tpu.memory_space<vmem>>) dst(%dma_wait3A_81 : memref<10240x128xf32, #tpu.memory_space<vmem_shared>>)
        tpu.yield
      }) : () -> ()
      %lt3A = arith.constant 19 : i32
      %lt3A_58 = arith.cmpi slt, %scan3A_41, %lt3A : i32
      %convert_element_type3A = arith.extui %lt3A_58 : i1 to i32
      %cond3A = arith.constant 0 : i32
      %cond3A_59 = arith.cmpi ne, %convert_element_type3A, %cond3A : i32
      scf.if %cond3A_59 {
        %add3A_70 = arith.constant 2 : i32
        %add3A_71 = arith.addi %mul3A_43, %add3A_70 : i32
        %dma_start3A_72 = arith.constant 0 : i32
        %dma_start3A_73 = tpu.memref_slice %arg7[%add3A_71, %dma_start3A_72] : memref<40x128xi32, #tpu.memory_space<vmem>> -> memref<1x128xi32, #tpu.memory_space<vmem>>
        %dma_start3A_74 = tpu.memref_squeeze %dma_start3A_73 : memref<1x128xi32, #tpu.memory_space<vmem>> -> memref<128xi32, #tpu.memory_space<vmem>>
        %dma_start3A_75 = arith.constant 0 : i32
        %dma_start3A_76 = arith.constant 0 : i32
        %dma_start3A_77 = tpu.memref_slice %arg2[%dma_start3A_75, %dma_start3A_76] : memref<10240x128xf32, #tpu.memory_space<hbm>> -> memref<10240x128xf32, #tpu.memory_space<hbm>>
        tpu.enqueue_indirect_dma source(%dma_start3A_77 : memref<10240x128xf32, #tpu.memory_space<hbm>>) target(%arg9 : memref<128x128xf32, #tpu.memory_space<vmem>>) offsets(%dma_start3A_74 : memref<128xi32, #tpu.memory_space<vmem>>) semaphore(%arg12 : memref<!tpu.dma_semaphore, #tpu.memory_space<semaphore_mem>>)
      } else {
      }
      %add3A_60 = arith.constant 1 : i32
      %add3A_61 = arith.addi %mul3A_43, %add3A_60 : i32
      %dma_wait3A_62 = arith.constant 0 : i32
      %dma_wait3A_63 = tpu.memref_slice %arg7[%add3A_61, %dma_wait3A_62] : memref<40x128xi32, #tpu.memory_space<vmem>> -> memref<1x128xi32, #tpu.memory_space<vmem>>
      %dma_wait3A_64 = tpu.memref_squeeze %dma_wait3A_63 : memref<1x128xi32, #tpu.memory_space<vmem>> -> memref<128xi32, #tpu.memory_space<vmem>>
      %dma_wait3A_65 = arith.constant 0 : i32
      %dma_wait3A_66 = arith.constant 0 : i32
      %dma_wait3A_67 = tpu.memref_slice %arg2[%dma_wait3A_65, %dma_wait3A_66] : memref<10240x128xf32, #tpu.memory_space<hbm>> -> memref<10240x128xf32, #tpu.memory_space<hbm>>
      tpu.wait_indirect_dma semaphore(%arg13 : memref<!tpu.dma_semaphore, #tpu.memory_space<semaphore_mem>>) src(%dma_wait3A_67 : memref<10240x128xf32, #tpu.memory_space<hbm>>) dst(%arg10 : memref<128x128xf32, #tpu.memory_space<vmem>>)
      %add3A_68 = arith.constant 1 : i32
      %add3A_69 = arith.addi %mul3A_43, %add3A_68 : i32
      "tpu.region"() ({
        %run_scoped3A = tpu.sem_alloc : memref<!tpu.dma_semaphore, #tpu.memory_space<semaphore_mem>>
        %dma_start3A_70 = arith.constant 0 : i32
        %dma_start3A_71 = tpu.memref_slice %arg8[%add3A_69, %dma_start3A_70] : memref<40x128xi32, #tpu.memory_space<vmem>> -> memref<1x128xi32, #tpu.memory_space<vmem>>
        %dma_start3A_72 = tpu.memref_squeeze %dma_start3A_71 : memref<1x128xi32, #tpu.memory_space<vmem>> -> memref<128xi32, #tpu.memory_space<vmem>>
        %dma_start3A_73 = arith.constant 0 : i32
        %dma_start3A_74 = arith.constant 0 : i32
        %dma_start3A_75 = tpu.memref_slice %arg11[%dma_start3A_73, %dma_start3A_74] : memref<10240x128xf32, #tpu.memory_space<vmem_shared>> -> memref<10240x128xf32, #tpu.memory_space<vmem_shared>>
        tpu.enqueue_indirect_dma source(%arg10 : memref<128x128xf32, #tpu.memory_space<vmem>>) target(%dma_start3A_75 : memref<10240x128xf32, #tpu.memory_space<vmem_shared>>) offsets(%dma_start3A_72 : memref<128xi32, #tpu.memory_space<vmem>>) semaphore(%run_scoped3A : memref<!tpu.dma_semaphore, #tpu.memory_space<semaphore_mem>>) {add = true}
        %dma_wait3A_76 = arith.constant 0 : i32
        %dma_wait3A_77 = tpu.memref_slice %arg8[%add3A_69, %dma_wait3A_76] : memref<40x128xi32, #tpu.memory_space<vmem>> -> memref<1x128xi32, #tpu.memory_space<vmem>>
        %dma_wait3A_78 = tpu.memref_squeeze %dma_wait3A_77 : memref<1x128xi32, #tpu.memory_space<vmem>> -> memref<128xi32, #tpu.memory_space<vmem>>
        %dma_wait3A_79 = arith.constant 0 : i32
        %dma_wait3A_80 = arith.constant 0 : i32
        %dma_wait3A_81 = tpu.memref_slice %arg11[%dma_wait3A_79, %dma_wait3A_80] : memref<10240x128xf32, #tpu.memory_space<vmem_shared>> -> memref<10240x128xf32, #tpu.memory_space<vmem_shared>>
        tpu.wait_indirect_dma semaphore(%run_scoped3A : memref<!tpu.dma_semaphore, #tpu.memory_space<semaphore_mem>>) src(%arg10 : memref<128x128xf32, #tpu.memory_space<vmem>>) dst(%dma_wait3A_81 : memref<10240x128xf32, #tpu.memory_space<vmem_shared>>)
        tpu.yield
      }) : () -> ()
    }
    %scan3A_39 = arith.constant 20 : i32
    %barrier3A_40 = arith.constant 0 : index
    tpu.barrier barrier_id(%barrier3A_40)
    "tpu.region"() ({
      %run_scoped3A = tpu.sem_alloc : memref<!tpu.dma_semaphore, #tpu.memory_space<semaphore_mem>>
      %dma_start3A_41 = arith.constant 0 : i32
      %dma_start3A_42 = tpu.memref_slice %arg6[%arg0, %mul3A_0, %dma_start3A_41] : memref<2x10240x128xf32, #tpu.memory_space<hbm>> -> memref<1x640x128xf32, #tpu.memory_space<hbm>>
      %dma_start3A_43 = tpu.memref_squeeze %dma_start3A_42 : memref<1x640x128xf32, #tpu.memory_space<hbm>> -> memref<640x128xf32, #tpu.memory_space<hbm>>
      %dma_start3A_44 = arith.constant 0 : i32
      %dma_start3A_45 = tpu.memref_slice %arg11[%mul3A_0, %dma_start3A_44] : memref<10240x128xf32, #tpu.memory_space<vmem_shared>> -> memref<640x128xf32, #tpu.memory_space<vmem_shared>>
      tpu.enqueue_dma source(%dma_start3A_45 : memref<640x128xf32, #tpu.memory_space<vmem_shared>>) target(%dma_start3A_43 : memref<640x128xf32, #tpu.memory_space<hbm>>) target_semaphore(%run_scoped3A : memref<!tpu.dma_semaphore, #tpu.memory_space<semaphore_mem>>)
      %dma_wait3A_46 = arith.constant 0 : i32
      %dma_wait3A_47 = tpu.memref_slice %arg6[%arg0, %mul3A_0, %dma_wait3A_46] : memref<2x10240x128xf32, #tpu.memory_space<hbm>> -> memref<1x640x128xf32, #tpu.memory_space<hbm>>
      %dma_wait3A_48 = tpu.memref_squeeze %dma_wait3A_47 : memref<1x640x128xf32, #tpu.memory_space<hbm>> -> memref<640x128xf32, #tpu.memory_space<hbm>>
      %dma_wait3A_49 = arith.constant 0 : i32
      %dma_wait3A_50 = tpu.memref_slice %arg11[%mul3A_0, %dma_wait3A_49] : memref<10240x128xf32, #tpu.memory_space<vmem_shared>> -> memref<640x128xf32, #tpu.memory_space<vmem_shared>>
      tpu.wait_dma2 semaphore(%run_scoped3A : memref<!tpu.dma_semaphore, #tpu.memory_space<semaphore_mem>>) src(%dma_wait3A_50 : memref<640x128xf32, #tpu.memory_space<vmem_shared>>) dst(%dma_wait3A_48 : memref<640x128xf32, #tpu.memory_space<hbm>>)
      tpu.yield
    }) : () -> ()
    return
  }
}

#map = affine_map<(d0, d1) -> (0, 0)>
#map1 = affine_map<(d0, d1) -> (0, 0, 0)>
module attributes {stable_mosaic.version = 14 : i64} {
  func.func @body(%arg0: i32, %arg1: i32, %arg2: memref<10240x128xf32, #tpu.memory_space<hbm>>, %arg3: memref<2560x128xi32, #tpu.memory_space<hbm>>, %arg4: memref<2560x128xi32, #tpu.memory_space<hbm>>, %arg5: memref<640x128xf32, #tpu.memory_space<hbm>>, %arg6: memref<2x10240x128xf32, #tpu.memory_space<hbm>>, %arg7: memref<40x128xi32, #tpu.memory_space<vmem>>, %arg8: memref<40x128xi32, #tpu.memory_space<vmem>>, %arg9: memref<128x128xf32, #tpu.memory_space<vmem>>, %arg10: memref<128x128xf32, #tpu.memory_space<vmem>>, %arg11: memref<10240x128xf32, #tpu.memory_space<vmem_shared>>, %arg12: memref<!tpu.dma_semaphore, #tpu.memory_space<semaphore_mem>>, %arg13: memref<!tpu.dma_semaphore, #tpu.memory_space<semaphore_mem>>, %arg14: memref<!tpu.dma_semaphore, #tpu.memory_space<semaphore_mem>>) attributes {dimension_semantics = [#tpu.dimension_semantics<core_parallel>, #tpu.dimension_semantics<subcore_parallel>], iteration_bounds = array<i64: 2, 16>, scalar_prefetch = 0 : i64, scratch_operands = 8 : i64, tpu.core_type = #tpu.core_type<sc_vector_subcore>, window_params = [{transform_indices = #map}, {transform_indices = #map}, {transform_indices = #map}, {transform_indices = #map}, {transform_indices = #map1}]} {
    %mul3A = arith.constant 640 : i32
    %mul3A_0 = arith.muli %arg1, %mul3A : i32
    %mul3A_1 = arith.constant 16 : i32
    %mul3A_2 = arith.muli %arg0, %mul3A_1 : i32
    %add3A = arith.addi %mul3A_2, %arg1 : i32
    %mul3A_3 = arith.constant 80 : i32
    %mul3A_4 = arith.muli %add3A, %mul3A_3 : i32
    %dma_start3A = arith.constant 0 : i32
    %dma_start3A_5 = tpu.memref_slice %arg11[%mul3A_0, %dma_start3A] : memref<10240x128xf32, #tpu.memory_space<vmem_shared>> -> memref<640x128xf32, #tpu.memory_space<vmem_shared>>
    tpu.enqueue_dma source(%arg5 : memref<640x128xf32, #tpu.memory_space<hbm>>) target(%dma_start3A_5 : memref<640x128xf32, #tpu.memory_space<vmem_shared>>) target_semaphore(%arg14 : memref<!tpu.dma_semaphore, #tpu.memory_space<semaphore_mem>>)
    %add3A_6 = arith.constant 0 : i32
    %add3A_7 = arith.addi %mul3A_4, %add3A_6 : i32
    "tpu.region"() ({
      %run_scoped3A = tpu.sem_alloc : memref<!tpu.dma_semaphore, #tpu.memory_space<semaphore_mem>>
      %dma_start3A_41 = arith.constant 0 : i32
      %dma_start3A_42 = tpu.memref_slice %arg3[%add3A_7, %dma_start3A_41] : memref<2560x128xi32, #tpu.memory_space<hbm>> -> memref<40x128xi32, #tpu.memory_space<hbm>>
      %dma_start3A_43 = arith.constant 0 : i32
      %dma_start3A_44 = tpu.memref_slice %arg3[%add3A_7, %dma_start3A_43] : memref<2560x128xi32, #tpu.memory_space<hbm>> -> memref<40x128xi32, #tpu.memory_space<hbm>>
      tpu.enqueue_dma source(%dma_start3A_44 : memref<40x128xi32, #tpu.memory_space<hbm>>) target(%arg7 : memref<40x128xi32, #tpu.memory_space<vmem>>) target_semaphore(%run_scoped3A : memref<!tpu.dma_semaphore, #tpu.memory_space<semaphore_mem>>)
      %dma_wait3A_45 = arith.constant 0 : i32
      %dma_wait3A_46 = tpu.memref_slice %arg3[%add3A_7, %dma_wait3A_45] : memref<2560x128xi32, #tpu.memory_space<hbm>> -> memref<40x128xi32, #tpu.memory_space<hbm>>
      %dma_wait3A_47 = arith.constant 0 : i32
      %dma_wait3A_48 = tpu.memref_slice %arg3[%add3A_7, %dma_wait3A_47] : memref<2560x128xi32, #tpu.memory_space<hbm>> -> memref<40x128xi32, #tpu.memory_space<hbm>>
      tpu.wait_dma2 semaphore(%run_scoped3A : memref<!tpu.dma_semaphore, #tpu.memory_space<semaphore_mem>>) src(%dma_wait3A_48 : memref<40x128xi32, #tpu.memory_space<hbm>>) dst(%arg7 : memref<40x128xi32, #tpu.memory_space<vmem>>)
      tpu.yield
    }) : () -> ()
    %add3A_8 = arith.constant 0 : i32
    %add3A_9 = arith.addi %mul3A_4, %add3A_8 : i32
    "tpu.region"() ({
      %run_scoped3A = tpu.sem_alloc : memref<!tpu.dma_semaphore, #tpu.memory_space<semaphore_mem>>
      %dma_start3A_41 = arith.constant 0 : i32
      %dma_start3A_42 = tpu.memref_slice %arg4[%add3A_9, %dma_start3A_41] : memref<2560x128xi32, #tpu.memory_space<hbm>> -> memref<40x128xi32, #tpu.memory_space<hbm>>
      %dma_start3A_43 = arith.constant 0 : i32
      %dma_start3A_44 = tpu.memref_slice %arg4[%add3A_9, %dma_start3A_43] : memref<2560x128xi32, #tpu.memory_space<hbm>> -> memref<40x128xi32, #tpu.memory_space<hbm>>
      tpu.enqueue_dma source(%dma_start3A_44 : memref<40x128xi32, #tpu.memory_space<hbm>>) target(%arg8 : memref<40x128xi32, #tpu.memory_space<vmem>>) target_semaphore(%run_scoped3A : memref<!tpu.dma_semaphore, #tpu.memory_space<semaphore_mem>>)
      %dma_wait3A_45 = arith.constant 0 : i32
      %dma_wait3A_46 = tpu.memref_slice %arg4[%add3A_9, %dma_wait3A_45] : memref<2560x128xi32, #tpu.memory_space<hbm>> -> memref<40x128xi32, #tpu.memory_space<hbm>>
      %dma_wait3A_47 = arith.constant 0 : i32
      %dma_wait3A_48 = tpu.memref_slice %arg4[%add3A_9, %dma_wait3A_47] : memref<2560x128xi32, #tpu.memory_space<hbm>> -> memref<40x128xi32, #tpu.memory_space<hbm>>
      tpu.wait_dma2 semaphore(%run_scoped3A : memref<!tpu.dma_semaphore, #tpu.memory_space<semaphore_mem>>) src(%dma_wait3A_48 : memref<40x128xi32, #tpu.memory_space<hbm>>) dst(%arg8 : memref<40x128xi32, #tpu.memory_space<vmem>>)
      tpu.yield
    }) : () -> ()
    %dma_start3A_10 = arith.constant 0 : i32
    %dma_start3A_11 = arith.constant 0 : i32
    %dma_start3A_12 = tpu.memref_slice %arg7[%dma_start3A_10, %dma_start3A_11] : memref<40x128xi32, #tpu.memory_space<vmem>> -> memref<1x128xi32, #tpu.memory_space<vmem>>
    %dma_start3A_13 = tpu.memref_squeeze %dma_start3A_12 : memref<1x128xi32, #tpu.memory_space<vmem>> -> memref<128xi32, #tpu.memory_space<vmem>>
    %dma_start3A_14 = arith.constant 0 : i32
    %dma_start3A_15 = arith.constant 0 : i32
    %dma_start3A_16 = tpu.memref_slice %arg2[%dma_start3A_14, %dma_start3A_15] : memref<10240x128xf32, #tpu.memory_space<hbm>> -> memref<10240x128xf32, #tpu.memory_space<hbm>>
    tpu.enqueue_indirect_dma source(%dma_start3A_16 : memref<10240x128xf32, #tpu.memory_space<hbm>>) target(%arg9 : memref<128x128xf32, #tpu.memory_space<vmem>>) offsets(%dma_start3A_13 : memref<128xi32, #tpu.memory_space<vmem>>) semaphore(%arg12 : memref<!tpu.dma_semaphore, #tpu.memory_space<semaphore_mem>>)
    %dma_wait3A = arith.constant 0 : i32
    %dma_wait3A_17 = tpu.memref_slice %arg11[%mul3A_0, %dma_wait3A] : memref<10240x128xf32, #tpu.memory_space<vmem_shared>> -> memref<640x128xf32, #tpu.memory_space<vmem_shared>>
    tpu.wait_dma2 semaphore(%arg14 : memref<!tpu.dma_semaphore, #tpu.memory_space<semaphore_mem>>) src(%arg5 : memref<640x128xf32, #tpu.memory_space<hbm>>) dst(%dma_wait3A_17 : memref<640x128xf32, #tpu.memory_space<vmem_shared>>)
    %barrier3A = arith.constant 0 : index
    tpu.barrier barrier_id(%barrier3A)
    %scan3A = arith.constant 0 : i32
    %scan3A_18 = arith.constant 0 : i32
    %scan3A_19 = arith.constant 20 : i32
    %scan3A_20 = arith.addi %scan3A_18, %scan3A_19 : i32
    %scan3A_21 = arith.constant 1 : i32
    scf.for %scan3A_41 = %scan3A_18 to %scan3A_20 step %scan3A_21  : i32 {
      %mul3A_42 = arith.constant 2 : i32
      %mul3A_43 = arith.muli %mul3A_42, %scan3A_41 : i32
      %add3A_44 = arith.constant 1 : i32
      %add3A_45 = arith.addi %mul3A_43, %add3A_44 : i32
      %dma_start3A_46 = arith.constant 0 : i32
      %dma_start3A_47 = tpu.memref_slice %arg7[%add3A_45, %dma_start3A_46] : memref<40x128xi32, #tpu.memory_space<vmem>> -> memref<1x128xi32, #tpu.memory_space<vmem>>
      %dma_start3A_48 = tpu.memref_squeeze %dma_start3A_47 : memref<1x128xi32, #tpu.memory_space<vmem>> -> memref<128xi32, #tpu.memory_space<vmem>>
      %dma_start3A_49 = arith.constant 0 : i32
      %dma_start3A_50 = arith.constant 0 : i32
      %dma_start3A_51 = tpu.memref_slice %arg2[%dma_start3A_49, %dma_start3A_50] : memref<10240x128xf32, #tpu.memory_space<hbm>> -> memref<10240x128xf32, #tpu.memory_space<hbm>>
      tpu.enqueue_indirect_dma source(%dma_start3A_51 : memref<10240x128xf32, #tpu.memory_space<hbm>>) target(%arg10 : memref<128x128xf32, #tpu.memory_space<vmem>>) offsets(%dma_start3A_48 : memref<128xi32, #tpu.memory_space<vmem>>) semaphore(%arg13 : memref<!tpu.dma_semaphore, #tpu.memory_space<semaphore_mem>>)
      %dma_wait3A_52 = arith.constant 0 : i32
      %dma_wait3A_53 = tpu.memref_slice %arg7[%mul3A_43, %dma_wait3A_52] : memref<40x128xi32, #tpu.memory_space<vmem>> -> memref<1x128xi32, #tpu.memory_space<vmem>>
      %dma_wait3A_54 = tpu.memref_squeeze %dma_wait3A_53 : memref<1x128xi32, #tpu.memory_space<vmem>> -> memref<128xi32, #tpu.memory_space<vmem>>
      %dma_wait3A_55 = arith.constant 0 : i32
      %dma_wait3A_56 = arith.constant 0 : i32
      %dma_wait3A_57 = tpu.memref_slice %arg2[%dma_wait3A_55, %dma_wait3A_56] : memref<10240x128xf32, #tpu.memory_space<hbm>> -> memref<10240x128xf32, #tpu.memory_space<hbm>>
      tpu.wait_indirect_dma semaphore(%arg12 : memref<!tpu.dma_semaphore, #tpu.memory_space<semaphore_mem>>) src(%dma_wait3A_57 : memref<10240x128xf32, #tpu.memory_space<hbm>>) dst(%arg9 : memref<128x128xf32, #tpu.memory_space<vmem>>)
      "tpu.region"() ({
        %run_scoped3A = tpu.sem_alloc : memref<!tpu.dma_semaphore, #tpu.memory_space<semaphore_mem>>
        %dma_start3A_70 = arith.constant 0 : i32
        %dma_start3A_71 = tpu.memref_slice %arg8[%mul3A_43, %dma_start3A_70] : memref<40x128xi32, #tpu.memory_space<vmem>> -> memref<1x128xi32, #tpu.memory_space<vmem>>
        %dma_start3A_72 = tpu.memref_squeeze %dma_start3A_71 : memref<1x128xi32, #tpu.memory_space<vmem>> -> memref<128xi32, #tpu.memory_space<vmem>>
        %dma_start3A_73 = arith.constant 0 : i32
        %dma_start3A_74 = arith.constant 0 : i32
        %dma_start3A_75 = tpu.memref_slice %arg11[%dma_start3A_73, %dma_start3A_74] : memref<10240x128xf32, #tpu.memory_space<vmem_shared>> -> memref<10240x128xf32, #tpu.memory_space<vmem_shared>>
        tpu.enqueue_indirect_dma source(%arg9 : memref<128x128xf32, #tpu.memory_space<vmem>>) target(%dma_start3A_75 : memref<10240x128xf32, #tpu.memory_space<vmem_shared>>) offsets(%dma_start3A_72 : memref<128xi32, #tpu.memory_space<vmem>>) semaphore(%run_scoped3A : memref<!tpu.dma_semaphore, #tpu.memory_space<semaphore_mem>>) {add = true}
        %dma_wait3A_76 = arith.constant 0 : i32
        %dma_wait3A_77 = tpu.memref_slice %arg8[%mul3A_43, %dma_wait3A_76] : memref<40x128xi32, #tpu.memory_space<vmem>> -> memref<1x128xi32, #tpu.memory_space<vmem>>
        %dma_wait3A_78 = tpu.memref_squeeze %dma_wait3A_77 : memref<1x128xi32, #tpu.memory_space<vmem>> -> memref<128xi32, #tpu.memory_space<vmem>>
        %dma_wait3A_79 = arith.constant 0 : i32
        %dma_wait3A_80 = arith.constant 0 : i32
        %dma_wait3A_81 = tpu.memref_slice %arg11[%dma_wait3A_79, %dma_wait3A_80] : memref<10240x128xf32, #tpu.memory_space<vmem_shared>> -> memref<10240x128xf32, #tpu.memory_space<vmem_shared>>
        tpu.wait_indirect_dma semaphore(%run_scoped3A : memref<!tpu.dma_semaphore, #tpu.memory_space<semaphore_mem>>) src(%arg9 : memref<128x128xf32, #tpu.memory_space<vmem>>) dst(%dma_wait3A_81 : memref<10240x128xf32, #tpu.memory_space<vmem_shared>>)
        tpu.yield
      }) : () -> ()
      %lt3A = arith.constant 19 : i32
      %lt3A_58 = arith.cmpi slt, %scan3A_41, %lt3A : i32
      %convert_element_type3A = arith.extui %lt3A_58 : i1 to i32
      %cond3A = arith.constant 0 : i32
      %cond3A_59 = arith.cmpi ne, %convert_element_type3A, %cond3A : i32
      scf.if %cond3A_59 {
        %add3A_70 = arith.constant 2 : i32
        %add3A_71 = arith.addi %mul3A_43, %add3A_70 : i32
        %dma_start3A_72 = arith.constant 0 : i32
        %dma_start3A_73 = tpu.memref_slice %arg7[%add3A_71, %dma_start3A_72] : memref<40x128xi32, #tpu.memory_space<vmem>> -> memref<1x128xi32, #tpu.memory_space<vmem>>
        %dma_start3A_74 = tpu.memref_squeeze %dma_start3A_73 : memref<1x128xi32, #tpu.memory_space<vmem>> -> memref<128xi32, #tpu.memory_space<vmem>>
        %dma_start3A_75 = arith.constant 0 : i32
        %dma_start3A_76 = arith.constant 0 : i32
        %dma_start3A_77 = tpu.memref_slice %arg2[%dma_start3A_75, %dma_start3A_76] : memref<10240x128xf32, #tpu.memory_space<hbm>> -> memref<10240x128xf32, #tpu.memory_space<hbm>>
        tpu.enqueue_indirect_dma source(%dma_start3A_77 : memref<10240x128xf32, #tpu.memory_space<hbm>>) target(%arg9 : memref<128x128xf32, #tpu.memory_space<vmem>>) offsets(%dma_start3A_74 : memref<128xi32, #tpu.memory_space<vmem>>) semaphore(%arg12 : memref<!tpu.dma_semaphore, #tpu.memory_space<semaphore_mem>>)
      } else {
      }
      %add3A_60 = arith.constant 1 : i32
      %add3A_61 = arith.addi %mul3A_43, %add3A_60 : i32
      %dma_wait3A_62 = arith.constant 0 : i32
      %dma_wait3A_63 = tpu.memref_slice %arg7[%add3A_61, %dma_wait3A_62] : memref<40x128xi32, #tpu.memory_space<vmem>> -> memref<1x128xi32, #tpu.memory_space<vmem>>
      %dma_wait3A_64 = tpu.memref_squeeze %dma_wait3A_63 : memref<1x128xi32, #tpu.memory_space<vmem>> -> memref<128xi32, #tpu.memory_space<vmem>>
      %dma_wait3A_65 = arith.constant 0 : i32
      %dma_wait3A_66 = arith.constant 0 : i32
      %dma_wait3A_67 = tpu.memref_slice %arg2[%dma_wait3A_65, %dma_wait3A_66] : memref<10240x128xf32, #tpu.memory_space<hbm>> -> memref<10240x128xf32, #tpu.memory_space<hbm>>
      tpu.wait_indirect_dma semaphore(%arg13 : memref<!tpu.dma_semaphore, #tpu.memory_space<semaphore_mem>>) src(%dma_wait3A_67 : memref<10240x128xf32, #tpu.memory_space<hbm>>) dst(%arg10 : memref<128x128xf32, #tpu.memory_space<vmem>>)
      %add3A_68 = arith.constant 1 : i32
      %add3A_69 = arith.addi %mul3A_43, %add3A_68 : i32
      "tpu.region"() ({
        %run_scoped3A = tpu.sem_alloc : memref<!tpu.dma_semaphore, #tpu.memory_space<semaphore_mem>>
        %dma_start3A_70 = arith.constant 0 : i32
        %dma_start3A_71 = tpu.memref_slice %arg8[%add3A_69, %dma_start3A_70] : memref<40x128xi32, #tpu.memory_space<vmem>> -> memref<1x128xi32, #tpu.memory_space<vmem>>
        %dma_start3A_72 = tpu.memref_squeeze %dma_start3A_71 : memref<1x128xi32, #tpu.memory_space<vmem>> -> memref<128xi32, #tpu.memory_space<vmem>>
        %dma_start3A_73 = arith.constant 0 : i32
        %dma_start3A_74 = arith.constant 0 : i32
        %dma_start3A_75 = tpu.memref_slice %arg11[%dma_start3A_73, %dma_start3A_74] : memref<10240x128xf32, #tpu.memory_space<vmem_shared>> -> memref<10240x128xf32, #tpu.memory_space<vmem_shared>>
        tpu.enqueue_indirect_dma source(%arg10 : memref<128x128xf32, #tpu.memory_space<vmem>>) target(%dma_start3A_75 : memref<10240x128xf32, #tpu.memory_space<vmem_shared>>) offsets(%dma_start3A_72 : memref<128xi32, #tpu.memory_space<vmem>>) semaphore(%run_scoped3A : memref<!tpu.dma_semaphore, #tpu.memory_space<semaphore_mem>>) {add = true}
        %dma_wait3A_76 = arith.constant 0 : i32
        %dma_wait3A_77 = tpu.memref_slice %arg8[%add3A_69, %dma_wait3A_76] : memref<40x128xi32, #tpu.memory_space<vmem>> -> memref<1x128xi32, #tpu.memory_space<vmem>>
        %dma_wait3A_78 = tpu.memref_squeeze %dma_wait3A_77 : memref<1x128xi32, #tpu.memory_space<vmem>> -> memref<128xi32, #tpu.memory_space<vmem>>
        %dma_wait3A_79 = arith.constant 0 : i32
        %dma_wait3A_80 = arith.constant 0 : i32
        %dma_wait3A_81 = tpu.memref_slice %arg11[%dma_wait3A_79, %dma_wait3A_80] : memref<10240x128xf32, #tpu.memory_space<vmem_shared>> -> memref<10240x128xf32, #tpu.memory_space<vmem_shared>>
        tpu.wait_indirect_dma semaphore(%run_scoped3A : memref<!tpu.dma_semaphore, #tpu.memory_space<semaphore_mem>>) src(%arg10 : memref<128x128xf32, #tpu.memory_space<vmem>>) dst(%dma_wait3A_81 : memref<10240x128xf32, #tpu.memory_space<vmem_shared>>)
        tpu.yield
      }) : () -> ()
    }
    %scan3A_22 = arith.constant 20 : i32
    %add3A_23 = arith.constant 40 : i32
    %add3A_24 = arith.addi %mul3A_4, %add3A_23 : i32
    "tpu.region"() ({
      %run_scoped3A = tpu.sem_alloc : memref<!tpu.dma_semaphore, #tpu.memory_space<semaphore_mem>>
      %dma_start3A_41 = arith.constant 0 : i32
      %dma_start3A_42 = tpu.memref_slice %arg3[%add3A_24, %dma_start3A_41] : memref<2560x128xi32, #tpu.memory_space<hbm>> -> memref<40x128xi32, #tpu.memory_space<hbm>>
      %dma_start3A_43 = arith.constant 0 : i32
      %dma_start3A_44 = tpu.memref_slice %arg3[%add3A_24, %dma_start3A_43] : memref<2560x128xi32, #tpu.memory_space<hbm>> -> memref<40x128xi32, #tpu.memory_space<hbm>>
      tpu.enqueue_dma source(%dma_start3A_44 : memref<40x128xi32, #tpu.memory_space<hbm>>) target(%arg7 : memref<40x128xi32, #tpu.memory_space<vmem>>) target_semaphore(%run_scoped3A : memref<!tpu.dma_semaphore, #tpu.memory_space<semaphore_mem>>)
      %dma_wait3A_45 = arith.constant 0 : i32
      %dma_wait3A_46 = tpu.memref_slice %arg3[%add3A_24, %dma_wait3A_45] : memref<2560x128xi32, #tpu.memory_space<hbm>> -> memref<40x128xi32, #tpu.memory_space<hbm>>
      %dma_wait3A_47 = arith.constant 0 : i32
      %dma_wait3A_48 = tpu.memref_slice %arg3[%add3A_24, %dma_wait3A_47] : memref<2560x128xi32, #tpu.memory_space<hbm>> -> memref<40x128xi32, #tpu.memory_space<hbm>>
      tpu.wait_dma2 semaphore(%run_scoped3A : memref<!tpu.dma_semaphore, #tpu.memory_space<semaphore_mem>>) src(%dma_wait3A_48 : memref<40x128xi32, #tpu.memory_space<hbm>>) dst(%arg7 : memref<40x128xi32, #tpu.memory_space<vmem>>)
      tpu.yield
    }) : () -> ()
    %add3A_25 = arith.constant 40 : i32
    %add3A_26 = arith.addi %mul3A_4, %add3A_25 : i32
    "tpu.region"() ({
      %run_scoped3A = tpu.sem_alloc : memref<!tpu.dma_semaphore, #tpu.memory_space<semaphore_mem>>
      %dma_start3A_41 = arith.constant 0 : i32
      %dma_start3A_42 = tpu.memref_slice %arg4[%add3A_26, %dma_start3A_41] : memref<2560x128xi32, #tpu.memory_space<hbm>> -> memref<40x128xi32, #tpu.memory_space<hbm>>
      %dma_start3A_43 = arith.constant 0 : i32
      %dma_start3A_44 = tpu.memref_slice %arg4[%add3A_26, %dma_start3A_43] : memref<2560x128xi32, #tpu.memory_space<hbm>> -> memref<40x128xi32, #tpu.memory_space<hbm>>
      tpu.enqueue_dma source(%dma_start3A_44 : memref<40x128xi32, #tpu.memory_space<hbm>>) target(%arg8 : memref<40x128xi32, #tpu.memory_space<vmem>>) target_semaphore(%run_scoped3A : memref<!tpu.dma_semaphore, #tpu.memory_space<semaphore_mem>>)
      %dma_wait3A_45 = arith.constant 0 : i32
      %dma_wait3A_46 = tpu.memref_slice %arg4[%add3A_26, %dma_wait3A_45] : memref<2560x128xi32, #tpu.memory_space<hbm>> -> memref<40x128xi32, #tpu.memory_space<hbm>>
      %dma_wait3A_47 = arith.constant 0 : i32
      %dma_wait3A_48 = tpu.memref_slice %arg4[%add3A_26, %dma_wait3A_47] : memref<2560x128xi32, #tpu.memory_space<hbm>> -> memref<40x128xi32, #tpu.memory_space<hbm>>
      tpu.wait_dma2 semaphore(%run_scoped3A : memref<!tpu.dma_semaphore, #tpu.memory_space<semaphore_mem>>) src(%dma_wait3A_48 : memref<40x128xi32, #tpu.memory_space<hbm>>) dst(%arg8 : memref<40x128xi32, #tpu.memory_space<vmem>>)
      tpu.yield
    }) : () -> ()
    %dma_start3A_27 = arith.constant 0 : i32
    %dma_start3A_28 = arith.constant 0 : i32
    %dma_start3A_29 = tpu.memref_slice %arg7[%dma_start3A_27, %dma_start3A_28] : memref<40x128xi32, #tpu.memory_space<vmem>> -> memref<1x128xi32, #tpu.memory_space<vmem>>
    %dma_start3A_30 = tpu.memref_squeeze %dma_start3A_29 : memref<1x128xi32, #tpu.memory_space<vmem>> -> memref<128xi32, #tpu.memory_space<vmem>>
    %dma_start3A_31 = arith.constant 0 : i32
    %dma_start3A_32 = arith.constant 0 : i32
    %dma_start3A_33 = tpu.memref_slice %arg2[%dma_start3A_31, %dma_start3A_32] : memref<10240x128xf32, #tpu.memory_space<hbm>> -> memref<10240x128xf32, #tpu.memory_space<hbm>>
    tpu.enqueue_indirect_dma source(%dma_start3A_33 : memref<10240x128xf32, #tpu.memory_space<hbm>>) target(%arg9 : memref<128x128xf32, #tpu.memory_space<vmem>>) offsets(%dma_start3A_30 : memref<128xi32, #tpu.memory_space<vmem>>) semaphore(%arg12 : memref<!tpu.dma_semaphore, #tpu.memory_space<semaphore_mem>>)
    %scan3A_34 = arith.constant 0 : i32
    %scan3A_35 = arith.constant 0 : i32
    %scan3A_36 = arith.constant 20 : i32
    %scan3A_37 = arith.addi %scan3A_35, %scan3A_36 : i32
    %scan3A_38 = arith.constant 1 : i32
    scf.for %scan3A_41 = %scan3A_35 to %scan3A_37 step %scan3A_38  : i32 {
      %mul3A_42 = arith.constant 2 : i32
      %mul3A_43 = arith.muli %mul3A_42, %scan3A_41 : i32
      %add3A_44 = arith.constant 1 : i32
      %add3A_45 = arith.addi %mul3A_43, %add3A_44 : i32
      %dma_start3A_46 = arith.constant 0 : i32
      %dma_start3A_47 = tpu.memref_slice %arg7[%add3A_45, %dma_start3A_46] : memref<40x128xi32, #tpu.memory_space<vmem>> -> memref<1x128xi32, #tpu.memory_space<vmem>>
      %dma_start3A_48 = tpu.memref_squeeze %dma_start3A_47 : memref<1x128xi32, #tpu.memory_space<vmem>> -> memref<128xi32, #tpu.memory_space<vmem>>
      %dma_start3A_49 = arith.constant 0 : i32
      %dma_start3A_50 = arith.constant 0 : i32
      %dma_start3A_51 = tpu.memref_slice %arg2[%dma_start3A_49, %dma_start3A_50] : memref<10240x128xf32, #tpu.memory_space<hbm>> -> memref<10240x128xf32, #tpu.memory_space<hbm>>
      tpu.enqueue_indirect_dma source(%dma_start3A_51 : memref<10240x128xf32, #tpu.memory_space<hbm>>) target(%arg10 : memref<128x128xf32, #tpu.memory_space<vmem>>) offsets(%dma_start3A_48 : memref<128xi32, #tpu.memory_space<vmem>>) semaphore(%arg13 : memref<!tpu.dma_semaphore, #tpu.memory_space<semaphore_mem>>)
      %dma_wait3A_52 = arith.constant 0 : i32
      %dma_wait3A_53 = tpu.memref_slice %arg7[%mul3A_43, %dma_wait3A_52] : memref<40x128xi32, #tpu.memory_space<vmem>> -> memref<1x128xi32, #tpu.memory_space<vmem>>
      %dma_wait3A_54 = tpu.memref_squeeze %dma_wait3A_53 : memref<1x128xi32, #tpu.memory_space<vmem>> -> memref<128xi32, #tpu.memory_space<vmem>>
      %dma_wait3A_55 = arith.constant 0 : i32
      %dma_wait3A_56 = arith.constant 0 : i32
      %dma_wait3A_57 = tpu.memref_slice %arg2[%dma_wait3A_55, %dma_wait3A_56] : memref<10240x128xf32, #tpu.memory_space<hbm>> -> memref<10240x128xf32, #tpu.memory_space<hbm>>
      tpu.wait_indirect_dma semaphore(%arg12 : memref<!tpu.dma_semaphore, #tpu.memory_space<semaphore_mem>>) src(%dma_wait3A_57 : memref<10240x128xf32, #tpu.memory_space<hbm>>) dst(%arg9 : memref<128x128xf32, #tpu.memory_space<vmem>>)
      "tpu.region"() ({
        %run_scoped3A = tpu.sem_alloc : memref<!tpu.dma_semaphore, #tpu.memory_space<semaphore_mem>>
        %dma_start3A_70 = arith.constant 0 : i32
        %dma_start3A_71 = tpu.memref_slice %arg8[%mul3A_43, %dma_start3A_70] : memref<40x128xi32, #tpu.memory_space<vmem>> -> memref<1x128xi32, #tpu.memory_space<vmem>>
        %dma_start3A_72 = tpu.memref_squeeze %dma_start3A_71 : memref<1x128xi32, #tpu.memory_space<vmem>> -> memref<128xi32, #tpu.memory_space<vmem>>
        %dma_start3A_73 = arith.constant 0 : i32
        %dma_start3A_74 = arith.constant 0 : i32
        %dma_start3A_75 = tpu.memref_slice %arg11[%dma_start3A_73, %dma_start3A_74] : memref<10240x128xf32, #tpu.memory_space<vmem_shared>> -> memref<10240x128xf32, #tpu.memory_space<vmem_shared>>
        tpu.enqueue_indirect_dma source(%arg9 : memref<128x128xf32, #tpu.memory_space<vmem>>) target(%dma_start3A_75 : memref<10240x128xf32, #tpu.memory_space<vmem_shared>>) offsets(%dma_start3A_72 : memref<128xi32, #tpu.memory_space<vmem>>) semaphore(%run_scoped3A : memref<!tpu.dma_semaphore, #tpu.memory_space<semaphore_mem>>) {add = true}
        %dma_wait3A_76 = arith.constant 0 : i32
        %dma_wait3A_77 = tpu.memref_slice %arg8[%mul3A_43, %dma_wait3A_76] : memref<40x128xi32, #tpu.memory_space<vmem>> -> memref<1x128xi32, #tpu.memory_space<vmem>>
        %dma_wait3A_78 = tpu.memref_squeeze %dma_wait3A_77 : memref<1x128xi32, #tpu.memory_space<vmem>> -> memref<128xi32, #tpu.memory_space<vmem>>
        %dma_wait3A_79 = arith.constant 0 : i32
        %dma_wait3A_80 = arith.constant 0 : i32
        %dma_wait3A_81 = tpu.memref_slice %arg11[%dma_wait3A_79, %dma_wait3A_80] : memref<10240x128xf32, #tpu.memory_space<vmem_shared>> -> memref<10240x128xf32, #tpu.memory_space<vmem_shared>>
        tpu.wait_indirect_dma semaphore(%run_scoped3A : memref<!tpu.dma_semaphore, #tpu.memory_space<semaphore_mem>>) src(%arg9 : memref<128x128xf32, #tpu.memory_space<vmem>>) dst(%dma_wait3A_81 : memref<10240x128xf32, #tpu.memory_space<vmem_shared>>)
        tpu.yield
      }) : () -> ()
      %lt3A = arith.constant 19 : i32
      %lt3A_58 = arith.cmpi slt, %scan3A_41, %lt3A : i32
      %convert_element_type3A = arith.extui %lt3A_58 : i1 to i32
      %cond3A = arith.constant 0 : i32
      %cond3A_59 = arith.cmpi ne, %convert_element_type3A, %cond3A : i32
      scf.if %cond3A_59 {
        %add3A_70 = arith.constant 2 : i32
        %add3A_71 = arith.addi %mul3A_43, %add3A_70 : i32
        %dma_start3A_72 = arith.constant 0 : i32
        %dma_start3A_73 = tpu.memref_slice %arg7[%add3A_71, %dma_start3A_72] : memref<40x128xi32, #tpu.memory_space<vmem>> -> memref<1x128xi32, #tpu.memory_space<vmem>>
        %dma_start3A_74 = tpu.memref_squeeze %dma_start3A_73 : memref<1x128xi32, #tpu.memory_space<vmem>> -> memref<128xi32, #tpu.memory_space<vmem>>
        %dma_start3A_75 = arith.constant 0 : i32
        %dma_start3A_76 = arith.constant 0 : i32
        %dma_start3A_77 = tpu.memref_slice %arg2[%dma_start3A_75, %dma_start3A_76] : memref<10240x128xf32, #tpu.memory_space<hbm>> -> memref<10240x128xf32, #tpu.memory_space<hbm>>
        tpu.enqueue_indirect_dma source(%dma_start3A_77 : memref<10240x128xf32, #tpu.memory_space<hbm>>) target(%arg9 : memref<128x128xf32, #tpu.memory_space<vmem>>) offsets(%dma_start3A_74 : memref<128xi32, #tpu.memory_space<vmem>>) semaphore(%arg12 : memref<!tpu.dma_semaphore, #tpu.memory_space<semaphore_mem>>)
      } else {
      }
      %add3A_60 = arith.constant 1 : i32
      %add3A_61 = arith.addi %mul3A_43, %add3A_60 : i32
      %dma_wait3A_62 = arith.constant 0 : i32
      %dma_wait3A_63 = tpu.memref_slice %arg7[%add3A_61, %dma_wait3A_62] : memref<40x128xi32, #tpu.memory_space<vmem>> -> memref<1x128xi32, #tpu.memory_space<vmem>>
      %dma_wait3A_64 = tpu.memref_squeeze %dma_wait3A_63 : memref<1x128xi32, #tpu.memory_space<vmem>> -> memref<128xi32, #tpu.memory_space<vmem>>
      %dma_wait3A_65 = arith.constant 0 : i32
      %dma_wait3A_66 = arith.constant 0 : i32
      %dma_wait3A_67 = tpu.memref_slice %arg2[%dma_wait3A_65, %dma_wait3A_66] : memref<10240x128xf32, #tpu.memory_space<hbm>> -> memref<10240x128xf32, #tpu.memory_space<hbm>>
      tpu.wait_indirect_dma semaphore(%arg13 : memref<!tpu.dma_semaphore, #tpu.memory_space<semaphore_mem>>) src(%dma_wait3A_67 : memref<10240x128xf32, #tpu.memory_space<hbm>>) dst(%arg10 : memref<128x128xf32, #tpu.memory_space<vmem>>)
      %add3A_68 = arith.constant 1 : i32
      %add3A_69 = arith.addi %mul3A_43, %add3A_68 : i32
      "tpu.region"() ({
        %run_scoped3A = tpu.sem_alloc : memref<!tpu.dma_semaphore, #tpu.memory_space<semaphore_mem>>
        %dma_start3A_70 = arith.constant 0 : i32
        %dma_start3A_71 = tpu.memref_slice %arg8[%add3A_69, %dma_start3A_70] : memref<40x128xi32, #tpu.memory_space<vmem>> -> memref<1x128xi32, #tpu.memory_space<vmem>>
        %dma_start3A_72 = tpu.memref_squeeze %dma_start3A_71 : memref<1x128xi32, #tpu.memory_space<vmem>> -> memref<128xi32, #tpu.memory_space<vmem>>
        %dma_start3A_73 = arith.constant 0 : i32
        %dma_start3A_74 = arith.constant 0 : i32
        %dma_start3A_75 = tpu.memref_slice %arg11[%dma_start3A_73, %dma_start3A_74] : memref<10240x128xf32, #tpu.memory_space<vmem_shared>> -> memref<10240x128xf32, #tpu.memory_space<vmem_shared>>
        tpu.enqueue_indirect_dma source(%arg10 : memref<128x128xf32, #tpu.memory_space<vmem>>) target(%dma_start3A_75 : memref<10240x128xf32, #tpu.memory_space<vmem_shared>>) offsets(%dma_start3A_72 : memref<128xi32, #tpu.memory_space<vmem>>) semaphore(%run_scoped3A : memref<!tpu.dma_semaphore, #tpu.memory_space<semaphore_mem>>) {add = true}
        %dma_wait3A_76 = arith.constant 0 : i32
        %dma_wait3A_77 = tpu.memref_slice %arg8[%add3A_69, %dma_wait3A_76] : memref<40x128xi32, #tpu.memory_space<vmem>> -> memref<1x128xi32, #tpu.memory_space<vmem>>
        %dma_wait3A_78 = tpu.memref_squeeze %dma_wait3A_77 : memref<1x128xi32, #tpu.memory_space<vmem>> -> memref<128xi32, #tpu.memory_space<vmem>>
        %dma_wait3A_79 = arith.constant 0 : i32
        %dma_wait3A_80 = arith.constant 0 : i32
        %dma_wait3A_81 = tpu.memref_slice %arg11[%dma_wait3A_79, %dma_wait3A_80] : memref<10240x128xf32, #tpu.memory_space<vmem_shared>> -> memref<10240x128xf32, #tpu.memory_space<vmem_shared>>
        tpu.wait_indirect_dma semaphore(%run_scoped3A : memref<!tpu.dma_semaphore, #tpu.memory_space<semaphore_mem>>) src(%arg10 : memref<128x128xf32, #tpu.memory_space<vmem>>) dst(%dma_wait3A_81 : memref<10240x128xf32, #tpu.memory_space<vmem_shared>>)
        tpu.yield
      }) : () -> ()
    }
    %scan3A_39 = arith.constant 20 : i32
    %barrier3A_40 = arith.constant 0 : index
    tpu.barrier barrier_id(%barrier3A_40)
    "tpu.region"() ({
      %run_scoped3A = tpu.sem_alloc : memref<!tpu.dma_semaphore, #tpu.memory_space<semaphore_mem>>
      %dma_start3A_41 = arith.constant 0 : i32
      %dma_start3A_42 = tpu.memref_slice %arg6[%arg0, %mul3A_0, %dma_start3A_41] : memref<2x10240x128xf32, #tpu.memory_space<hbm>> -> memref<1x640x128xf32, #tpu.memory_space<hbm>>
      %dma_start3A_43 = tpu.memref_squeeze %dma_start3A_42 : memref<1x640x128xf32, #tpu.memory_space<hbm>> -> memref<640x128xf32, #tpu.memory_space<hbm>>
      %dma_start3A_44 = arith.constant 0 : i32
      %dma_start3A_45 = tpu.memref_slice %arg11[%mul3A_0, %dma_start3A_44] : memref<10240x128xf32, #tpu.memory_space<vmem_shared>> -> memref<640x128xf32, #tpu.memory_space<vmem_shared>>
      tpu.enqueue_dma source(%dma_start3A_45 : memref<640x128xf32, #tpu.memory_space<vmem_shared>>) target(%dma_start3A_43 : memref<640x128xf32, #tpu.memory_space<hbm>>) target_semaphore(%run_scoped3A : memref<!tpu.dma_semaphore, #tpu.memory_space<semaphore_mem>>)
      %dma_wait3A_46 = arith.constant 0 : i32
      %dma_wait3A_47 = tpu.memref_slice %arg6[%arg0, %mul3A_0, %dma_wait3A_46] : memref<2x10240x128xf32, #tpu.memory_space<hbm>> -> memref<1x640x128xf32, #tpu.memory_space<hbm>>
      %dma_wait3A_48 = tpu.memref_squeeze %dma_wait3A_47 : memref<1x640x128xf32, #tpu.memory_space<hbm>> -> memref<640x128xf32, #tpu.memory_space<hbm>>
      %dma_wait3A_49 = arith.constant 0 : i32
      %dma_wait3A_50 = tpu.memref_slice %arg11[%mul3A_0, %dma_wait3A_49] : memref<10240x128xf32, #tpu.memory_space<vmem_shared>> -> memref<640x128xf32, #tpu.memory_space<vmem_shared>>
      tpu.wait_dma2 semaphore(%run_scoped3A : memref<!tpu.dma_semaphore, #tpu.memory_space<semaphore_mem>>) src(%dma_wait3A_50 : memref<640x128xf32, #tpu.memory_space<vmem_shared>>) dst(%dma_wait3A_48 : memref<640x128xf32, #tpu.memory_space<hbm>>)
      tpu.yield
    }) : () -> ()
    return
  }
}

module attributes {stable_mosaic.version = 14 : i64} {
  func.func @_tc0_body(%arg0: i32, %arg1: memref<2x1024xf32, #tpu.memory_space<vmem>>, %arg2: memref<1024x128xf32, #tpu.memory_space<vmem>>, %arg3: memref<128x128xf32, #tpu.memory_space<vmem>>, %arg4: memref<1024x1xf32, #tpu.memory_space<vmem>>, %arg5: memref<1024x128xf32, #tpu.memory_space<vmem>>) attributes {dimension_semantics = [#tpu.dimension_semantics<arbitrary>], iteration_bounds = array<i64: 10>, scalar_prefetch = 0 : i64, scratch_operands = 0 : i64, tpu.core_type = #tpu.core_type<tc>, window_params = [{transform_indices = @transform_0, window_bounds = array<i64: 2, 1024>}, {transform_indices = @transform_1, window_bounds = array<i64: 1024, 128>}, {pipeline_mode = #tpu.pipeline_mode<synchronous>, transform_indices = @transform_2, window_bounds = array<i64: 128, 128>}, {transform_indices = @transform_3, window_bounds = array<i64: 1024, 1>}, {transform_indices = @transform_4, window_bounds = array<i64: 1024, 128>}]} {
    %get3A = arith.constant 0 : index
    %get3A_0 = arith.constant 0 : index
    %get3A_1 = vector.load %arg1[%get3A, %get3A_0] : memref<2x1024xf32, #tpu.memory_space<vmem>>, vector<1x1024xf32>
    %get3A_2 = vector.shape_cast %get3A_1 : vector<1x1024xf32> to vector<1024xf32>
    %get3A_3 = arith.constant 1 : index
    %get3A_4 = arith.constant 0 : index
    %get3A_5 = vector.load %arg1[%get3A_3, %get3A_4] : memref<2x1024xf32, #tpu.memory_space<vmem>>, vector<1x1024xf32>
    %get3A_6 = vector.shape_cast %get3A_5 : vector<1x1024xf32> to vector<1024xf32>
    %add3A = arith.addf %get3A_2, %get3A_6 : vector<1024xf32>
    %add3A_7 = arith.constant 1.000000e+00 : f32
    %add3A_8 = vector.broadcast %add3A_7 : f32 to vector<1024xf32>
    %add3A_9 = arith.addf %add3A, %add3A_8 : vector<1024xf32>
    %reshape3A = vector.shape_cast %add3A_9 : vector<1024xf32> to vector<1024x1xf32>
    %rsqrt3A = math.rsqrt %reshape3A : vector<1024x1xf32>
    %swap3A = arith.constant 0 : index
    %swap3A_10 = arith.constant 0 : index
    %swap3A_11 = vector.load %arg4[%swap3A, %swap3A_10] : memref<1024x1xf32, #tpu.memory_space<vmem>>, vector<1024x1xf32>
    tpu.vector_store %arg4[%swap3A, %swap3A_10], %rsqrt3A {strides = array<i32>} : memref<1024x1xf32, #tpu.memory_space<vmem>>, vector<1024x1xf32>,
    %get3A_12 = arith.constant 0 : index
    %get3A_13 = arith.constant 0 : index
    %get3A_14 = vector.load %arg2[%get3A_12, %get3A_13] : memref<1024x128xf32, #tpu.memory_space<vmem>>, vector<1024x128xf32>
    %get3A_15 = arith.constant 0 : index
    %get3A_16 = arith.constant 0 : index
    %get3A_17 = vector.load %arg3[%get3A_15, %get3A_16] : memref<128x128xf32, #tpu.memory_space<vmem>>, vector<128x128xf32>
    %dot_general3A = arith.constant dense<0.000000e+00> : vector<1024x128xf32>
    %dot_general3A_18 = tpu.matmul %get3A_14, %get3A_17, %dot_general3A {dimension_numbers = #tpu.dot_dimension_numbers<[1], [0], [0], [1], [0, 0, 1, 1], [], []>, transpose_lhs_hint = false} : vector<1024x128xf32>, vector<128x128xf32>, vector<1024x128xf32> -> vector<1024x128xf32>
    %mul3A = vector.broadcast %rsqrt3A : vector<1024x1xf32> to vector<1024x128xf32>
    %mul3A_19 = arith.mulf %mul3A, %dot_general3A_18 : vector<1024x128xf32>
    %swap3A_20 = arith.constant 0 : index
    %swap3A_21 = arith.constant 0 : index
    %swap3A_22 = vector.load %arg5[%swap3A_20, %swap3A_21] : memref<1024x128xf32, #tpu.memory_space<vmem>>, vector<1024x128xf32>
    tpu.vector_store %arg5[%swap3A_20, %swap3A_21], %mul3A_19 {strides = array<i32>} : memref<1024x128xf32, #tpu.memory_space<vmem>>, vector<1024x128xf32>,
    return
  }
  func.func @transform_0(%arg0: i32) -> (i32, i32) {
    %c0_i32 = arith.constant 0 : i32
    %c0_i32_0 = arith.constant 0 : i32
    return %c0_i32, %arg0 : i32, i32
  }
  func.func @transform_1(%arg0: i32) -> (i32, i32) {
    %c0_i32 = arith.constant 0 : i32
    %c0_i32_0 = arith.constant 0 : i32
    return %arg0, %c0_i32 : i32, i32
  }
  func.func @transform_2(%arg0: i32) -> (i32, i32) {
    %c0_i32 = arith.constant 0 : i32
    %c0_i32_0 = arith.constant 0 : i32
    %c0_i32_1 = arith.constant 0 : i32
    return %c0_i32, %c0_i32_0 : i32, i32
  }
  func.func @transform_3(%arg0: i32) -> (i32, i32) {
    %c0_i32 = arith.constant 0 : i32
    %c0_i32_0 = arith.constant 0 : i32
    return %arg0, %c0_i32 : i32, i32
  }
  func.func @transform_4(%arg0: i32) -> (i32, i32) {
    %c0_i32 = arith.constant 0 : i32
    %c0_i32_0 = arith.constant 0 : i32
    return %arg0, %c0_i32 : i32, i32
  }
}

module attributes {stable_mosaic.version = 14 : i64} {
  func.func @_tc_mid_body(%arg0: i32, %arg1: memref<1024x1xf32, #tpu.memory_space<vmem>>, %arg2: memref<2x1024x128xf32, #tpu.memory_space<vmem>>, %arg3: memref<1024x128xf32, #tpu.memory_space<vmem>>, %arg4: memref<1x128xf32, #tpu.memory_space<vmem>>, %arg5: memref<128x128xf32, #tpu.memory_space<vmem>>, %arg6: memref<1024x128xf32, #tpu.memory_space<vmem>>) attributes {dimension_semantics = [#tpu.dimension_semantics<arbitrary>], iteration_bounds = array<i64: 10>, scalar_prefetch = 0 : i64, scratch_operands = 0 : i64, tpu.core_type = #tpu.core_type<tc>, window_params = [{transform_indices = @transform_0, window_bounds = array<i64: 1024, 1>}, {transform_indices = @transform_1, window_bounds = array<i64: 2, 1024, 128>}, {transform_indices = @transform_2, window_bounds = array<i64: 1024, 128>}, {pipeline_mode = #tpu.pipeline_mode<synchronous>, transform_indices = @transform_3, window_bounds = array<i64: 1, 128>}, {pipeline_mode = #tpu.pipeline_mode<synchronous>, transform_indices = @transform_4, window_bounds = array<i64: 128, 128>}, {transform_indices = @transform_5, window_bounds = array<i64: 1024, 128>}]} {
    %get3A = arith.constant 0 : index
    %get3A_0 = arith.constant 0 : index
    %get3A_1 = vector.load %arg1[%get3A, %get3A_0] : memref<1024x1xf32, #tpu.memory_space<vmem>>, vector<1024x1xf32>
    %get3A_2 = arith.constant 0 : index
    %get3A_3 = arith.constant 0 : index
    %get3A_4 = arith.constant 0 : index
    %get3A_5 = vector.load %arg2[%get3A_2, %get3A_3, %get3A_4] : memref<2x1024x128xf32, #tpu.memory_space<vmem>>, vector<1x1024x128xf32>
    %get3A_6 = vector.shape_cast %get3A_5 : vector<1x1024x128xf32> to vector<1024x128xf32>
    %get3A_7 = arith.constant 1 : index
    %get3A_8 = arith.constant 0 : index
    %get3A_9 = arith.constant 0 : index
    %get3A_10 = vector.load %arg2[%get3A_7, %get3A_8, %get3A_9] : memref<2x1024x128xf32, #tpu.memory_space<vmem>>, vector<1x1024x128xf32>
    %get3A_11 = vector.shape_cast %get3A_10 : vector<1x1024x128xf32> to vector<1024x128xf32>
    %add3A = arith.addf %get3A_6, %get3A_11 : vector<1024x128xf32>
    %get3A_12 = arith.constant 0 : index
    %get3A_13 = arith.constant 0 : index
    %get3A_14 = vector.load %arg3[%get3A_12, %get3A_13] : memref<1024x128xf32, #tpu.memory_space<vmem>>, vector<1024x128xf32>
    %add3A_15 = arith.addf %add3A, %get3A_14 : vector<1024x128xf32>
    %mul3A = vector.broadcast %get3A_1 : vector<1024x1xf32> to vector<1024x128xf32>
    %mul3A_16 = arith.mulf %mul3A, %add3A_15 : vector<1024x128xf32>
    %get3A_17 = arith.constant 0 : index
    %get3A_18 = arith.constant 0 : index
    %get3A_19 = vector.load %arg4[%get3A_17, %get3A_18] : memref<1x128xf32, #tpu.memory_space<vmem>>, vector<1x128xf32>
    %add3A_20 = vector.broadcast %get3A_19 : vector<1x128xf32> to vector<1024x128xf32>
    %add3A_21 = arith.addf %mul3A_16, %add3A_20 : vector<1024x128xf32>
    %max3A = arith.constant 0.000000e+00 : f32
    %max3A_22 = vector.broadcast %max3A : f32 to vector<1024x128xf32>
    %max3A_23 = arith.maximumf %add3A_21, %max3A_22 : vector<1024x128xf32>
    %get3A_24 = arith.constant 0 : index
    %get3A_25 = arith.constant 0 : index
    %get3A_26 = vector.load %arg5[%get3A_24, %get3A_25] : memref<128x128xf32, #tpu.memory_space<vmem>>, vector<128x128xf32>
    %dot_general3A = arith.constant dense<0.000000e+00> : vector<1024x128xf32>
    %dot_general3A_27 = tpu.matmul %max3A_23, %get3A_26, %dot_general3A {dimension_numbers = #tpu.dot_dimension_numbers<[1], [0], [0], [1], [0, 0, 1, 1], [], []>, transpose_lhs_hint = false} : vector<1024x128xf32>, vector<128x128xf32>, vector<1024x128xf32> -> vector<1024x128xf32>
    %mul3A_28 = vector.broadcast %get3A_1 : vector<1024x1xf32> to vector<1024x128xf32>
    %mul3A_29 = arith.mulf %mul3A_28, %dot_general3A_27 : vector<1024x128xf32>
    %swap3A = arith.constant 0 : index
    %swap3A_30 = arith.constant 0 : index
    %swap3A_31 = vector.load %arg6[%swap3A, %swap3A_30] : memref<1024x128xf32, #tpu.memory_space<vmem>>, vector<1024x128xf32>
    tpu.vector_store %arg6[%swap3A, %swap3A_30], %mul3A_29 {strides = array<i32>} : memref<1024x128xf32, #tpu.memory_space<vmem>>, vector<1024x128xf32>,
    return
  }
  func.func @transform_0(%arg0: i32) -> (i32, i32) {
    %c0_i32 = arith.constant 0 : i32
    %c0_i32_0 = arith.constant 0 : i32
    return %arg0, %c0_i32 : i32, i32
  }
  func.func @transform_1(%arg0: i32) -> (i32, i32, i32) {
    %c0_i32 = arith.constant 0 : i32
    %c0_i32_0 = arith.constant 0 : i32
    %c0_i32_1 = arith.constant 0 : i32
    return %c0_i32, %arg0, %c0_i32_0 : i32, i32, i32
  }
  func.func @transform_2(%arg0: i32) -> (i32, i32) {
    %c0_i32 = arith.constant 0 : i32
    %c0_i32_0 = arith.constant 0 : i32
    return %arg0, %c0_i32 : i32, i32
  }
  func.func @transform_3(%arg0: i32) -> (i32, i32) {
    %c0_i32 = arith.constant 0 : i32
    %c0_i32_0 = arith.constant 0 : i32
    %c0_i32_1 = arith.constant 0 : i32
    return %c0_i32, %c0_i32_0 : i32, i32
  }
  func.func @transform_4(%arg0: i32) -> (i32, i32) {
    %c0_i32 = arith.constant 0 : i32
    %c0_i32_0 = arith.constant 0 : i32
    %c0_i32_1 = arith.constant 0 : i32
    return %c0_i32, %c0_i32_0 : i32, i32
  }
  func.func @transform_5(%arg0: i32) -> (i32, i32) {
    %c0_i32 = arith.constant 0 : i32
    %c0_i32_0 = arith.constant 0 : i32
    return %arg0, %c0_i32 : i32, i32
  }
}

module attributes {stable_mosaic.version = 14 : i64} {
  func.func @_tc_final_body(%arg0: i32, %arg1: memref<1024x1xf32, #tpu.memory_space<vmem>>, %arg2: memref<2x1024x128xf32, #tpu.memory_space<vmem>>, %arg3: memref<1024x128xf32, #tpu.memory_space<vmem>>, %arg4: memref<1x128xf32, #tpu.memory_space<vmem>>, %arg5: memref<1024x1xi32, #tpu.memory_space<vmem>>, %arg6: memref<128x1xf32, #tpu.memory_space<vmem>>, %arg7: memref<1x1xf32, #tpu.memory_space<vmem>>, %arg8: memref<16x1xf32, #tpu.memory_space<vmem>>, %arg9: memref<16x128xf32, #tpu.memory_space<vmem>>, %arg10: memref<16x1xf32, #tpu.memory_space<vmem>>) attributes {dimension_semantics = [#tpu.dimension_semantics<arbitrary>], iteration_bounds = array<i64: 10>, scalar_prefetch = 0 : i64, scratch_operands = 2 : i64, tpu.core_type = #tpu.core_type<tc>, window_params = [{transform_indices = @transform_0, window_bounds = array<i64: 1024, 1>}, {transform_indices = @transform_1, window_bounds = array<i64: 2, 1024, 128>}, {transform_indices = @transform_2, window_bounds = array<i64: 1024, 128>}, {pipeline_mode = #tpu.pipeline_mode<synchronous>, transform_indices = @transform_3, window_bounds = array<i64: 1, 128>}, {transform_indices = @transform_4, window_bounds = array<i64: 1024, 1>}, {pipeline_mode = #tpu.pipeline_mode<synchronous>, transform_indices = @transform_5, window_bounds = array<i64: 128, 1>}, {pipeline_mode = #tpu.pipeline_mode<synchronous>, transform_indices = @transform_6, window_bounds = array<i64: 1, 1>}, {pipeline_mode = #tpu.pipeline_mode<synchronous>, transform_indices = @transform_7, window_bounds = array<i64: 16, 1>}]} {
    %get3A = arith.constant 0 : index
    %get3A_0 = arith.constant 0 : index
    %get3A_1 = vector.load %arg1[%get3A, %get3A_0] : memref<1024x1xf32, #tpu.memory_space<vmem>>, vector<1024x1xf32>
    %get3A_2 = arith.constant 0 : index
    %get3A_3 = arith.constant 0 : index
    %get3A_4 = arith.constant 0 : index
    %get3A_5 = vector.load %arg2[%get3A_2, %get3A_3, %get3A_4] : memref<2x1024x128xf32, #tpu.memory_space<vmem>>, vector<1x1024x128xf32>
    %get3A_6 = vector.shape_cast %get3A_5 : vector<1x1024x128xf32> to vector<1024x128xf32>
    %get3A_7 = arith.constant 1 : index
    %get3A_8 = arith.constant 0 : index
    %get3A_9 = arith.constant 0 : index
    %get3A_10 = vector.load %arg2[%get3A_7, %get3A_8, %get3A_9] : memref<2x1024x128xf32, #tpu.memory_space<vmem>>, vector<1x1024x128xf32>
    %get3A_11 = vector.shape_cast %get3A_10 : vector<1x1024x128xf32> to vector<1024x128xf32>
    %add3A = arith.addf %get3A_6, %get3A_11 : vector<1024x128xf32>
    %get3A_12 = arith.constant 0 : index
    %get3A_13 = arith.constant 0 : index
    %get3A_14 = vector.load %arg3[%get3A_12, %get3A_13] : memref<1024x128xf32, #tpu.memory_space<vmem>>, vector<1024x128xf32>
    %add3A_15 = arith.addf %add3A, %get3A_14 : vector<1024x128xf32>
    %mul3A = vector.broadcast %get3A_1 : vector<1024x1xf32> to vector<1024x128xf32>
    %mul3A_16 = arith.mulf %mul3A, %add3A_15 : vector<1024x128xf32>
    %get3A_17 = arith.constant 0 : index
    %get3A_18 = arith.constant 0 : index
    %get3A_19 = vector.load %arg4[%get3A_17, %get3A_18] : memref<1x128xf32, #tpu.memory_space<vmem>>, vector<1x128xf32>
    %add3A_20 = vector.broadcast %get3A_19 : vector<1x128xf32> to vector<1024x128xf32>
    %add3A_21 = arith.addf %mul3A_16, %add3A_20 : vector<1024x128xf32>
    %max3A = arith.constant 0.000000e+00 : f32
    %max3A_22 = vector.broadcast %max3A : f32 to vector<1024x128xf32>
    %max3A_23 = arith.maximumf %add3A_21, %max3A_22 : vector<1024x128xf32>
    %get3A_24 = arith.constant 0 : index
    %get3A_25 = arith.constant 0 : index
    %get3A_26 = vector.load %arg5[%get3A_24, %get3A_25] : memref<1024x1xi32, #tpu.memory_space<vmem>>, vector<1024x1xi32>
    %iota3A = tpu.iota {dimensions = array<i32: 1>} : vector<1024x16xi32>
    %eq3A = vector.broadcast %get3A_26 : vector<1024x1xi32> to vector<1024x16xi32>
    %eq3A_27 = arith.cmpi eq, %eq3A, %iota3A : vector<1024x16xi32>
    %convert_element_type3A = arith.extui %eq3A_27 : vector<1024x16xi1> to vector<1024x16xi32>
    %convert_element_type3A_28 = arith.sitofp %convert_element_type3A : vector<1024x16xi32> to vector<1024x16xf32>
    %dot_general3A = arith.constant dense<0.000000e+00> : vector<16x128xf32>
    %dot_general3A_29 = tpu.matmul %convert_element_type3A_28, %max3A_23, %dot_general3A {dimension_numbers = #tpu.dot_dimension_numbers<[0], [0], [1], [1], [0, 1, 1, 1], [], []>, transpose_lhs_hint = false} : vector<1024x16xf32>, vector<1024x128xf32>, vector<16x128xf32> -> vector<16x128xf32>
    %broadcast_in_dim3A = arith.constant 1.000000e+00 : f32
    %broadcast_in_dim3A_30 = vector.broadcast %broadcast_in_dim3A : f32 to vector<1024x1xf32>
    %dot_general3A_31 = arith.constant dense<0.000000e+00> : vector<16x1xf32>
    %dot_general3A_32 = tpu.matmul %convert_element_type3A_28, %broadcast_in_dim3A_30, %dot_general3A_31 {dimension_numbers = #tpu.dot_dimension_numbers<[0], [0], [1], [1], [0, 1, 1, 1], [], []>, transpose_lhs_hint = false} : vector<1024x16xf32>, vector<1024x1xf32>, vector<16x1xf32> -> vector<16x1xf32>
    %eq3A_33 = arith.constant 0 : i32
    %eq3A_34 = arith.cmpi eq, %arg0, %eq3A_33 : i32
    %convert_element_type3A_35 = arith.extui %eq3A_34 : i1 to i32
    %cond3A = arith.constant 0 : i32
    %cond3A_36 = arith.cmpi ne, %convert_element_type3A_35, %cond3A : i32
    scf.if %cond3A_36 {
      %broadcast_in_dim3A_55 = arith.constant 0.000000e+00 : f32
      %broadcast_in_dim3A_56 = vector.broadcast %broadcast_in_dim3A_55 : f32 to vector<16x128xf32>
      %swap3A_57 = arith.constant 0 : index
      %swap3A_58 = arith.constant 0 : index
      %swap3A_59 = vector.load %arg9[%swap3A_57, %swap3A_58] : memref<16x128xf32, #tpu.memory_space<vmem>>, vector<16x128xf32>
      tpu.vector_store %arg9[%swap3A_57, %swap3A_58], %broadcast_in_dim3A_56 {strides = array<i32>} : memref<16x128xf32, #tpu.memory_space<vmem>>, vector<16x128xf32>,
      %broadcast_in_dim3A_60 = arith.constant 0.000000e+00 : f32
      %broadcast_in_dim3A_61 = vector.broadcast %broadcast_in_dim3A_60 : f32 to vector<16x1xf32>
      %swap3A_62 = arith.constant 0 : index
      %swap3A_63 = arith.constant 0 : index
      %swap3A_64 = vector.load %arg10[%swap3A_62, %swap3A_63] : memref<16x1xf32, #tpu.memory_space<vmem>>, vector<16x1xf32>
      tpu.vector_store %arg10[%swap3A_62, %swap3A_63], %broadcast_in_dim3A_61 {strides = array<i32>} : memref<16x1xf32, #tpu.memory_space<vmem>>, vector<16x1xf32>,
    } else {
    }
    %get3A_37 = arith.constant 0 : index
    %get3A_38 = arith.constant 0 : index
    %get3A_39 = vector.load %arg9[%get3A_37, %get3A_38] : memref<16x128xf32, #tpu.memory_space<vmem>>, vector<16x128xf32>
    %add3A_40 = arith.addf %get3A_39, %dot_general3A_29 : vector<16x128xf32>
    %swap3A = arith.constant 0 : index
    %swap3A_41 = arith.constant 0 : index
    %swap3A_42 = vector.load %arg9[%swap3A, %swap3A_41] : memref<16x128xf32, #tpu.memory_space<vmem>>, vector<16x128xf32>
    tpu.vector_store %arg9[%swap3A, %swap3A_41], %add3A_40 {strides = array<i32>} : memref<16x128xf32, #tpu.memory_space<vmem>>, vector<16x128xf32>,
    %get3A_43 = arith.constant 0 : index
    %get3A_44 = arith.constant 0 : index
    %get3A_45 = vector.load %arg10[%get3A_43, %get3A_44] : memref<16x1xf32, #tpu.memory_space<vmem>>, vector<16x1xf32>
    %add3A_46 = arith.addf %get3A_45, %dot_general3A_32 : vector<16x1xf32>
    %swap3A_47 = arith.constant 0 : index
    %swap3A_48 = arith.constant 0 : index
    %swap3A_49 = vector.load %arg10[%swap3A_47, %swap3A_48] : memref<16x1xf32, #tpu.memory_space<vmem>>, vector<16x1xf32>
    tpu.vector_store %arg10[%swap3A_47, %swap3A_48], %add3A_46 {strides = array<i32>} : memref<16x1xf32, #tpu.memory_space<vmem>>, vector<16x1xf32>,
    %eq3A_50 = arith.constant 9 : i32
    %eq3A_51 = arith.cmpi eq, %arg0, %eq3A_50 : i32
    %convert_element_type3A_52 = arith.extui %eq3A_51 : i1 to i32
    %cond3A_53 = arith.constant 0 : i32
    %cond3A_54 = arith.cmpi ne, %convert_element_type3A_52, %cond3A_53 : i32
    scf.if %cond3A_54 {
      %get3A_55 = arith.constant 0 : index
      %get3A_56 = arith.constant 0 : index
      %get3A_57 = vector.load %arg9[%get3A_55, %get3A_56] : memref<16x128xf32, #tpu.memory_space<vmem>>, vector<16x128xf32>
      %get3A_58 = arith.constant 0 : index
      %get3A_59 = arith.constant 0 : index
      %get3A_60 = vector.load %arg10[%get3A_58, %get3A_59] : memref<16x1xf32, #tpu.memory_space<vmem>>, vector<16x1xf32>
      %max3A_61 = arith.constant 1.000000e+00 : f32
      %max3A_62 = vector.broadcast %max3A_61 : f32 to vector<16x1xf32>
      %max3A_63 = arith.maximumf %get3A_60, %max3A_62 : vector<16x1xf32>
      %div3A = vector.broadcast %max3A_63 : vector<16x1xf32> to vector<16x128xf32>
      %div3A_64 = arith.divf %get3A_57, %div3A : vector<16x128xf32>
      %get3A_65 = arith.constant 0 : index
      %get3A_66 = arith.constant 0 : index
      %get3A_67 = vector.load %arg6[%get3A_65, %get3A_66] : memref<128x1xf32, #tpu.memory_space<vmem>>, vector<128x1xf32>
      %dot_general3A_68 = arith.constant dense<0.000000e+00> : vector<16x1xf32>
      %dot_general3A_69 = tpu.matmul %div3A_64, %get3A_67, %dot_general3A_68 {dimension_numbers = #tpu.dot_dimension_numbers<[1], [0], [0], [1], [0, 0, 1, 1], [], []>, transpose_lhs_hint = false} : vector<16x128xf32>, vector<128x1xf32>, vector<16x1xf32> -> vector<16x1xf32>
      %get3A_70 = arith.constant 0 : index
      %get3A_71 = arith.constant 0 : index
      %get3A_72 = vector.load %arg7[%get3A_70, %get3A_71] : memref<1x1xf32, #tpu.memory_space<vmem>>, vector<1x1xf32>
      %add3A_73 = vector.broadcast %get3A_72 : vector<1x1xf32> to vector<16x1xf32>
      %add3A_74 = arith.addf %dot_general3A_69, %add3A_73 : vector<16x1xf32>
      %swap3A_75 = arith.constant 0 : index
      %swap3A_76 = arith.constant 0 : index
      %swap3A_77 = vector.load %arg8[%swap3A_75, %swap3A_76] : memref<16x1xf32, #tpu.memory_space<vmem>>, vector<16x1xf32>
      tpu.vector_store %arg8[%swap3A_75, %swap3A_76], %add3A_74 {strides = array<i32>} : memref<16x1xf32, #tpu.memory_space<vmem>>, vector<16x1xf32>,
    } else {
    }
    return
  }
  func.func @transform_0(%arg0: i32) -> (i32, i32) {
    %c0_i32 = arith.constant 0 : i32
    %c0_i32_0 = arith.constant 0 : i32
    return %arg0, %c0_i32 : i32, i32
  }
  func.func @transform_1(%arg0: i32) -> (i32, i32, i32) {
    %c0_i32 = arith.constant 0 : i32
    %c0_i32_0 = arith.constant 0 : i32
    %c0_i32_1 = arith.constant 0 : i32
    return %c0_i32, %arg0, %c0_i32_0 : i32, i32, i32
  }
  func.func @transform_2(%arg0: i32) -> (i32, i32) {
    %c0_i32 = arith.constant 0 : i32
    %c0_i32_0 = arith.constant 0 : i32
    return %arg0, %c0_i32 : i32, i32
  }
  func.func @transform_3(%arg0: i32) -> (i32, i32) {
    %c0_i32 = arith.constant 0 : i32
    %c0_i32_0 = arith.constant 0 : i32
    %c0_i32_1 = arith.constant 0 : i32
    return %c0_i32, %c0_i32_0 : i32, i32
  }
  func.func @transform_4(%arg0: i32) -> (i32, i32) {
    %c0_i32 = arith.constant 0 : i32
    %c0_i32_0 = arith.constant 0 : i32
    return %arg0, %c0_i32 : i32, i32
  }
  func.func @transform_5(%arg0: i32) -> (i32, i32) {
    %c0_i32 = arith.constant 0 : i32
    %c0_i32_0 = arith.constant 0 : i32
    %c0_i32_1 = arith.constant 0 : i32
    return %c0_i32, %c0_i32_0 : i32, i32
  }
  func.func @transform_6(%arg0: i32) -> (i32, i32) {
    %c0_i32 = arith.constant 0 : i32
    %c0_i32_0 = arith.constant 0 : i32
    %c0_i32_1 = arith.constant 0 : i32
    return %c0_i32, %c0_i32_0 : i32, i32
  }
  func.func @transform_7(%arg0: i32) -> (i32, i32) {
    %c0_i32 = arith.constant 0 : i32
    %c0_i32_0 = arith.constant 0 : i32
    %c0_i32_1 = arith.constant 0 : i32
    return %c0_i32, %c0_i32_0 : i32, i32
  }
}

</mosaic_0001>

<sc_bundles>
// kernel: kernel.10.cloned.1.call-start
scs
__scs_entry_jumppad:
0x0: {  	(pc) =	sbr.rel $0x88, $3  }
0x1: {  	(tag) =	ssettag $0x0;
	lr =	simm.s32 $0x1  }
0x2: {  	[smem:$0x3F96] =	sst lr;
	_ =	strace $0xD0000000  }
0x3: {  	_ = 	snop  }
0x4: {  	_ = 	snop  }
0x5: {  	_ = 	snop  }
0x6: {  	_ = 	snop  }
0x7: {  	_ = 	snop  }
__scs_overlays_trampoline_lowered:
0x8: {  	[smem:$0x3FA5] =	sst s0  }
0x9: {  	[smem:$0x3FA6] =	sst s1  }
0xa: {  	[smem:$0x3FA7] =	sst s2  }
0xb: {  	[smem:$0x3FA8] =	sst s3  }
0xc: {  	[smem:$0x3FA9] =	sst s4  }
0xd: {  	[smem:$0x3FAA] =	sst s5  }
0xe: {  	[smem:$0x3FAB] =	sst s6  }
0xf: {  	[smem:$0x3FAC] =	sst s7  }
0x10: {  	[smem:$0x3FAD] =	sst s8  }
0x11: {  	[smem:$0x3FAE] =	sst s9;
	s0 =	simm.s32 @!p0 $0x0  }
0x12: {  	s1 =	sld [smem:$0x3F94];
	s0 =	simm.s32 @p0 $0x1  }
0x13: {  	[smem:$0x3FAF] =	sst s0;
	s0 =	simm.s32 @!p1 $0x0  }
0x14: {  	s2 =	sld [smem:$0x3F93];
	s0 =	simm.s32 @p1 $0x1  }
0x15: {  	[smem:$0x3FB0] =	sst s0;
	s0 =	simm.s32 @!p2 $0x0  }
0x16: {  	s3 =	sld [smem:$0x3FDB];
	s0 =	simm.s32 @p2 $0x1  }
0x17: {  	s4 =	simm.s32 $0x1BF5;
	[smem:$0x3FB2] =	sst s0  }
0x18: {  	s0 =	sld [smem:$0x3F95];
	_ =	swait.ge [sflag:s4], $0x0  }
0x19: {  	s7 =	sld [smem:$0x3F96]  }
0x1a: {  	s8 =	sadd.s32 $0xFFFFE003, lr  }
0x1b: {  	s9 =	sadd.s32 $0xFFFFFEF7, lr;
	s5 =	simm.s32 $0xFFFFFFFF;
	p2 =	slt.u32 s8, $0xFFFFF086  }
0x1c: {  	p1 =	slt.u32 s9, $0xF7A;
	s5 =	simm.s32 @!p2 $0x0  }
0x1d: {  	s5 =	simm.s32 @p1 $0x1;
	p0 =	seq.s32 s7, s2  }
0x1e: {  	s7 =	smul.u32 @!p0 $0xF7A, s2;
	p2 =	seq.s32 @!p0 s5, $0x0  }
0x1f: {  	s9 =	smul.u32 $0xF7A, s1;
	s8 =	simm.s32 @!p0 $0x1BF5;
	p2 =	por !p2, p0  }
0x20: {  	[sflag:s8] =	ssyncset.s32 @!p0 $0xFFFFF086;
	s6 =	sadd.s32 @!p0 s3, s7;
	s7 =	simm.s32 @!p0 $0x108  }
0x21: {  	s3 =	sadd.s32 s3, s9;
	s6 =	sadd.s32 @!p0 $0x88, s6;
	s7 =	simm.s32 @p2 $0x1082  }
0x22: {  	[simem:s7], [sflag:s8] =	dma.local @!p0 [hbm:s6], $0xF7A  }
0x23: {  	s9 =	sor.u32 $0xD0000000, s2;
	s6 =	simm.s32 $0x108;
	_ =	swait.ge @!p0 [sflag:s8], $0x0  }
0x24: {  	s3 =	sadd.s32 $0x88, s3;
	s6 =	simm.s32 @!p1 $0x1082;
	[sflag:s4] =	ssyncset.s32 $0xFFFFF086  }
0x25: {  	[simem:s6], [sflag:s4] =	dma.local [hbm:s3], $0xF7A  }
0x26: {  	[smem:$0x3F96] =	sst s1;
	(tag) =	ssettag s2;
	_ =	strace s9  }
0x27: {  	s1 =	sld [smem:$0x3FA6]  }
0x28: {  	s2 =	sld [smem:$0x3FA7]  }
0x29: {  	s4 =	sld [smem:$0x3FA9]  }
0x2a: {  	p0 =	seq.s32 s5, $0x0;
	s5 =	sld [smem:$0x3FAA]  }
0x2b: {  	s6 =	sld [smem:$0x3FAB]  }
0x2c: {  	s7 =	sld [smem:$0x3FAC]  }
0x2d: {  	s3 =	simm.s32 $0x108;
	s8 =	sld [smem:$0x3FAD]  }
0x2e: {  	s3 =	simm.s32 @!p0 $0x1082;
	s9 =	sld [smem:$0x3FAE]  }
0x2f: {  	lr =	sadd.s32 s0, s3;
	s0 =	sld [smem:$0x3FA5]  }
0x30: {  	s3 =	sld [smem:$0x3FA8]  }
0x31: {  	[smem:$0x3FB1] =	sst s10  }
0x32: {  	s10 =	sld [smem:$0x3FAF];
	_ =	sdelay $0x3  }
0x33: {  	p0 =	seq.s32 s10, $0x1;
	s10 =	sld [smem:$0x3FB1];
	_ =	sdelay $0x3  }
0x34: {  	[smem:$0x3FB1] =	sst s10  }
0x35: {  	s10 =	sld [smem:$0x3FB0];
	_ =	sdelay $0x3  }
0x36: {  	p1 =	seq.s32 s10, $0x1;
	s10 =	sld [smem:$0x3FB1];
	_ =	sdelay $0x3  }
0x37: {  	[smem:$0x3FB1] =	sst s10  }
0x38: {  	s10 =	sld [smem:$0x3FB2]  }
0x39: {  	_ = 	snop;
	(pc) =	sbr.ind lr, $3  }
0x3a: {  	_ = 	snop  }
0x3b: {  	_ = 	snop  }
0x3c: {  	p2 =	seq.s32 s10, $0x1;
	s10 =	sld [smem:$0x3FB1]  }
0x3d: {  	_ =	shalt  }
0x3e: {  	_ =	shalt  }
0x3f: {  	_ =	shalt  }
0x40: {  	_ =	shalt  }
0x41: {  	_ =	shalt  }
0x42: {  	_ =	shalt  }
0x43: {  	_ =	shalt  }
0x44: {  	_ =	shalt  }
0x45: {  	_ =	shalt  }
0x46: {  	_ =	shalt  }
0x47: {  	_ =	shalt  }
0x48: {  	_ =	shalt  }
0x49: {  	_ =	shalt  }
0x4a: {  	_ =	shalt  }
0x4b: {  	_ =	shalt  }
0x4c: {  	_ =	shalt  }
0x4d: {  	_ =	shalt  }
0x4e: {  	_ =	shalt  }
0x4f: {  	_ =	shalt  }
0x50: {  	_ =	shalt  }
0x51: {  	_ =	shalt  }
0x52: {  	_ =	shalt  }
0x53: {  	_ =	shalt  }
0x54: {  	_ =	shalt  }
0x55: {  	_ =	shalt  }
0x56: {  	_ =	shalt  }
0x57: {  	_ =	shalt  }
0x58: {  	_ =	shalt  }
0x59: {  	_ =	shalt  }
0x5a: {  	_ =	shalt  }
0x5b: {  	_ =	shalt  }
0x5c: {  	_ =	shalt  }
0x5d: {  	_ =	shalt  }
0x5e: {  	_ =	shalt  }
0x5f: {  	_ =	shalt  }
0x60: {  	_ =	shalt  }
0x61: {  	_ =	shalt  }
0x62: {  	_ =	shalt  }
0x63: {  	_ =	shalt  }
0x64: {  	_ =	shalt  }
0x65: {  	_ =	shalt  }
0x66: {  	_ =	shalt  }
0x67: {  	_ =	shalt  }
0x68: {  	_ =	shalt  }
0x69: {  	_ =	shalt  }
0x6a: {  	_ =	shalt  }
0x6b: {  	_ =	shalt  }
0x6c: {  	_ =	shalt  }
0x6d: {  	_ =	shalt  }
0x6e: {  	_ =	shalt  }
0x6f: {  	_ =	shalt  }
0x70: {  	_ =	shalt  }
0x71: {  	_ =	shalt  }
0x72: {  	_ =	shalt  }
0x73: {  	_ =	shalt  }
0x74: {  	_ =	shalt  }
0x75: {  	_ =	shalt  }
0x76: {  	_ =	shalt  }
0x77: {  	_ =	shalt  }
0x78: {  	_ =	shalt  }
0x79: {  	_ =	shalt  }
0x7a: {  	_ =	shalt  }
0x7b: {  	_ =	shalt  }
0x7c: {  	_ =	shalt  }
0x7d: {  	_ =	shalt  }
0x7e: {  	_ =	shalt  }
0x7f: {  	_ =	shalt  }
0x80: {  	_ =	shalt  }
0x81: {  	_ =	shalt  }
0x82: {  	_ =	shalt  }
0x83: {  	_ =	shalt  }
0x84: {  	_ =	shalt  }
0x85: {  	_ =	shalt  }
0x86: {  	_ =	shalt  }
0x87: {  	_ =	shalt  }
.Lfunc_end0:
.L_simem_size_0:
called_computation_lowered:
.L_overlay_start_0:
0x88: {  	s2 =	sld [smem:$0x3FD9]  }
0x89: {  	s3 =	sld [smem:$0x3FFE];
	_ =	sdelay $0x1  }
0x8a: {  	s1 =	srdreg.scid  }
0x8b: {  	s0 =	sand.u32 $0x1, s1  }
0x8c: {  	s17 =	sshll.u32 s0, $0xA;
	s2 =	sadd.s32 s3, s2  }
0x8d: {  	s2 =	sadd.s32 s2, s17  }
0x8e: {  	[smem:$0x3FBD] =	sst s2  }
0x8f: {  	_ = 	snop  }
0x90: {  	s2 =	sld [smem:$0x3FD0];
	(tm) =	ssettm $0x1  }
0x91: {  	s18 =	sld [smem:$0x3FFB];
	_ =	sdelay $0x3  }
0x92: {  	_ =	strace s18  }
0x93: {  	s3 =	sld [smem:$0x3FFC];
	_ =	sdelay $0x3  }
0x94: {  	_ =	strace s3  }
0x95: {  	s3 =	sld [smem:$0x3FFD];
	_ =	sdelay $0x3  }
0x96: {  	_ =	strace s3  }
0x97: {  	_ =	strace $0x8FFFFFFF  }
0x98: {  	s19 =	sld [smem:$0x3FDB];
	_ =	sdelay $0x1  }
0x99: {  	s4 =	simm.s32 $_scs_section_size  }
0x9a: {  	s5 =	simm.s32 $_size__tile_overlayer_lowered;
	s6 =	simm.s32 $_tile_overlayer_lowered  }
0x9b: {  	s22 =	simm.s32 $0x1BFF;
	s21 =	sshll.u32 s6, $0x1;
	s3 =	sadd.s32 s4, s19  }
0x9c: {  	s7 =	simm.s32 $0x0;
	s20 =	sshll.u32 s5, $0x1;
	s5 =	sadd.s32 s21, s3  }
0x9d: {  	[timem:s7], [sflag:s22] =	dma.local [hbm:s5], s20  }
0x9e: {  	_ =	swait.ge [sflag:s22], s20  }
0x9f: {  	s4 =	ssub.s32 $0x0, s20;
	[sflag:s22] =	ssyncset.done $0x0  }
0xa0: {  	[sflag:s22] =	ssyncadd.s32 s4;
	_ =	sdelay $0x1  }
0xa1: {  	s23 =	simm.s32 $0x1B8B  }
0xa2: {  	_ =	swait.ge [sflag:s23], $0x1  }
0xa3: {  	[sflag:s23] =	ssyncset.done $0x0  }
0xa4: {  	s25 =	simm.s32 $0x1B8E;
	s24 =	sld [smem:$0x3FFE];
	[sflag:s23] =	ssyncadd.s32 $0xFFFFFFFF  }
0xa5: {  	s26 =	simm.s32 $execute0_lowered;
	[smem:$0x3FD2] =	sst s25  }
0xa6: {  	s5 =	sshll.u32 s26, $0x1;
	_ =	strace $0x80000046;
	[dreg:$0x1] =	wrdreg $0xFFFFFFFF  }
0xa7: {  	s28 =	simm.s32 $_size_execute0_lowered;
	s3 =	sadd.s32 s3, s5;
	[dreg:$0x0] =	wrdreg $0x0  }
0xa8: {  	s5 =	sshll.u32 s28, $0x1;
	[dreg:$0x2] =	wrdreg s3  }
0xa9: {  	[dreg:$0x3] =	wrdreg s5  }
0xaa: {  	[dreg:$0x4] =	wrdreg $0xC0  }
0xab: {  	_ =	task [dreg:s7], $0x5FFFF  }
0xac: {  	[dreg:$0x1] =	wrdreg $0xFFFFFFFF  }
0xad: {  	[dreg:$0x0] =	wrdreg $0x60  }
0xae: {  	[dreg:$0x2] =	wrdreg s24  }
0xaf: {  	[dreg:$0x3] =	wrdreg s2  }
0xb0: {  	[dreg:$0x4] =	wrdreg $0x28800  }
0xb1: {  	[dreg:$0x5] =	wrdreg $0x9  }
0xb2: {  	_ =	task.clear_ibuf [dreg:s7], $0x6FFFF;
	_ =	strace $0x90000046  }
0xb3: {  	s29 =	simm.s32 $0x9;
	_ =	strace $0x80000048  }
0xb4: {  	_ =	swait.ge [sflag:s29], $0x1  }
0xb5: {  	[sflag:s29] =	ssyncadd.s32 $0xFFFFFFFF  }
0xb6: {  	_ =	strace $0x90000048  }
0xb7: {  	_ =	sfence  }
0xb8: {  	s30 =	sld [smem:$0x0];
	_ =	sdelay $0x2  }
0xb9: {  	s31 =	sshll.u32 s1, $0xD;
	s1 =	sshrl.u32 s1, $0x2  }
0xba: {  	s3 =	sand.u32 $0x4000, s31;
	s1 =	sadd.s32 s1, s30  }
0xbb: {  	s0 =	sor.u32 s3, s0;
	s1 =	sshll.u32 s1, $0x11  }
0xbc: {  	s0 =	sor.u32 s1, s0  }
0xbd: {  	s0 =	sadd.s32 $0x8F2B, s0  }
0xbe: {  	[sflag:s0] =	ssyncadd.remote.s32 $0x1  }
0xbf: {  	_ =	sfence.sel $0xFFFF  }
0xc0: {  	[dreg:$0x0] =	wrdreg $0xFFFFFFFF;
	(pc) =	sbr.abs _section_cstart, $3  }
0xc1: {  	[dreg:$0x1] =	wrdreg $0xFFFFFFFF  }
0xc2: {  	_ =	task.clear_ibuf [dreg:s7], $0x2FFFF;
	_ =	strace $0x9FFFFFFF  }
0xc3: {  	(tm) =	ssettm $0x7FFFFFFF  }
tec
execute0_lowered:
.L_overlay_start_1:
0x0: {  	(tag) =	ssettag $0x1  }
0x1: {  	s6 =	rddreg [dreg:$0x0]  }
0x2: {  	s2 =	rddreg [dreg:$0x1]  }
0x3: {  	s0 =	srdreg.scid;
	s3 =	rddreg [dreg:$0x2];
	s4 =	simm.s32 $0x0  }
0x4: {  	s12 =	simm.s32 $0x2800;
	s13 =	simm.s32 $0x80;
	s14 =	simm.s32 $0x20  }
0x5: {  	s15 =	simm.s32 $0x10;
	s16 =	simm.s32 $0x0;
	s5 =	sand.u32 $0x1, s0  }
0x6: {  	s0 =	stileid.u32;
	[smem:$0x7FF] =	sst s4;
	s1 =	sshll.u32 s5, $0x4  }
0x7: {  	s8 =	smul.u32 $0x500, s0;
	s9 =	sshll.u32 s5, $0x7;
	s28 =	ssub.s32 $0x2, s5  }
0x8: {  	s10 =	smul.u32 $0xA00, s0;
	s5 =	sadd.s32 $0x17200, s6;
	s1 =	sor.u32 s0, s1  }
0x9: {  	s31 =	sshll.u32 s0, $0x6;
	s29 =	sshrl.u32 s28, $0x1;
	s7 =	smul.u32 $0x500, s1  }
0xa: {  	s1 =	rddreg [dreg:$0x3];
	_ =	strace $0x80000047;
	s8 =	sor.u32 s9, s8  }
0xb: {  	s9 =	ssub.s32 s28, s29;
	s30 =	sshrl.u32 s10, $0x2;
	s8 =	sshrl.u32 s8, $0x3  }
0xc: {  	s11 =	sadd.s32 s30, s3;
	s9 =	smax.u32 s9, $0x1;
	s7 =	sadd.s32 s7, s6  }
0xd: {  	s8 =	sadd.s32 s8, s6;
	s6 =	sor.u32 $0x1C01, s31;
	s10 =	sshrl.u32 s11, $0x3  }
0xe: {  	s11 =	simm.s32 $0x1;
	s7 =	sadd.s32 $0xD200, s7;
	s8 =	sadd.s32 $0x17400, s8  }
.LBB2_1:
0xf: {  	[spmem:s10], [sflag:s6] =	dma.local [hbm:s5], $0x50  }
0x10: {  	_ =	swait.ge [sflag:s11], $0x50  }
0x11: {  	[sflag:s11] =	ssyncset.done $0x0  }
0x12: {  	[sflag:s11] =	ssyncadd.s32 $0xFFFFFFB0  }
0x13: {  	[tilespmem:s12], [sflag:$0x1] =	stream.linear.gather [hbm4b:s2+s4], $0x80, $0x38;
	[tilespmem:$0x2B00] =	vst v63  }
0x14: {  	_ =	swait.ge [sflag:s11], $0x80  }
0x15: {  	[sflag:s11] =	ssyncset.done $0x0  }
0x16: {  	[sflag:s11] =	ssyncadd.s32 $0xFFFFFF80  }
0x17: {  	[tilespmem:s4], [sflag:$0x1] =	stream.linear.gather [hbm4b:s7+s4], $0x2800, $0x38;
	[tilespmem:$0x2B00] =	vst v63  }
0x18: {  	_ =	swait.ge [sflag:s11], $0x2800  }
0x19: {  	[sflag:s11] =	ssyncset.done $0x0  }
0x1a: {  	[sflag:s11] =	ssyncadd.s32 $0xFFFFD800  }
0x1b: {  	s17 =	simm.s32 $0x0;
	[bflag:$0x0] =	sbarrier.arrive $0xFFFF  }
0x1c: {  	[spmem:s3] =	stream.indirect.scatter.add.f32 [tilespmem:s12], [sflag:$0x1], $0x1, s17, s13, $0xb8;
	[tilespmem:$0x2B00] =	vst v63  }
0x1d: {  	_ =	swait.ge [sflag:s11], $0x80  }
0x1e: {  	s17 =	simm.s32 $0x200;
	[sflag:s11] =	ssyncset.done $0x0  }
.LBB2_2:
0x1f: {  	s18 =	sshra.s32 s17, $0x2;
	[sflag:s11] =	ssyncadd.s32 $0xFFFFFF80;
	p0 =	sne.s32 s17, $0x9E00  }
0x20: {  	[spmem:s3] =	stream.indirect.scatter.add.f32 [tilespmem:s12], [sflag:$0x1], $0x1, s18, s13, $0xb8;
	[tilespmem:$0x2B00] =	vst v63  }
.Ltmp0:
0x21: {  	_ = 	snop;
	(pc) =	sbr.rel @p0 .LBB2_2-.Ltmp0, $4  }
0x22: {  	_ = 	snop  }
0x23: {  	s17 =	sadd.s32 $0x200, s17  }
0x24: {  	_ =	swait.ge [sflag:s11], $0x80  }
0x25: {  	[sflag:s11] =	ssyncset.done $0x0  }
0x26: {  	s16 =	sadd.s32 $0x1, s16  }
0x27: {  	[sflag:s11] =	ssyncadd.s32 $0xFFFFFF80;
	p0 =	sne.s32 s16, s9  }
.Ltmp1:
0x28: {  	[bflag:$0x0] =	sbarrier.arrive $0xFFFF;
	(pc) =	sbr.rel @p0 .LBB2_1-.Ltmp1, $4  }
0x29: {  	[hbm:s8@s14], [sflag:s6] =	dma.strided [spmem:s10@s15], $0x50, s11, $0x10   }
0x2a: {  	_ =	swait.ge [sflag:s11], $0x50  }
0x2b: {  	[sflag:s11] =	ssyncset.done $0x0  }
0x2c: {  	[sflag:s11] =	ssyncadd.s32 $0xFFFFFFB0  }
0x2d: {  	_ =	sfence.sel $0x180000  }
0x2e: {  	[bflag:$0x0] =	sbarrier.arrive $0xFFFF  }
0x2f: {  	p0 =	sne.s32 s0, $0x0;
	_ =	strace $0x90000047  }
0x30: {  	s0 =	sadd.s32 @!p0 $0x100000, s1;
	[bflag:$0x2] =	sbarrier.arrive $0xFFFF  }
0x31: {  	[sflag:s0] =	ssyncadd.tile.s32 @!p0 $0x1;
	_ =	shalt  }
.Lfunc_end2:
_tile_overlayer_lowered:
.L_overlay_start_2:
0x32: {  	(tag) =	ssettag $0x2  }
0x33: {  	s0 =	rddreg [dreg:$0x0];
	s2 =	stileid.u32  }
0x34: {  	s1 =	rddreg [dreg:$0x1];
	p0 =	sne.s32 s2, $0x0  }
0x35: {  	s3 =	rddreg [dreg:$0x2];
	[bflag:$0x3] =	sbarrier.arrive $0xFFFF;
	s2 =	simm.s32 @!p0 $0x1C01  }
0x36: {  	[timem:s3], [sflag:s2] =	dma.local @!p0 [hbm:s0], s1  }
0x37: {  	s0 =	simm.s32 @!p0 $0x1  }
0x38: {  	_ =	swait.ge @!p0 [sflag:s0], s1  }
0x39: {  	s1 =	ssub.s32 @!p0 $0x0, s1;
	[sflag:s0] =	ssyncset.done @!p0 $0x0  }
0x3a: {  	[sflag:s0] =	ssyncadd.s32 @!p0 s1  }
0x3b: {  	[bflag:$0x3] =	sbarrier.arrive $0xFFFF  }
0x3c: {  	_ =	shalt  }

// kernel: kernel.13.cloned.1.call-start
scs
__scs_entry_jumppad:
0x0: {  	(pc) =	sbr.rel $0x88, $3  }
0x1: {  	(tag) =	ssettag $0x0;
	lr =	simm.s32 $0x1  }
0x2: {  	[smem:$0x3F96] =	sst lr;
	_ =	strace $0xD0000000  }
0x3: {  	_ = 	snop  }
0x4: {  	_ = 	snop  }
0x5: {  	_ = 	snop  }
0x6: {  	_ = 	snop  }
0x7: {  	_ = 	snop  }
__scs_overlays_trampoline_lowered:
0x8: {  	[smem:$0x3FA5] =	sst s0  }
0x9: {  	[smem:$0x3FA6] =	sst s1  }
0xa: {  	[smem:$0x3FA7] =	sst s2  }
0xb: {  	[smem:$0x3FA8] =	sst s3  }
0xc: {  	[smem:$0x3FA9] =	sst s4  }
0xd: {  	[smem:$0x3FAA] =	sst s5  }
0xe: {  	[smem:$0x3FAB] =	sst s6  }
0xf: {  	[smem:$0x3FAC] =	sst s7  }
0x10: {  	[smem:$0x3FAD] =	sst s8  }
0x11: {  	[smem:$0x3FAE] =	sst s9;
	s0 =	simm.s32 @!p0 $0x0  }
0x12: {  	s1 =	sld [smem:$0x3F94];
	s0 =	simm.s32 @p0 $0x1  }
0x13: {  	[smem:$0x3FAF] =	sst s0;
	s0 =	simm.s32 @!p1 $0x0  }
0x14: {  	s2 =	sld [smem:$0x3F93];
	s0 =	simm.s32 @p1 $0x1  }
0x15: {  	[smem:$0x3FB0] =	sst s0;
	s0 =	simm.s32 @!p2 $0x0  }
0x16: {  	s3 =	sld [smem:$0x3FDB];
	s0 =	simm.s32 @p2 $0x1  }
0x17: {  	s4 =	simm.s32 $0x1BF5;
	[smem:$0x3FB2] =	sst s0  }
0x18: {  	s0 =	sld [smem:$0x3F95];
	_ =	swait.ge [sflag:s4], $0x0  }
0x19: {  	s7 =	sld [smem:$0x3F96]  }
0x1a: {  	s8 =	sadd.s32 $0xFFFFE003, lr  }
0x1b: {  	s9 =	sadd.s32 $0xFFFFFEF7, lr;
	s5 =	simm.s32 $0xFFFFFFFF;
	p2 =	slt.u32 s8, $0xFFFFF086  }
0x1c: {  	p1 =	slt.u32 s9, $0xF7A;
	s5 =	simm.s32 @!p2 $0x0  }
0x1d: {  	s5 =	simm.s32 @p1 $0x1;
	p0 =	seq.s32 s7, s2  }
0x1e: {  	s7 =	smul.u32 @!p0 $0xF7A, s2;
	p2 =	seq.s32 @!p0 s5, $0x0  }
0x1f: {  	s9 =	smul.u32 $0xF7A, s1;
	s8 =	simm.s32 @!p0 $0x1BF5;
	p2 =	por !p2, p0  }
0x20: {  	[sflag:s8] =	ssyncset.s32 @!p0 $0xFFFFF086;
	s6 =	sadd.s32 @!p0 s3, s7;
	s7 =	simm.s32 @!p0 $0x108  }
0x21: {  	s3 =	sadd.s32 s3, s9;
	s6 =	sadd.s32 @!p0 $0x88, s6;
	s7 =	simm.s32 @p2 $0x1082  }
0x22: {  	[simem:s7], [sflag:s8] =	dma.local @!p0 [hbm:s6], $0xF7A  }
0x23: {  	s9 =	sor.u32 $0xD0000000, s2;
	s6 =	simm.s32 $0x108;
	_ =	swait.ge @!p0 [sflag:s8], $0x0  }
0x24: {  	s3 =	sadd.s32 $0x88, s3;
	s6 =	simm.s32 @!p1 $0x1082;
	[sflag:s4] =	ssyncset.s32 $0xFFFFF086  }
0x25: {  	[simem:s6], [sflag:s4] =	dma.local [hbm:s3], $0xF7A  }
0x26: {  	[smem:$0x3F96] =	sst s1;
	(tag) =	ssettag s2;
	_ =	strace s9  }
0x27: {  	s1 =	sld [smem:$0x3FA6]  }
0x28: {  	s2 =	sld [smem:$0x3FA7]  }
0x29: {  	s4 =	sld [smem:$0x3FA9]  }
0x2a: {  	p0 =	seq.s32 s5, $0x0;
	s5 =	sld [smem:$0x3FAA]  }
0x2b: {  	s6 =	sld [smem:$0x3FAB]  }
0x2c: {  	s7 =	sld [smem:$0x3FAC]  }
0x2d: {  	s3 =	simm.s32 $0x108;
	s8 =	sld [smem:$0x3FAD]  }
0x2e: {  	s3 =	simm.s32 @!p0 $0x1082;
	s9 =	sld [smem:$0x3FAE]  }
0x2f: {  	lr =	sadd.s32 s0, s3;
	s0 =	sld [smem:$0x3FA5]  }
0x30: {  	s3 =	sld [smem:$0x3FA8]  }
0x31: {  	[smem:$0x3FB1] =	sst s10  }
0x32: {  	s10 =	sld [smem:$0x3FAF];
	_ =	sdelay $0x3  }
0x33: {  	p0 =	seq.s32 s10, $0x1;
	s10 =	sld [smem:$0x3FB1];
	_ =	sdelay $0x3  }
0x34: {  	[smem:$0x3FB1] =	sst s10  }
0x35: {  	s10 =	sld [smem:$0x3FB0];
	_ =	sdelay $0x3  }
0x36: {  	p1 =	seq.s32 s10, $0x1;
	s10 =	sld [smem:$0x3FB1];
	_ =	sdelay $0x3  }
0x37: {  	[smem:$0x3FB1] =	sst s10  }
0x38: {  	s10 =	sld [smem:$0x3FB2]  }
0x39: {  	_ = 	snop;
	(pc) =	sbr.ind lr, $3  }
0x3a: {  	_ = 	snop  }
0x3b: {  	_ = 	snop  }
0x3c: {  	p2 =	seq.s32 s10, $0x1;
	s10 =	sld [smem:$0x3FB1]  }
0x3d: {  	_ =	shalt  }
0x3e: {  	_ =	shalt  }
0x3f: {  	_ =	shalt  }
0x40: {  	_ =	shalt  }
0x41: {  	_ =	shalt  }
0x42: {  	_ =	shalt  }
0x43: {  	_ =	shalt  }
0x44: {  	_ =	shalt  }
0x45: {  	_ =	shalt  }
0x46: {  	_ =	shalt  }
0x47: {  	_ =	shalt  }
0x48: {  	_ =	shalt  }
0x49: {  	_ =	shalt  }
0x4a: {  	_ =	shalt  }
0x4b: {  	_ =	shalt  }
0x4c: {  	_ =	shalt  }
0x4d: {  	_ =	shalt  }
0x4e: {  	_ =	shalt  }
0x4f: {  	_ =	shalt  }
0x50: {  	_ =	shalt  }
0x51: {  	_ =	shalt  }
0x52: {  	_ =	shalt  }
0x53: {  	_ =	shalt  }
0x54: {  	_ =	shalt  }
0x55: {  	_ =	shalt  }
0x56: {  	_ =	shalt  }
0x57: {  	_ =	shalt  }
0x58: {  	_ =	shalt  }
0x59: {  	_ =	shalt  }
0x5a: {  	_ =	shalt  }
0x5b: {  	_ =	shalt  }
0x5c: {  	_ =	shalt  }
0x5d: {  	_ =	shalt  }
0x5e: {  	_ =	shalt  }
0x5f: {  	_ =	shalt  }
0x60: {  	_ =	shalt  }
0x61: {  	_ =	shalt  }
0x62: {  	_ =	shalt  }
0x63: {  	_ =	shalt  }
0x64: {  	_ =	shalt  }
0x65: {  	_ =	shalt  }
0x66: {  	_ =	shalt  }
0x67: {  	_ =	shalt  }
0x68: {  	_ =	shalt  }
0x69: {  	_ =	shalt  }
0x6a: {  	_ =	shalt  }
0x6b: {  	_ =	shalt  }
0x6c: {  	_ =	shalt  }
0x6d: {  	_ =	shalt  }
0x6e: {  	_ =	shalt  }
0x6f: {  	_ =	shalt  }
0x70: {  	_ =	shalt  }
0x71: {  	_ =	shalt  }
0x72: {  	_ =	shalt  }
0x73: {  	_ =	shalt  }
0x74: {  	_ =	shalt  }
0x75: {  	_ =	shalt  }
0x76: {  	_ =	shalt  }
0x77: {  	_ =	shalt  }
0x78: {  	_ =	shalt  }
0x79: {  	_ =	shalt  }
0x7a: {  	_ =	shalt  }
0x7b: {  	_ =	shalt  }
0x7c: {  	_ =	shalt  }
0x7d: {  	_ =	shalt  }
0x7e: {  	_ =	shalt  }
0x7f: {  	_ =	shalt  }
0x80: {  	_ =	shalt  }
0x81: {  	_ =	shalt  }
0x82: {  	_ =	shalt  }
0x83: {  	_ =	shalt  }
0x84: {  	_ =	shalt  }
0x85: {  	_ =	shalt  }
0x86: {  	_ =	shalt  }
0x87: {  	_ =	shalt  }
.Lfunc_end0:
.L_simem_size_0:
called_computation.1_lowered:
.L_overlay_start_0:
0x88: {  	s2 =	sld [smem:$0x3FD9]  }
0x89: {  	s3 =	sld [smem:$0x3FFE];
	_ =	sdelay $0x1  }
0x8a: {  	s1 =	srdreg.scid  }
0x8b: {  	s0 =	sand.u32 $0x1, s1  }
0x8c: {  	s16 =	sshll.u32 s0, $0xA;
	s2 =	sadd.s32 s3, s2  }
0x8d: {  	s2 =	sadd.s32 s2, s16  }
0x8e: {  	[smem:$0x3FBD] =	sst s2  }
0x8f: {  	_ = 	snop  }
0x90: {  	(tm) =	ssettm $0x1  }
0x91: {  	s17 =	sld [smem:$0x3FFB];
	_ =	sdelay $0x3  }
0x92: {  	_ =	strace s17  }
0x93: {  	s2 =	sld [smem:$0x3FFC];
	_ =	sdelay $0x3  }
0x94: {  	_ =	strace s2  }
0x95: {  	s2 =	sld [smem:$0x3FFD];
	_ =	sdelay $0x3  }
0x96: {  	_ =	strace s2  }
0x97: {  	_ =	strace $0x8FFFFFFF  }
0x98: {  	s18 =	sld [smem:$0x3FDB];
	_ =	sdelay $0x1  }
0x99: {  	s19 =	simm.s32 $_scs_section_size  }
0x9a: {  	s4 =	simm.s32 $_size__tile_overlayer_lowered;
	s5 =	simm.s32 $_tile_overlayer_lowered  }
0x9b: {  	s22 =	simm.s32 $0x1BFF;
	s21 =	sshll.u32 s5, $0x1;
	s2 =	sadd.s32 s19, s18  }
0x9c: {  	s6 =	simm.s32 $0x0;
	s20 =	sshll.u32 s4, $0x1;
	s4 =	sadd.s32 s21, s2  }
0x9d: {  	[timem:s6], [sflag:s22] =	dma.local [hbm:s4], s20  }
0x9e: {  	_ =	swait.ge [sflag:s22], s20  }
0x9f: {  	s3 =	ssub.s32 $0x0, s20;
	[sflag:s22] =	ssyncset.done $0x0  }
0xa0: {  	[sflag:s22] =	ssyncadd.s32 s3;
	_ =	sdelay $0x1  }
0xa1: {  	s23 =	simm.s32 $0x1B8B  }
0xa2: {  	_ =	swait.ge [sflag:s23], $0x1  }
0xa3: {  	[sflag:s23] =	ssyncset.done $0x0  }
0xa4: {  	s25 =	simm.s32 $0x1B8E;
	s24 =	sld [smem:$0x3FFE];
	[sflag:s23] =	ssyncadd.s32 $0xFFFFFFFF  }
0xa5: {  	s26 =	simm.s32 $execute0_lowered;
	[smem:$0x3FD2] =	sst s25  }
0xa6: {  	s4 =	sshll.u32 s26, $0x1;
	_ =	strace $0x80000049;
	[dreg:$0x1] =	wrdreg $0xFFFFFFFF  }
0xa7: {  	s28 =	simm.s32 $_size_execute0_lowered;
	s2 =	sadd.s32 s2, s4;
	[dreg:$0x0] =	wrdreg $0x0  }
0xa8: {  	s4 =	sshll.u32 s28, $0x1;
	[dreg:$0x2] =	wrdreg s2  }
0xa9: {  	[dreg:$0x3] =	wrdreg s4  }
0xaa: {  	[dreg:$0x4] =	wrdreg $0xC0  }
0xab: {  	_ =	task [dreg:s6], $0x5FFFF  }
0xac: {  	[dreg:$0x1] =	wrdreg $0xFFFFFFFF  }
0xad: {  	[dreg:$0x0] =	wrdreg $0x60  }
0xae: {  	[dreg:$0x2] =	wrdreg s24  }
0xaf: {  	[dreg:$0x3] =	wrdreg $0xA8000  }
0xb0: {  	[dreg:$0x4] =	wrdreg $0x9  }
0xb1: {  	_ =	task.clear_ibuf [dreg:s6], $0x5FFFF;
	_ =	strace $0x90000049  }
0xb2: {  	s29 =	simm.s32 $0x9;
	_ =	strace $0x8000004B  }
0xb3: {  	_ =	swait.ge [sflag:s29], $0x1  }
0xb4: {  	[sflag:s29] =	ssyncadd.s32 $0xFFFFFFFF  }
0xb5: {  	_ =	strace $0x9000004B  }
0xb6: {  	_ =	sfence  }
0xb7: {  	s30 =	sld [smem:$0x0];
	_ =	sdelay $0x2  }
0xb8: {  	s31 =	sshll.u32 s1, $0xD;
	s1 =	sshrl.u32 s1, $0x2  }
0xb9: {  	s3 =	sand.u32 $0x4000, s31;
	s1 =	sadd.s32 s1, s30  }
0xba: {  	s0 =	sor.u32 s3, s0;
	s1 =	sshll.u32 s1, $0x11  }
0xbb: {  	s0 =	sor.u32 s1, s0  }
0xbc: {  	s0 =	sadd.s32 $0x8F2B, s0  }
0xbd: {  	[sflag:s0] =	ssyncadd.remote.s32 $0x1  }
0xbe: {  	_ =	sfence.sel $0xFFFF  }
0xbf: {  	[dreg:$0x0] =	wrdreg $0xFFFFFFFF;
	(pc) =	sbr.abs _section_cstart, $3  }
0xc0: {  	[dreg:$0x1] =	wrdreg $0xFFFFFFFF  }
0xc1: {  	_ =	task.clear_ibuf [dreg:s6], $0x2FFFF;
	_ =	strace $0x9FFFFFFF  }
0xc2: {  	(tm) =	ssettm $0x7FFFFFFF  }
0xc3: {  	_ =	shalt  }
tec
execute0_lowered:
.L_overlay_start_1:
0x0: {  	(tag) =	ssettag $0x1  }
0x1: {  	s6 =	rddreg [dreg:$0x0]  }
0x2: {  	s1 =	rddreg [dreg:$0x1]  }
0x3: {  	s2 =	srdreg.scid;
	s3 =	simm.s32 $0x0;
	s16 =	simm.s32 $0x1400  }
0x4: {  	s17 =	simm.s32 $0x80;
	s18 =	simm.s32 $0x2800;
	s19 =	simm.s32 $0x3  }
0x5: {  	s20 =	simm.s32 $0x6800;
	s21 =	simm.s32 $0x1;
	s22 =	simm.s32 $0x2  }
0x6: {  	s23 =	simm.s32 $0x1380;
	s24 =	simm.s32 $0x2700;
	s25 =	simm.s32 $0x2780  }
0x7: {  	s26 =	simm.s32 $0x0;
	s7 =	sand.u32 $0x1, s2;
	s2 =	stileid.u32  }
0x8: {  	[smem:$0x7FF] =	sst s3;
	s4 =	sadd.s32 $0x17200, s6;
	s5 =	smul.u32 $0x140000, s7  }
0x9: {  	s10 =	sadd.s32 $0x3200, s6;
	s11 =	sadd.s32 $0xD200, s6;
	s8 =	smul.u32 $0x14000, s2  }
0xa: {  	_ =	strace $0x8000004A;
	s9 =	sshll.u32 s7, $0x4;
	s7 =	ssub.s32 $0x2, s7  }
0xb: {  	s12 =	smul.u32 $0x50000, s2;
	s9 =	sor.u32 s2, s9;
	s28 =	sshrl.u32 s7, $0x1  }
0xc: {  	s8 =	sadd.s32 s8, s5;
	s5 =	sadd.s32 $0x3F200, s6;
	s29 =	smul.u32 $0x2800, s9  }
0xd: {  	s30 =	sshrl.u32 s12, $0x2;
	s9 =	smul.u32 $0x500, s9;
	s8 =	sshrl.u32 s8, $0x3  }
0xe: {  	s14 =	ssub.s32 s7, s28;
	s15 =	sadd.s32 s30, s1;
	s13 =	sadd.s32 s8, s6  }
0xf: {  	s6 =	sshll.u32 s2, $0x6;
	s31 =	sshrl.u32 s29, $0x3;
	s8 =	sadd.s32 s10, s9  }
0x10: {  	s9 =	sadd.s32 s11, s9;
	s7 =	sor.u32 $0x1C03, s6;
	s12 =	sadd.s32 $0x280, s31  }
0x11: {  	s10 =	sadd.s32 s10, s12;
	s11 =	sadd.s32 s11, s12;
	s12 =	sadd.s32 $0x41A00, s13  }
0x12: {  	s13 =	smax.u32 s14, $0x1;
	s14 =	sshrl.u32 s15, $0x3;
	s15 =	simm.s32 $0x4  }
.LBB2_1:
0x13: {  	[spmem:s14], [sflag:s7] =	dma.local [hbm:s5], $0x2800  }
0x14: {  	[tilespmem:s3], [sflag:$0x4] =	stream.linear.gather [hbm4b:s8+s3], $0x1400, $0x38;
	[tilespmem:$0x1E800] =	vst v63  }
0x15: {  	_ =	swait.ge [sflag:s15], $0x1400  }
0x16: {  	[sflag:s15] =	ssyncset.done $0x0  }
0x17: {  	[sflag:s15] =	ssyncadd.s32 $0xFFFFEC00  }
0x18: {  	[tilespmem:s16], [sflag:$0x4] =	stream.linear.gather [hbm4b:s9+s3], $0x1400, $0x38;
	[tilespmem:$0x1E800] =	vst v63  }
0x19: {  	_ =	swait.ge [sflag:s15], $0x1400  }
0x1a: {  	[sflag:s15] =	ssyncset.done $0x0  }
0x1b: {  	[sflag:s15] =	ssyncadd.s32 $0xFFFFEC00  }
0x1c: {  	[tilespmem:s18], [sflag:$0x1] =	stream.indirect.gather [hbm4b:s4+s17], $0x80, s3, s17, $0xb8;
	[tilespmem:$0x1E800] =	vst v63  }
0x1d: {  	_ =	swait.ge [sflag:s19], $0x2800  }
0x1e: {  	[sflag:s19] =	ssyncset.done $0x0  }
0x1f: {  	[sflag:s19] =	ssyncadd.s32 $0xFFFFD800  }
0x20: {  	s28 =	simm.s32 $0x80;
	[bflag:$0x0] =	sbarrier.arrive $0xFFFF  }
0x21: {  	[tilespmem:s20], [sflag:$0x2] =	stream.indirect.gather [hbm4b:s4+s17], $0x80, s28, s17, $0xb8;
	[tilespmem:$0x1E800] =	vst v63  }
0x22: {  	_ =	swait.ge [sflag:s21], $0x4000  }
0x23: {  	[sflag:s21] =	ssyncset.done $0x0  }
0x24: {  	s28 =	simm.s32 $0x1400;
	[sflag:s21] =	ssyncadd.s32 $0xFFFFC000  }
0x25: {  	[spmem:s1] =	stream.indirect.scatter.add.f32 [tilespmem:s18], [sflag:$0x4], $0x80, s28, s17, $0xb8;
	[tilespmem:$0x1E800] =	vst v63  }
0x26: {  	_ =	swait.ge [sflag:s15], $0x4000  }
0x27: {  	[sflag:s15] =	ssyncset.done $0x0  }
0x28: {  	s28 =	simm.s32 $0x100;
	[sflag:s15] =	ssyncadd.s32 $0xFFFFC000  }
0x29: {  	[tilespmem:s18], [sflag:$0x1] =	stream.indirect.gather [hbm4b:s4+s17], $0x80, s28, s17, $0xb8;
	[tilespmem:$0x1E800] =	vst v63  }
0x2a: {  	_ =	swait.ge [sflag:s22], $0x4000  }
0x2b: {  	[sflag:s22] =	ssyncset.done $0x0  }
0x2c: {  	s28 =	simm.s32 $0x1480;
	[sflag:s22] =	ssyncadd.s32 $0xFFFFC000  }
0x2d: {  	[spmem:s1] =	stream.indirect.scatter.add.f32 [tilespmem:s20], [sflag:$0x4], $0x80, s28, s17, $0xb8;
	[tilespmem:$0x1E800] =	vst v63  }
0x2e: {  	_ =	swait.ge [sflag:s15], $0x4000  }
0x2f: {  	s29 =	simm.s32 $0x800;
	s28 =	simm.s32 $0x100;
	[sflag:s15] =	ssyncset.done $0x0  }
.LBB2_2:
0x30: {  	s30 =	sadd.s32 $0x80, s28  }
0x31: {  	[sflag:s15] =	ssyncadd.s32 $0xFFFFC000;
	s31 =	smov.u32 s29;
	s0 =	sadd.s32 $0x400, s29  }
0x32: {  	[tilespmem:s20], [sflag:$0x2] =	stream.indirect.gather [hbm4b:s4+s17], $0x80, s30, s17, $0xb8;
	[tilespmem:$0x1E800] =	vst v63  }
0x33: {  	p0 =	sne.s32 s29, $0x4800;
	_ =	swait.ge [sflag:s21], $0x4000  }
0x34: {  	[sflag:s21] =	ssyncset.done $0x0  }
0x35: {  	s29 =	sadd.s32 $0x1400, s28;
	[sflag:s21] =	ssyncadd.s32 $0xFFFFC000  }
0x36: {  	[spmem:s1] =	stream.indirect.scatter.add.f32 [tilespmem:s18], [sflag:$0x4], $0x80, s29, s17, $0xb8;
	[tilespmem:$0x1E800] =	vst v63  }
0x37: {  	_ =	swait.ge [sflag:s15], $0x4000  }
0x38: {  	[sflag:s15] =	ssyncset.done $0x0  }
0x39: {  	s29 =	sadd.s32 $0x100, s28;
	[sflag:s15] =	ssyncadd.s32 $0xFFFFC000  }
0x3a: {  	[tilespmem:s18], [sflag:$0x1] =	stream.indirect.gather [hbm4b:s4+s17], $0x80, s29, s17, $0xb8;
	[tilespmem:$0x1E800] =	vst v63  }
0x3b: {  	_ =	swait.ge [sflag:s22], $0x4000  }
.Ltmp0:
0x3c: {  	[sflag:s22] =	ssyncset.done $0x0;
	(pc) =	sbr.rel @p0 .LBB2_2-.Ltmp0, $4  }
0x3d: {  	s28 =	sadd.s32 $0x1480, s28;
	[sflag:s22] =	ssyncadd.s32 $0xFFFFC000  }
0x3e: {  	[spmem:s1] =	stream.indirect.scatter.add.f32 [tilespmem:s20], [sflag:$0x4], $0x80, s28, s17, $0xb8;
	[tilespmem:$0x1E800] =	vst v63  }
0x3f: {  	_ =	swait.ge [sflag:s15], $0x4000  }
0x40: {  	s29 =	smov.u32 s0;
	s28 =	sshra.s32 s31, $0x2;
	[sflag:s15] =	ssyncset.done $0x0  }
0x41: {  	s0 =	sadd.s32 $0x80, s28;
	[sflag:s15] =	ssyncadd.s32 $0xFFFFC000  }
0x42: {  	[tilespmem:s20], [sflag:$0x2] =	stream.indirect.gather [hbm4b:s4+s17], $0x80, s0, s17, $0xb8;
	[tilespmem:$0x1E800] =	vst v63  }
0x43: {  	_ =	swait.ge [sflag:s21], $0x4000  }
0x44: {  	[sflag:s21] =	ssyncset.done $0x0  }
0x45: {  	s30 =	sadd.s32 $0x1400, s28;
	[sflag:s21] =	ssyncadd.s32 $0xFFFFC000  }
0x46: {  	[spmem:s1] =	stream.indirect.scatter.add.f32 [tilespmem:s18], [sflag:$0x4], $0x80, s30, s17, $0xb8;
	[tilespmem:$0x1E800] =	vst v63  }
0x47: {  	_ =	swait.ge [sflag:s15], $0x4000  }
0x48: {  	[sflag:s15] =	ssyncset.done $0x0  }
0x49: {  	s31 =	sadd.s32 $0x100, s28;
	[sflag:s15] =	ssyncadd.s32 $0xFFFFC000  }
0x4a: {  	[tilespmem:s18], [sflag:$0x1] =	stream.indirect.gather [hbm4b:s4+s17], $0x80, s31, s17, $0xb8;
	[tilespmem:$0x1E800] =	vst v63  }
0x4b: {  	_ =	swait.ge [sflag:s22], $0x4000  }
0x4c: {  	[sflag:s22] =	ssyncset.done $0x0  }
0x4d: {  	s30 =	sadd.s32 $0x1480, s28;
	[sflag:s22] =	ssyncadd.s32 $0xFFFFC000  }
0x4e: {  	[spmem:s1] =	stream.indirect.scatter.add.f32 [tilespmem:s20], [sflag:$0x4], $0x80, s30, s17, $0xb8;
	[tilespmem:$0x1E800] =	vst v63  }
0x4f: {  	_ =	swait.ge [sflag:s15], $0x4000  }
0x50: {  	[sflag:s15] =	ssyncset.done $0x0  }
0x51: {  	[sflag:s15] =	ssyncadd.s32 $0xFFFFC000  }
0x52: {  	[tilespmem:s20], [sflag:$0x2] =	stream.indirect.gather [hbm4b:s4+s17], $0x80, s23, s17, $0xb8;
	[tilespmem:$0x1E800] =	vst v63  }
0x53: {  	_ =	swait.ge [sflag:s21], $0x4000  }
0x54: {  	[sflag:s21] =	ssyncset.done $0x0  }
0x55: {  	[sflag:s21] =	ssyncadd.s32 $0xFFFFC000  }
0x56: {  	[spmem:s1] =	stream.indirect.scatter.add.f32 [tilespmem:s18], [sflag:$0x4], $0x80, s24, s17, $0xb8;
	[tilespmem:$0x1E800] =	vst v63  }
0x57: {  	_ =	swait.ge [sflag:s15], $0x4000  }
0x58: {  	[sflag:s15] =	ssyncset.done $0x0  }
0x59: {  	[sflag:s15] =	ssyncadd.s32 $0xFFFFC000  }
0x5a: {  	_ =	swait.ge [sflag:s22], $0x4000  }
0x5b: {  	[sflag:s22] =	ssyncset.done $0x0  }
0x5c: {  	[sflag:s22] =	ssyncadd.s32 $0xFFFFC000  }
0x5d: {  	[spmem:s1] =	stream.indirect.scatter.add.f32 [tilespmem:s20], [sflag:$0x4], $0x80, s25, s17, $0xb8;
	[tilespmem:$0x1E800] =	vst v63  }
0x5e: {  	_ =	swait.ge [sflag:s15], $0x4000  }
0x5f: {  	[sflag:s15] =	ssyncset.done $0x0  }
0x60: {  	s31 =	simm.s32 $0x0;
	[sflag:s15] =	ssyncadd.s32 $0xFFFFC000  }
0x61: {  	[tilespmem:s31], [sflag:$0x4] =	stream.linear.gather [hbm4b:s10+s31], $0x1400, $0x38;
	[tilespmem:$0x1E800] =	vst v63  }
0x62: {  	_ =	swait.ge [sflag:s15], $0x1400  }
0x63: {  	[sflag:s15] =	ssyncset.done $0x0  }
0x64: {  	[sflag:s15] =	ssyncadd.s32 $0xFFFFEC00  }
0x65: {  	[tilespmem:s16], [sflag:$0x4] =	stream.linear.gather [hbm4b:s11+s31], $0x1400, $0x38;
	[tilespmem:$0x1E800] =	vst v63  }
0x66: {  	_ =	swait.ge [sflag:s15], $0x1400  }
0x67: {  	[sflag:s15] =	ssyncset.done $0x0  }
0x68: {  	[sflag:s15] =	ssyncadd.s32 $0xFFFFEC00  }
0x69: {  	[tilespmem:s18], [sflag:$0x1] =	stream.indirect.gather [hbm4b:s4+s17], $0x80, s31, s17, $0xb8;
	[tilespmem:$0x1E800] =	vst v63  }
0x6a: {  	s30 =	simm.s32 $0x80  }
0x6b: {  	[tilespmem:s20], [sflag:$0x2] =	stream.indirect.gather [hbm4b:s4+s17], $0x80, s30, s17, $0xb8;
	[tilespmem:$0x1E800] =	vst v63  }
0x6c: {  	_ =	swait.ge [sflag:s21], $0x4000  }
0x6d: {  	[sflag:s21] =	ssyncset.done $0x0  }
0x6e: {  	s31 =	simm.s32 $0x1400;
	[sflag:s21] =	ssyncadd.s32 $0xFFFFC000  }
0x6f: {  	[spmem:s1] =	stream.indirect.scatter.add.f32 [tilespmem:s18], [sflag:$0x4], $0x80, s31, s17, $0xb8;
	[tilespmem:$0x1E800] =	vst v63  }
0x70: {  	_ =	swait.ge [sflag:s15], $0x4000  }
0x71: {  	[sflag:s15] =	ssyncset.done $0x0  }
0x72: {  	s30 =	simm.s32 $0x100;
	[sflag:s15] =	ssyncadd.s32 $0xFFFFC000  }
0x73: {  	[tilespmem:s18], [sflag:$0x1] =	stream.indirect.gather [hbm4b:s4+s17], $0x80, s30, s17, $0xb8;
	[tilespmem:$0x1E800] =	vst v63  }
0x74: {  	_ =	swait.ge [sflag:s22], $0x4000  }
0x75: {  	[sflag:s22] =	ssyncset.done $0x0  }
0x76: {  	s31 =	simm.s32 $0x1480;
	[sflag:s22] =	ssyncadd.s32 $0xFFFFC000  }
0x77: {  	[spmem:s1] =	stream.indirect.scatter.add.f32 [tilespmem:s20], [sflag:$0x4], $0x80, s31, s17, $0xb8;
	[tilespmem:$0x1E800] =	vst v63  }
0x78: {  	_ =	swait.ge [sflag:s15], $0x4000  }
0x79: {  	s29 =	simm.s32 $0x800;
	s28 =	simm.s32 $0x100;
	[sflag:s15] =	ssyncset.done $0x0  }
.LBB2_4:
0x7a: {  	s0 =	sadd.s32 $0x80, s28  }
0x7b: {  	[sflag:s15] =	ssyncadd.s32 $0xFFFFC000;
	s30 =	smov.u32 s29;
	s31 =	sadd.s32 $0x400, s29  }
0x7c: {  	[tilespmem:s20], [sflag:$0x2] =	stream.indirect.gather [hbm4b:s4+s17], $0x80, s0, s17, $0xb8;
	[tilespmem:$0x1E800] =	vst v63  }
0x7d: {  	p0 =	sne.s32 s29, $0x4800;
	_ =	swait.ge [sflag:s21], $0x4000  }
0x7e: {  	[sflag:s21] =	ssyncset.done $0x0  }
0x7f: {  	s0 =	sadd.s32 $0x1400, s28;
	[sflag:s21] =	ssyncadd.s32 $0xFFFFC000  }
0x80: {  	[spmem:s1] =	stream.indirect.scatter.add.f32 [tilespmem:s18], [sflag:$0x4], $0x80, s0, s17, $0xb8;
	[tilespmem:$0x1E800] =	vst v63  }
0x81: {  	_ =	swait.ge [sflag:s15], $0x4000  }
0x82: {  	[sflag:s15] =	ssyncset.done $0x0  }
0x83: {  	s0 =	sadd.s32 $0x100, s28;
	[sflag:s15] =	ssyncadd.s32 $0xFFFFC000  }
0x84: {  	[tilespmem:s18], [sflag:$0x1] =	stream.indirect.gather [hbm4b:s4+s17], $0x80, s0, s17, $0xb8;
	[tilespmem:$0x1E800] =	vst v63  }
0x85: {  	_ =	swait.ge [sflag:s22], $0x4000  }
.Ltmp1:
0x86: {  	[sflag:s22] =	ssyncset.done $0x0;
	(pc) =	sbr.rel @p0 .LBB2_4-.Ltmp1, $4  }
0x87: {  	s0 =	sadd.s32 $0x1480, s28;
	[sflag:s22] =	ssyncadd.s32 $0xFFFFC000  }
0x88: {  	[spmem:s1] =	stream.indirect.scatter.add.f32 [tilespmem:s20], [sflag:$0x4], $0x80, s0, s17, $0xb8;
	[tilespmem:$0x1E800] =	vst v63  }
0x89: {  	_ =	swait.ge [sflag:s15], $0x4000  }
0x8a: {  	s29 =	smov.u32 s31;
	s28 =	sshra.s32 s30, $0x2;
	[sflag:s15] =	ssyncset.done $0x0  }
0x8b: {  	s0 =	sadd.s32 $0x80, s28;
	[sflag:s15] =	ssyncadd.s32 $0xFFFFC000  }
0x8c: {  	[tilespmem:s20], [sflag:$0x2] =	stream.indirect.gather [hbm4b:s4+s17], $0x80, s0, s17, $0xb8;
	[tilespmem:$0x1E800] =	vst v63  }
0x8d: {  	_ =	swait.ge [sflag:s21], $0x4000  }
0x8e: {  	[sflag:s21] =	ssyncset.done $0x0  }
0x8f: {  	s31 =	sadd.s32 $0x1400, s28;
	[sflag:s21] =	ssyncadd.s32 $0xFFFFC000  }
0x90: {  	[spmem:s1] =	stream.indirect.scatter.add.f32 [tilespmem:s18], [sflag:$0x4], $0x80, s31, s17, $0xb8;
	[tilespmem:$0x1E800] =	vst v63  }
0x91: {  	_ =	swait.ge [sflag:s15], $0x4000  }
0x92: {  	[sflag:s15] =	ssyncset.done $0x0  }
0x93: {  	s29 =	sadd.s32 $0x100, s28;
	[sflag:s15] =	ssyncadd.s32 $0xFFFFC000  }
0x94: {  	[tilespmem:s18], [sflag:$0x1] =	stream.indirect.gather [hbm4b:s4+s17], $0x80, s29, s17, $0xb8;
	[tilespmem:$0x1E800] =	vst v63  }
0x95: {  	_ =	swait.ge [sflag:s22], $0x4000  }
0x96: {  	[sflag:s22] =	ssyncset.done $0x0  }
0x97: {  	s30 =	sadd.s32 $0x1480, s28;
	[sflag:s22] =	ssyncadd.s32 $0xFFFFC000  }
0x98: {  	[spmem:s1] =	stream.indirect.scatter.add.f32 [tilespmem:s20], [sflag:$0x4], $0x80, s30, s17, $0xb8;
	[tilespmem:$0x1E800] =	vst v63  }
0x99: {  	_ =	swait.ge [sflag:s15], $0x4000  }
0x9a: {  	[sflag:s15] =	ssyncset.done $0x0  }
0x9b: {  	[sflag:s15] =	ssyncadd.s32 $0xFFFFC000  }
0x9c: {  	[tilespmem:s20], [sflag:$0x2] =	stream.indirect.gather [hbm4b:s4+s17], $0x80, s23, s17, $0xb8;
	[tilespmem:$0x1E800] =	vst v63  }
0x9d: {  	_ =	swait.ge [sflag:s21], $0x4000  }
0x9e: {  	[sflag:s21] =	ssyncset.done $0x0  }
0x9f: {  	[sflag:s21] =	ssyncadd.s32 $0xFFFFC000  }
0xa0: {  	[spmem:s1] =	stream.indirect.scatter.add.f32 [tilespmem:s18], [sflag:$0x4], $0x80, s24, s17, $0xb8;
	[tilespmem:$0x1E800] =	vst v63  }
0xa1: {  	_ =	swait.ge [sflag:s15], $0x4000  }
0xa2: {  	[sflag:s15] =	ssyncset.done $0x0  }
0xa3: {  	[sflag:s15] =	ssyncadd.s32 $0xFFFFC000  }
0xa4: {  	_ =	swait.ge [sflag:s22], $0x4000  }
0xa5: {  	[sflag:s22] =	ssyncset.done $0x0  }
0xa6: {  	[sflag:s22] =	ssyncadd.s32 $0xFFFFC000  }
0xa7: {  	[spmem:s1] =	stream.indirect.scatter.add.f32 [tilespmem:s20], [sflag:$0x4], $0x80, s25, s17, $0xb8;
	[tilespmem:$0x1E800] =	vst v63  }
0xa8: {  	_ =	swait.ge [sflag:s15], $0x4000  }
0xa9: {  	s26 =	sadd.s32 $0x1, s26;
	[sflag:s15] =	ssyncset.done $0x0  }
0xaa: {  	p0 =	sne.s32 s26, s13;
	[sflag:s15] =	ssyncadd.s32 $0xFFFFC000  }
.Ltmp2:
0xab: {  	s31 =	sor.u32 $0x1C04, s6;
	[bflag:$0x0] =	sbarrier.arrive $0xFFFF;
	(pc) =	sbr.rel @p0 .LBB2_1-.Ltmp2, $4  }
0xac: {  	[hbm:s12], [sflag:s31] =	dma.local [spmem:s14], $0x2800  }
0xad: {  	_ =	swait.ge [sflag:s15], $0x2800  }
0xae: {  	[sflag:s15] =	ssyncset.done $0x0  }
0xaf: {  	[sflag:s15] =	ssyncadd.s32 $0xFFFFD800  }
0xb0: {  	_ =	sfence.sel $0x180000  }
0xb1: {  	[bflag:$0x0] =	sbarrier.arrive $0xFFFF  }
0xb2: {  	_ =	strace $0x9000004A  }
0xb3: {  	[bflag:$0x2] =	sbarrier.arrive $0xFFFF  }
0xb4: {  	p0 =	sne.s32 s2, $0x0;
	s0 =	rddreg [dreg:$0x2]  }
0xb5: {  	s0 =	sadd.s32 @!p0 $0x100000, s0  }
0xb6: {  	[sflag:s0] =	ssyncadd.tile.s32 @!p0 $0x1;
	_ =	shalt  }
.Lfunc_end2:
_tile_overlayer_lowered:
.L_overlay_start_2:
0xb7: {  	(tag) =	ssettag $0x2  }
0xb8: {  	s0 =	rddreg [dreg:$0x0];
	s2 =	stileid.u32  }
0xb9: {  	s1 =	rddreg [dreg:$0x1];
	p0 =	sne.s32 s2, $0x0  }
0xba: {  	s3 =	rddreg [dreg:$0x2];
	[bflag:$0x3] =	sbarrier.arrive $0xFFFF;
	s2 =	simm.s32 @!p0 $0x1C04  }
0xbb: {  	[timem:s3], [sflag:s2] =	dma.local @!p0 [hbm:s0], s1  }
0xbc: {  	s0 =	simm.s32 @!p0 $0x4  }
0xbd: {  	_ =	swait.ge @!p0 [sflag:s0], s1  }
0xbe: {  	s1 =	ssub.s32 @!p0 $0x0, s1;
	[sflag:s0] =	ssyncset.done @!p0 $0x0  }
0xbf: {  	[sflag:s0] =	ssyncadd.s32 @!p0 s1  }
0xc0: {  	[bflag:$0x3] =	sbarrier.arrive $0xFFFF  }
0xc1: {  	_ =	shalt  }

// kernel: kernel.16.cloned.1.call-start
scs
__scs_entry_jumppad:
0x0: {  	(pc) =	sbr.rel $0x88, $3  }
0x1: {  	(tag) =	ssettag $0x0;
	lr =	simm.s32 $0x1  }
0x2: {  	[smem:$0x3F96] =	sst lr;
	_ =	strace $0xD0000000  }
0x3: {  	_ = 	snop  }
0x4: {  	_ = 	snop  }
0x5: {  	_ = 	snop  }
0x6: {  	_ = 	snop  }
0x7: {  	_ = 	snop  }
__scs_overlays_trampoline_lowered:
0x8: {  	[smem:$0x3FA5] =	sst s0  }
0x9: {  	[smem:$0x3FA6] =	sst s1  }
0xa: {  	[smem:$0x3FA7] =	sst s2  }
0xb: {  	[smem:$0x3FA8] =	sst s3  }
0xc: {  	[smem:$0x3FA9] =	sst s4  }
0xd: {  	[smem:$0x3FAA] =	sst s5  }
0xe: {  	[smem:$0x3FAB] =	sst s6  }
0xf: {  	[smem:$0x3FAC] =	sst s7  }
0x10: {  	[smem:$0x3FAD] =	sst s8  }
0x11: {  	[smem:$0x3FAE] =	sst s9;
	s0 =	simm.s32 @!p0 $0x0  }
0x12: {  	s1 =	sld [smem:$0x3F94];
	s0 =	simm.s32 @p0 $0x1  }
0x13: {  	[smem:$0x3FAF] =	sst s0;
	s0 =	simm.s32 @!p1 $0x0  }
0x14: {  	s2 =	sld [smem:$0x3F93];
	s0 =	simm.s32 @p1 $0x1  }
0x15: {  	[smem:$0x3FB0] =	sst s0;
	s0 =	simm.s32 @!p2 $0x0  }
0x16: {  	s3 =	sld [smem:$0x3FDB];
	s0 =	simm.s32 @p2 $0x1  }
0x17: {  	s4 =	simm.s32 $0x1BF5;
	[smem:$0x3FB2] =	sst s0  }
0x18: {  	s0 =	sld [smem:$0x3F95];
	_ =	swait.ge [sflag:s4], $0x0  }
0x19: {  	s7 =	sld [smem:$0x3F96]  }
0x1a: {  	s8 =	sadd.s32 $0xFFFFE003, lr  }
0x1b: {  	s9 =	sadd.s32 $0xFFFFFEF7, lr;
	s5 =	simm.s32 $0xFFFFFFFF;
	p2 =	slt.u32 s8, $0xFFFFF086  }
0x1c: {  	p1 =	slt.u32 s9, $0xF7A;
	s5 =	simm.s32 @!p2 $0x0  }
0x1d: {  	s5 =	simm.s32 @p1 $0x1;
	p0 =	seq.s32 s7, s2  }
0x1e: {  	s7 =	smul.u32 @!p0 $0xF7A, s2;
	p2 =	seq.s32 @!p0 s5, $0x0  }
0x1f: {  	s9 =	smul.u32 $0xF7A, s1;
	s8 =	simm.s32 @!p0 $0x1BF5;
	p2 =	por !p2, p0  }
0x20: {  	[sflag:s8] =	ssyncset.s32 @!p0 $0xFFFFF086;
	s6 =	sadd.s32 @!p0 s3, s7;
	s7 =	simm.s32 @!p0 $0x108  }
0x21: {  	s3 =	sadd.s32 s3, s9;
	s6 =	sadd.s32 @!p0 $0x88, s6;
	s7 =	simm.s32 @p2 $0x1082  }
0x22: {  	[simem:s7], [sflag:s8] =	dma.local @!p0 [hbm:s6], $0xF7A  }
0x23: {  	s9 =	sor.u32 $0xD0000000, s2;
	s6 =	simm.s32 $0x108;
	_ =	swait.ge @!p0 [sflag:s8], $0x0  }
0x24: {  	s3 =	sadd.s32 $0x88, s3;
	s6 =	simm.s32 @!p1 $0x1082;
	[sflag:s4] =	ssyncset.s32 $0xFFFFF086  }
0x25: {  	[simem:s6], [sflag:s4] =	dma.local [hbm:s3], $0xF7A  }
0x26: {  	[smem:$0x3F96] =	sst s1;
	(tag) =	ssettag s2;
	_ =	strace s9  }
0x27: {  	s1 =	sld [smem:$0x3FA6]  }
0x28: {  	s2 =	sld [smem:$0x3FA7]  }
0x29: {  	s4 =	sld [smem:$0x3FA9]  }
0x2a: {  	p0 =	seq.s32 s5, $0x0;
	s5 =	sld [smem:$0x3FAA]  }
0x2b: {  	s6 =	sld [smem:$0x3FAB]  }
0x2c: {  	s7 =	sld [smem:$0x3FAC]  }
0x2d: {  	s3 =	simm.s32 $0x108;
	s8 =	sld [smem:$0x3FAD]  }
0x2e: {  	s3 =	simm.s32 @!p0 $0x1082;
	s9 =	sld [smem:$0x3FAE]  }
0x2f: {  	lr =	sadd.s32 s0, s3;
	s0 =	sld [smem:$0x3FA5]  }
0x30: {  	s3 =	sld [smem:$0x3FA8]  }
0x31: {  	[smem:$0x3FB1] =	sst s10  }
0x32: {  	s10 =	sld [smem:$0x3FAF];
	_ =	sdelay $0x3  }
0x33: {  	p0 =	seq.s32 s10, $0x1;
	s10 =	sld [smem:$0x3FB1];
	_ =	sdelay $0x3  }
0x34: {  	[smem:$0x3FB1] =	sst s10  }
0x35: {  	s10 =	sld [smem:$0x3FB0];
	_ =	sdelay $0x3  }
0x36: {  	p1 =	seq.s32 s10, $0x1;
	s10 =	sld [smem:$0x3FB1];
	_ =	sdelay $0x3  }
0x37: {  	[smem:$0x3FB1] =	sst s10  }
0x38: {  	s10 =	sld [smem:$0x3FB2]  }
0x39: {  	_ = 	snop;
	(pc) =	sbr.ind lr, $3  }
0x3a: {  	_ = 	snop  }
0x3b: {  	_ = 	snop  }
0x3c: {  	p2 =	seq.s32 s10, $0x1;
	s10 =	sld [smem:$0x3FB1]  }
0x3d: {  	_ =	shalt  }
0x3e: {  	_ =	shalt  }
0x3f: {  	_ =	shalt  }
0x40: {  	_ =	shalt  }
0x41: {  	_ =	shalt  }
0x42: {  	_ =	shalt  }
0x43: {  	_ =	shalt  }
0x44: {  	_ =	shalt  }
0x45: {  	_ =	shalt  }
0x46: {  	_ =	shalt  }
0x47: {  	_ =	shalt  }
0x48: {  	_ =	shalt  }
0x49: {  	_ =	shalt  }
0x4a: {  	_ =	shalt  }
0x4b: {  	_ =	shalt  }
0x4c: {  	_ =	shalt  }
0x4d: {  	_ =	shalt  }
0x4e: {  	_ =	shalt  }
0x4f: {  	_ =	shalt  }
0x50: {  	_ =	shalt  }
0x51: {  	_ =	shalt  }
0x52: {  	_ =	shalt  }
0x53: {  	_ =	shalt  }
0x54: {  	_ =	shalt  }
0x55: {  	_ =	shalt  }
0x56: {  	_ =	shalt  }
0x57: {  	_ =	shalt  }
0x58: {  	_ =	shalt  }
0x59: {  	_ =	shalt  }
0x5a: {  	_ =	shalt  }
0x5b: {  	_ =	shalt  }
0x5c: {  	_ =	shalt  }
0x5d: {  	_ =	shalt  }
0x5e: {  	_ =	shalt  }
0x5f: {  	_ =	shalt  }
0x60: {  	_ =	shalt  }
0x61: {  	_ =	shalt  }
0x62: {  	_ =	shalt  }
0x63: {  	_ =	shalt  }
0x64: {  	_ =	shalt  }
0x65: {  	_ =	shalt  }
0x66: {  	_ =	shalt  }
0x67: {  	_ =	shalt  }
0x68: {  	_ =	shalt  }
0x69: {  	_ =	shalt  }
0x6a: {  	_ =	shalt  }
0x6b: {  	_ =	shalt  }
0x6c: {  	_ =	shalt  }
0x6d: {  	_ =	shalt  }
0x6e: {  	_ =	shalt  }
0x6f: {  	_ =	shalt  }
0x70: {  	_ =	shalt  }
0x71: {  	_ =	shalt  }
0x72: {  	_ =	shalt  }
0x73: {  	_ =	shalt  }
0x74: {  	_ =	shalt  }
0x75: {  	_ =	shalt  }
0x76: {  	_ =	shalt  }
0x77: {  	_ =	shalt  }
0x78: {  	_ =	shalt  }
0x79: {  	_ =	shalt  }
0x7a: {  	_ =	shalt  }
0x7b: {  	_ =	shalt  }
0x7c: {  	_ =	shalt  }
0x7d: {  	_ =	shalt  }
0x7e: {  	_ =	shalt  }
0x7f: {  	_ =	shalt  }
0x80: {  	_ =	shalt  }
0x81: {  	_ =	shalt  }
0x82: {  	_ =	shalt  }
0x83: {  	_ =	shalt  }
0x84: {  	_ =	shalt  }
0x85: {  	_ =	shalt  }
0x86: {  	_ =	shalt  }
0x87: {  	_ =	shalt  }
.Lfunc_end0:
.L_simem_size_0:
called_computation.2_lowered:
.L_overlay_start_0:
0x88: {  	s2 =	sld [smem:$0x3FD9]  }
0x89: {  	s3 =	sld [smem:$0x3FFE];
	_ =	sdelay $0x1  }
0x8a: {  	s1 =	srdreg.scid  }
0x8b: {  	s0 =	sand.u32 $0x1, s1  }
0x8c: {  	s16 =	sshll.u32 s0, $0xA;
	s2 =	sadd.s32 s3, s2  }
0x8d: {  	s2 =	sadd.s32 s2, s16  }
0x8e: {  	[smem:$0x3FBD] =	sst s2  }
0x8f: {  	_ = 	snop  }
0x90: {  	(tm) =	ssettm $0x1  }
0x91: {  	s17 =	sld [smem:$0x3FFB];
	_ =	sdelay $0x3  }
0x92: {  	_ =	strace s17  }
0x93: {  	s2 =	sld [smem:$0x3FFC];
	_ =	sdelay $0x3  }
0x94: {  	_ =	strace s2  }
0x95: {  	s2 =	sld [smem:$0x3FFD];
	_ =	sdelay $0x3  }
0x96: {  	_ =	strace s2  }
0x97: {  	_ =	strace $0x8FFFFFFF  }
0x98: {  	s18 =	sld [smem:$0x3FDB];
	_ =	sdelay $0x1  }
0x99: {  	s19 =	simm.s32 $_scs_section_size  }
0x9a: {  	s4 =	simm.s32 $_size__tile_overlayer_lowered;
	s5 =	simm.s32 $_tile_overlayer_lowered  }
0x9b: {  	s22 =	simm.s32 $0x1BFF;
	s21 =	sshll.u32 s5, $0x1;
	s2 =	sadd.s32 s19, s18  }
0x9c: {  	s6 =	simm.s32 $0x0;
	s20 =	sshll.u32 s4, $0x1;
	s4 =	sadd.s32 s21, s2  }
0x9d: {  	[timem:s6], [sflag:s22] =	dma.local [hbm:s4], s20  }
0x9e: {  	_ =	swait.ge [sflag:s22], s20  }
0x9f: {  	s3 =	ssub.s32 $0x0, s20;
	[sflag:s22] =	ssyncset.done $0x0  }
0xa0: {  	[sflag:s22] =	ssyncadd.s32 s3;
	_ =	sdelay $0x1  }
0xa1: {  	s23 =	simm.s32 $0x1B8B  }
0xa2: {  	_ =	swait.ge [sflag:s23], $0x1  }
0xa3: {  	[sflag:s23] =	ssyncset.done $0x0  }
0xa4: {  	s25 =	simm.s32 $0x1B8E;
	s24 =	sld [smem:$0x3FFE];
	[sflag:s23] =	ssyncadd.s32 $0xFFFFFFFF  }
0xa5: {  	s26 =	simm.s32 $execute0_lowered;
	[smem:$0x3FD2] =	sst s25  }
0xa6: {  	s4 =	sshll.u32 s26, $0x1;
	_ =	strace $0x8000004C;
	[dreg:$0x1] =	wrdreg $0xFFFFFFFF  }
0xa7: {  	s28 =	simm.s32 $_size_execute0_lowered;
	s2 =	sadd.s32 s2, s4;
	[dreg:$0x0] =	wrdreg $0x0  }
0xa8: {  	s4 =	sshll.u32 s28, $0x1;
	[dreg:$0x2] =	wrdreg s2  }
0xa9: {  	[dreg:$0x3] =	wrdreg s4  }
0xaa: {  	[dreg:$0x4] =	wrdreg $0xC0  }
0xab: {  	_ =	task [dreg:s6], $0x5FFFF  }
0xac: {  	[dreg:$0x1] =	wrdreg $0xFFFFFFFF  }
0xad: {  	[dreg:$0x0] =	wrdreg $0x60  }
0xae: {  	[dreg:$0x2] =	wrdreg s24  }
0xaf: {  	[dreg:$0x3] =	wrdreg $0xA8000  }
0xb0: {  	[dreg:$0x4] =	wrdreg $0x9  }
0xb1: {  	_ =	task.clear_ibuf [dreg:s6], $0x5FFFF;
	_ =	strace $0x9000004C  }
0xb2: {  	s29 =	simm.s32 $0x9;
	_ =	strace $0x8000004E  }
0xb3: {  	_ =	swait.ge [sflag:s29], $0x1  }
0xb4: {  	[sflag:s29] =	ssyncadd.s32 $0xFFFFFFFF  }
0xb5: {  	_ =	strace $0x9000004E  }
0xb6: {  	_ =	sfence  }
0xb7: {  	s30 =	sld [smem:$0x0];
	_ =	sdelay $0x2  }
0xb8: {  	s31 =	sshll.u32 s1, $0xD;
	s1 =	sshrl.u32 s1, $0x2  }
0xb9: {  	s3 =	sand.u32 $0x4000, s31;
	s1 =	sadd.s32 s1, s30  }
0xba: {  	s0 =	sor.u32 s3, s0;
	s1 =	sshll.u32 s1, $0x11  }
0xbb: {  	s0 =	sor.u32 s1, s0  }
0xbc: {  	s0 =	sadd.s32 $0x8F2B, s0  }
0xbd: {  	[sflag:s0] =	ssyncadd.remote.s32 $0x1  }
0xbe: {  	_ =	sfence.sel $0xFFFF  }
0xbf: {  	[dreg:$0x0] =	wrdreg $0xFFFFFFFF;
	(pc) =	sbr.abs _section_cstart, $3  }
0xc0: {  	[dreg:$0x1] =	wrdreg $0xFFFFFFFF  }
0xc1: {  	_ =	task.clear_ibuf [dreg:s6], $0x2FFFF;
	_ =	strace $0x9FFFFFFF  }
0xc2: {  	(tm) =	ssettm $0x7FFFFFFF  }
0xc3: {  	_ =	shalt  }
tec
execute0_lowered:
.L_overlay_start_1:
0x0: {  	(tag) =	ssettag $0x1  }
0x1: {  	s6 =	rddreg [dreg:$0x0]  }
0x2: {  	s1 =	rddreg [dreg:$0x1]  }
0x3: {  	s2 =	srdreg.scid;
	s3 =	simm.s32 $0x0;
	s16 =	simm.s32 $0x1400  }
0x4: {  	s17 =	simm.s32 $0x80;
	s18 =	simm.s32 $0x2800;
	s19 =	simm.s32 $0x3  }
0x5: {  	s20 =	simm.s32 $0x6800;
	s21 =	simm.s32 $0x1;
	s22 =	simm.s32 $0x2  }
0x6: {  	s23 =	simm.s32 $0x1380;
	s24 =	simm.s32 $0x2700;
	s25 =	simm.s32 $0x2780  }
0x7: {  	s26 =	simm.s32 $0x0;
	s7 =	sand.u32 $0x1, s2;
	s2 =	stileid.u32  }
0x8: {  	[smem:$0x7FF] =	sst s3;
	s4 =	sadd.s32 $0x17200, s6;
	s5 =	smul.u32 $0x140000, s7  }
0x9: {  	s10 =	sadd.s32 $0x3200, s6;
	s11 =	sadd.s32 $0xD200, s6;
	s8 =	smul.u32 $0x14000, s2  }
0xa: {  	_ =	strace $0x8000004D;
	s9 =	sshll.u32 s7, $0x4;
	s7 =	ssub.s32 $0x2, s7  }
0xb: {  	s12 =	smul.u32 $0x50000, s2;
	s9 =	sor.u32 s2, s9;
	s28 =	sshrl.u32 s7, $0x1  }
0xc: {  	s8 =	sadd.s32 s8, s5;
	s5 =	sadd.s32 $0x3F200, s6;
	s29 =	smul.u32 $0x2800, s9  }
0xd: {  	s30 =	sshrl.u32 s12, $0x2;
	s9 =	smul.u32 $0x500, s9;
	s8 =	sshrl.u32 s8, $0x3  }
0xe: {  	s14 =	ssub.s32 s7, s28;
	s15 =	sadd.s32 s30, s1;
	s13 =	sadd.s32 s8, s6  }
0xf: {  	s6 =	sshll.u32 s2, $0x6;
	s31 =	sshrl.u32 s29, $0x3;
	s8 =	sadd.s32 s10, s9  }
0x10: {  	s9 =	sadd.s32 s11, s9;
	s7 =	sor.u32 $0x1C03, s6;
	s12 =	sadd.s32 $0x280, s31  }
0x11: {  	s10 =	sadd.s32 s10, s12;
	s11 =	sadd.s32 s11, s12;
	s12 =	sadd.s32 $0x41A00, s13  }
0x12: {  	s13 =	smax.u32 s14, $0x1;
	s14 =	sshrl.u32 s15, $0x3;
	s15 =	simm.s32 $0x4  }
.LBB2_1:
0x13: {  	[spmem:s14], [sflag:s7] =	dma.local [hbm:s5], $0x2800  }
0x14: {  	[tilespmem:s3], [sflag:$0x4] =	stream.linear.gather [hbm4b:s8+s3], $0x1400, $0x38;
	[tilespmem:$0x1E800] =	vst v63  }
0x15: {  	_ =	swait.ge [sflag:s15], $0x1400  }
0x16: {  	[sflag:s15] =	ssyncset.done $0x0  }
0x17: {  	[sflag:s15] =	ssyncadd.s32 $0xFFFFEC00  }
0x18: {  	[tilespmem:s16], [sflag:$0x4] =	stream.linear.gather [hbm4b:s9+s3], $0x1400, $0x38;
	[tilespmem:$0x1E800] =	vst v63  }
0x19: {  	_ =	swait.ge [sflag:s15], $0x1400  }
0x1a: {  	[sflag:s15] =	ssyncset.done $0x0  }
0x1b: {  	[sflag:s15] =	ssyncadd.s32 $0xFFFFEC00  }
0x1c: {  	[tilespmem:s18], [sflag:$0x1] =	stream.indirect.gather [hbm4b:s4+s17], $0x80, s3, s17, $0xb8;
	[tilespmem:$0x1E800] =	vst v63  }
0x1d: {  	_ =	swait.ge [sflag:s19], $0x2800  }
0x1e: {  	[sflag:s19] =	ssyncset.done $0x0  }
0x1f: {  	[sflag:s19] =	ssyncadd.s32 $0xFFFFD800  }
0x20: {  	s28 =	simm.s32 $0x80;
	[bflag:$0x0] =	sbarrier.arrive $0xFFFF  }
0x21: {  	[tilespmem:s20], [sflag:$0x2] =	stream.indirect.gather [hbm4b:s4+s17], $0x80, s28, s17, $0xb8;
	[tilespmem:$0x1E800] =	vst v63  }
0x22: {  	_ =	swait.ge [sflag:s21], $0x4000  }
0x23: {  	[sflag:s21] =	ssyncset.done $0x0  }
0x24: {  	s28 =	simm.s32 $0x1400;
	[sflag:s21] =	ssyncadd.s32 $0xFFFFC000  }
0x25: {  	[spmem:s1] =	stream.indirect.scatter.add.f32 [tilespmem:s18], [sflag:$0x4], $0x80, s28, s17, $0xb8;
	[tilespmem:$0x1E800] =	vst v63  }
0x26: {  	_ =	swait.ge [sflag:s15], $0x4000  }
0x27: {  	[sflag:s15] =	ssyncset.done $0x0  }
0x28: {  	s28 =	simm.s32 $0x100;
	[sflag:s15] =	ssyncadd.s32 $0xFFFFC000  }
0x29: {  	[tilespmem:s18], [sflag:$0x1] =	stream.indirect.gather [hbm4b:s4+s17], $0x80, s28, s17, $0xb8;
	[tilespmem:$0x1E800] =	vst v63  }
0x2a: {  	_ =	swait.ge [sflag:s22], $0x4000  }
0x2b: {  	[sflag:s22] =	ssyncset.done $0x0  }
0x2c: {  	s28 =	simm.s32 $0x1480;
	[sflag:s22] =	ssyncadd.s32 $0xFFFFC000  }
0x2d: {  	[spmem:s1] =	stream.indirect.scatter.add.f32 [tilespmem:s20], [sflag:$0x4], $0x80, s28, s17, $0xb8;
	[tilespmem:$0x1E800] =	vst v63  }
0x2e: {  	_ =	swait.ge [sflag:s15], $0x4000  }
0x2f: {  	s29 =	simm.s32 $0x800;
	s28 =	simm.s32 $0x100;
	[sflag:s15] =	ssyncset.done $0x0  }
.LBB2_2:
0x30: {  	s30 =	sadd.s32 $0x80, s28  }
0x31: {  	[sflag:s15] =	ssyncadd.s32 $0xFFFFC000;
	s31 =	smov.u32 s29;
	s0 =	sadd.s32 $0x400, s29  }
0x32: {  	[tilespmem:s20], [sflag:$0x2] =	stream.indirect.gather [hbm4b:s4+s17], $0x80, s30, s17, $0xb8;
	[tilespmem:$0x1E800] =	vst v63  }
0x33: {  	p0 =	sne.s32 s29, $0x4800;
	_ =	swait.ge [sflag:s21], $0x4000  }
0x34: {  	[sflag:s21] =	ssyncset.done $0x0  }
0x35: {  	s29 =	sadd.s32 $0x1400, s28;
	[sflag:s21] =	ssyncadd.s32 $0xFFFFC000  }
0x36: {  	[spmem:s1] =	stream.indirect.scatter.add.f32 [tilespmem:s18], [sflag:$0x4], $0x80, s29, s17, $0xb8;
	[tilespmem:$0x1E800] =	vst v63  }
0x37: {  	_ =	swait.ge [sflag:s15], $0x4000  }
0x38: {  	[sflag:s15] =	ssyncset.done $0x0  }
0x39: {  	s29 =	sadd.s32 $0x100, s28;
	[sflag:s15] =	ssyncadd.s32 $0xFFFFC000  }
0x3a: {  	[tilespmem:s18], [sflag:$0x1] =	stream.indirect.gather [hbm4b:s4+s17], $0x80, s29, s17, $0xb8;
	[tilespmem:$0x1E800] =	vst v63  }
0x3b: {  	_ =	swait.ge [sflag:s22], $0x4000  }
.Ltmp0:
0x3c: {  	[sflag:s22] =	ssyncset.done $0x0;
	(pc) =	sbr.rel @p0 .LBB2_2-.Ltmp0, $4  }
0x3d: {  	s28 =	sadd.s32 $0x1480, s28;
	[sflag:s22] =	ssyncadd.s32 $0xFFFFC000  }
0x3e: {  	[spmem:s1] =	stream.indirect.scatter.add.f32 [tilespmem:s20], [sflag:$0x4], $0x80, s28, s17, $0xb8;
	[tilespmem:$0x1E800] =	vst v63  }
0x3f: {  	_ =	swait.ge [sflag:s15], $0x4000  }
0x40: {  	s29 =	smov.u32 s0;
	s28 =	sshra.s32 s31, $0x2;
	[sflag:s15] =	ssyncset.done $0x0  }
0x41: {  	s0 =	sadd.s32 $0x80, s28;
	[sflag:s15] =	ssyncadd.s32 $0xFFFFC000  }
0x42: {  	[tilespmem:s20], [sflag:$0x2] =	stream.indirect.gather [hbm4b:s4+s17], $0x80, s0, s17, $0xb8;
	[tilespmem:$0x1E800] =	vst v63  }
0x43: {  	_ =	swait.ge [sflag:s21], $0x4000  }
0x44: {  	[sflag:s21] =	ssyncset.done $0x0  }
0x45: {  	s30 =	sadd.s32 $0x1400, s28;
	[sflag:s21] =	ssyncadd.s32 $0xFFFFC000  }
0x46: {  	[spmem:s1] =	stream.indirect.scatter.add.f32 [tilespmem:s18], [sflag:$0x4], $0x80, s30, s17, $0xb8;
	[tilespmem:$0x1E800] =	vst v63  }
0x47: {  	_ =	swait.ge [sflag:s15], $0x4000  }
0x48: {  	[sflag:s15] =	ssyncset.done $0x0  }
0x49: {  	s31 =	sadd.s32 $0x100, s28;
	[sflag:s15] =	ssyncadd.s32 $0xFFFFC000  }
0x4a: {  	[tilespmem:s18], [sflag:$0x1] =	stream.indirect.gather [hbm4b:s4+s17], $0x80, s31, s17, $0xb8;
	[tilespmem:$0x1E800] =	vst v63  }
0x4b: {  	_ =	swait.ge [sflag:s22], $0x4000  }
0x4c: {  	[sflag:s22] =	ssyncset.done $0x0  }
0x4d: {  	s30 =	sadd.s32 $0x1480, s28;
	[sflag:s22] =	ssyncadd.s32 $0xFFFFC000  }
0x4e: {  	[spmem:s1] =	stream.indirect.scatter.add.f32 [tilespmem:s20], [sflag:$0x4], $0x80, s30, s17, $0xb8;
	[tilespmem:$0x1E800] =	vst v63  }
0x4f: {  	_ =	swait.ge [sflag:s15], $0x4000  }
0x50: {  	[sflag:s15] =	ssyncset.done $0x0  }
0x51: {  	[sflag:s15] =	ssyncadd.s32 $0xFFFFC000  }
0x52: {  	[tilespmem:s20], [sflag:$0x2] =	stream.indirect.gather [hbm4b:s4+s17], $0x80, s23, s17, $0xb8;
	[tilespmem:$0x1E800] =	vst v63  }
0x53: {  	_ =	swait.ge [sflag:s21], $0x4000  }
0x54: {  	[sflag:s21] =	ssyncset.done $0x0  }
0x55: {  	[sflag:s21] =	ssyncadd.s32 $0xFFFFC000  }
0x56: {  	[spmem:s1] =	stream.indirect.scatter.add.f32 [tilespmem:s18], [sflag:$0x4], $0x80, s24, s17, $0xb8;
	[tilespmem:$0x1E800] =	vst v63  }
0x57: {  	_ =	swait.ge [sflag:s15], $0x4000  }
0x58: {  	[sflag:s15] =	ssyncset.done $0x0  }
0x59: {  	[sflag:s15] =	ssyncadd.s32 $0xFFFFC000  }
0x5a: {  	_ =	swait.ge [sflag:s22], $0x4000  }
0x5b: {  	[sflag:s22] =	ssyncset.done $0x0  }
0x5c: {  	[sflag:s22] =	ssyncadd.s32 $0xFFFFC000  }
0x5d: {  	[spmem:s1] =	stream.indirect.scatter.add.f32 [tilespmem:s20], [sflag:$0x4], $0x80, s25, s17, $0xb8;
	[tilespmem:$0x1E800] =	vst v63  }
0x5e: {  	_ =	swait.ge [sflag:s15], $0x4000  }
0x5f: {  	[sflag:s15] =	ssyncset.done $0x0  }
0x60: {  	s31 =	simm.s32 $0x0;
	[sflag:s15] =	ssyncadd.s32 $0xFFFFC000  }
0x61: {  	[tilespmem:s31], [sflag:$0x4] =	stream.linear.gather [hbm4b:s10+s31], $0x1400, $0x38;
	[tilespmem:$0x1E800] =	vst v63  }
0x62: {  	_ =	swait.ge [sflag:s15], $0x1400  }
0x63: {  	[sflag:s15] =	ssyncset.done $0x0  }
0x64: {  	[sflag:s15] =	ssyncadd.s32 $0xFFFFEC00  }
0x65: {  	[tilespmem:s16], [sflag:$0x4] =	stream.linear.gather [hbm4b:s11+s31], $0x1400, $0x38;
	[tilespmem:$0x1E800] =	vst v63  }
0x66: {  	_ =	swait.ge [sflag:s15], $0x1400  }
0x67: {  	[sflag:s15] =	ssyncset.done $0x0  }
0x68: {  	[sflag:s15] =	ssyncadd.s32 $0xFFFFEC00  }
0x69: {  	[tilespmem:s18], [sflag:$0x1] =	stream.indirect.gather [hbm4b:s4+s17], $0x80, s31, s17, $0xb8;
	[tilespmem:$0x1E800] =	vst v63  }
0x6a: {  	s30 =	simm.s32 $0x80  }
0x6b: {  	[tilespmem:s20], [sflag:$0x2] =	stream.indirect.gather [hbm4b:s4+s17], $0x80, s30, s17, $0xb8;
	[tilespmem:$0x1E800] =	vst v63  }
0x6c: {  	_ =	swait.ge [sflag:s21], $0x4000  }
0x6d: {  	[sflag:s21] =	ssyncset.done $0x0  }
0x6e: {  	s31 =	simm.s32 $0x1400;
	[sflag:s21] =	ssyncadd.s32 $0xFFFFC000  }
0x6f: {  	[spmem:s1] =	stream.indirect.scatter.add.f32 [tilespmem:s18], [sflag:$0x4], $0x80, s31, s17, $0xb8;
	[tilespmem:$0x1E800] =	vst v63  }
0x70: {  	_ =	swait.ge [sflag:s15], $0x4000  }
0x71: {  	[sflag:s15] =	ssyncset.done $0x0  }
0x72: {  	s30 =	simm.s32 $0x100;
	[sflag:s15] =	ssyncadd.s32 $0xFFFFC000  }
0x73: {  	[tilespmem:s18], [sflag:$0x1] =	stream.indirect.gather [hbm4b:s4+s17], $0x80, s30, s17, $0xb8;
	[tilespmem:$0x1E800] =	vst v63  }
0x74: {  	_ =	swait.ge [sflag:s22], $0x4000  }
0x75: {  	[sflag:s22] =	ssyncset.done $0x0  }
0x76: {  	s31 =	simm.s32 $0x1480;
	[sflag:s22] =	ssyncadd.s32 $0xFFFFC000  }
0x77: {  	[spmem:s1] =	stream.indirect.scatter.add.f32 [tilespmem:s20], [sflag:$0x4], $0x80, s31, s17, $0xb8;
	[tilespmem:$0x1E800] =	vst v63  }
0x78: {  	_ =	swait.ge [sflag:s15], $0x4000  }
0x79: {  	s29 =	simm.s32 $0x800;
	s28 =	simm.s32 $0x100;
	[sflag:s15] =	ssyncset.done $0x0  }
.LBB2_4:
0x7a: {  	s0 =	sadd.s32 $0x80, s28  }
0x7b: {  	[sflag:s15] =	ssyncadd.s32 $0xFFFFC000;
	s30 =	smov.u32 s29;
	s31 =	sadd.s32 $0x400, s29  }
0x7c: {  	[tilespmem:s20], [sflag:$0x2] =	stream.indirect.gather [hbm4b:s4+s17], $0x80, s0, s17, $0xb8;
	[tilespmem:$0x1E800] =	vst v63  }
0x7d: {  	p0 =	sne.s32 s29, $0x4800;
	_ =	swait.ge [sflag:s21], $0x4000  }
0x7e: {  	[sflag:s21] =	ssyncset.done $0x0  }
0x7f: {  	s0 =	sadd.s32 $0x1400, s28;
	[sflag:s21] =	ssyncadd.s32 $0xFFFFC000  }
0x80: {  	[spmem:s1] =	stream.indirect.scatter.add.f32 [tilespmem:s18], [sflag:$0x4], $0x80, s0, s17, $0xb8;
	[tilespmem:$0x1E800] =	vst v63  }
0x81: {  	_ =	swait.ge [sflag:s15], $0x4000  }
0x82: {  	[sflag:s15] =	ssyncset.done $0x0  }
0x83: {  	s0 =	sadd.s32 $0x100, s28;
	[sflag:s15] =	ssyncadd.s32 $0xFFFFC000  }
0x84: {  	[tilespmem:s18], [sflag:$0x1] =	stream.indirect.gather [hbm4b:s4+s17], $0x80, s0, s17, $0xb8;
	[tilespmem:$0x1E800] =	vst v63  }
0x85: {  	_ =	swait.ge [sflag:s22], $0x4000  }
.Ltmp1:
0x86: {  	[sflag:s22] =	ssyncset.done $0x0;
	(pc) =	sbr.rel @p0 .LBB2_4-.Ltmp1, $4  }
0x87: {  	s0 =	sadd.s32 $0x1480, s28;
	[sflag:s22] =	ssyncadd.s32 $0xFFFFC000  }
0x88: {  	[spmem:s1] =	stream.indirect.scatter.add.f32 [tilespmem:s20], [sflag:$0x4], $0x80, s0, s17, $0xb8;
	[tilespmem:$0x1E800] =	vst v63  }
0x89: {  	_ =	swait.ge [sflag:s15], $0x4000  }
0x8a: {  	s29 =	smov.u32 s31;
	s28 =	sshra.s32 s30, $0x2;
	[sflag:s15] =	ssyncset.done $0x0  }
0x8b: {  	s0 =	sadd.s32 $0x80, s28;
	[sflag:s15] =	ssyncadd.s32 $0xFFFFC000  }
0x8c: {  	[tilespmem:s20], [sflag:$0x2] =	stream.indirect.gather [hbm4b:s4+s17], $0x80, s0, s17, $0xb8;
	[tilespmem:$0x1E800] =	vst v63  }
0x8d: {  	_ =	swait.ge [sflag:s21], $0x4000  }
0x8e: {  	[sflag:s21] =	ssyncset.done $0x0  }
0x8f: {  	s31 =	sadd.s32 $0x1400, s28;
	[sflag:s21] =	ssyncadd.s32 $0xFFFFC000  }
0x90: {  	[spmem:s1] =	stream.indirect.scatter.add.f32 [tilespmem:s18], [sflag:$0x4], $0x80, s31, s17, $0xb8;
	[tilespmem:$0x1E800] =	vst v63  }
0x91: {  	_ =	swait.ge [sflag:s15], $0x4000  }
0x92: {  	[sflag:s15] =	ssyncset.done $0x0  }
0x93: {  	s29 =	sadd.s32 $0x100, s28;
	[sflag:s15] =	ssyncadd.s32 $0xFFFFC000  }
0x94: {  	[tilespmem:s18], [sflag:$0x1] =	stream.indirect.gather [hbm4b:s4+s17], $0x80, s29, s17, $0xb8;
	[tilespmem:$0x1E800] =	vst v63  }
0x95: {  	_ =	swait.ge [sflag:s22], $0x4000  }
0x96: {  	[sflag:s22] =	ssyncset.done $0x0  }
0x97: {  	s30 =	sadd.s32 $0x1480, s28;
	[sflag:s22] =	ssyncadd.s32 $0xFFFFC000  }
0x98: {  	[spmem:s1] =	stream.indirect.scatter.add.f32 [tilespmem:s20], [sflag:$0x4], $0x80, s30, s17, $0xb8;
	[tilespmem:$0x1E800] =	vst v63  }
0x99: {  	_ =	swait.ge [sflag:s15], $0x4000  }
0x9a: {  	[sflag:s15] =	ssyncset.done $0x0  }
0x9b: {  	[sflag:s15] =	ssyncadd.s32 $0xFFFFC000  }
0x9c: {  	[tilespmem:s20], [sflag:$0x2] =	stream.indirect.gather [hbm4b:s4+s17], $0x80, s23, s17, $0xb8;
	[tilespmem:$0x1E800] =	vst v63  }
0x9d: {  	_ =	swait.ge [sflag:s21], $0x4000  }
0x9e: {  	[sflag:s21] =	ssyncset.done $0x0  }
0x9f: {  	[sflag:s21] =	ssyncadd.s32 $0xFFFFC000  }
0xa0: {  	[spmem:s1] =	stream.indirect.scatter.add.f32 [tilespmem:s18], [sflag:$0x4], $0x80, s24, s17, $0xb8;
	[tilespmem:$0x1E800] =	vst v63  }
0xa1: {  	_ =	swait.ge [sflag:s15], $0x4000  }
0xa2: {  	[sflag:s15] =	ssyncset.done $0x0  }
0xa3: {  	[sflag:s15] =	ssyncadd.s32 $0xFFFFC000  }
0xa4: {  	_ =	swait.ge [sflag:s22], $0x4000  }
0xa5: {  	[sflag:s22] =	ssyncset.done $0x0  }
0xa6: {  	[sflag:s22] =	ssyncadd.s32 $0xFFFFC000  }
0xa7: {  	[spmem:s1] =	stream.indirect.scatter.add.f32 [tilespmem:s20], [sflag:$0x4], $0x80, s25, s17, $0xb8;
	[tilespmem:$0x1E800] =	vst v63  }
0xa8: {  	_ =	swait.ge [sflag:s15], $0x4000  }
0xa9: {  	s26 =	sadd.s32 $0x1, s26;
	[sflag:s15] =	ssyncset.done $0x0  }
0xaa: {  	p0 =	sne.s32 s26, s13;
	[sflag:s15] =	ssyncadd.s32 $0xFFFFC000  }
.Ltmp2:
0xab: {  	s31 =	sor.u32 $0x1C04, s6;
	[bflag:$0x0] =	sbarrier.arrive $0xFFFF;
	(pc) =	sbr.rel @p0 .LBB2_1-.Ltmp2, $4  }
0xac: {  	[hbm:s12], [sflag:s31] =	dma.local [spmem:s14], $0x2800  }
0xad: {  	_ =	swait.ge [sflag:s15], $0x2800  }
0xae: {  	[sflag:s15] =	ssyncset.done $0x0  }
0xaf: {  	[sflag:s15] =	ssyncadd.s32 $0xFFFFD800  }
0xb0: {  	_ =	sfence.sel $0x180000  }
0xb1: {  	[bflag:$0x0] =	sbarrier.arrive $0xFFFF  }
0xb2: {  	_ =	strace $0x9000004D  }
0xb3: {  	[bflag:$0x2] =	sbarrier.arrive $0xFFFF  }
0xb4: {  	p0 =	sne.s32 s2, $0x0;
	s0 =	rddreg [dreg:$0x2]  }
0xb5: {  	s0 =	sadd.s32 @!p0 $0x100000, s0  }
0xb6: {  	[sflag:s0] =	ssyncadd.tile.s32 @!p0 $0x1;
	_ =	shalt  }
.Lfunc_end2:
_tile_overlayer_lowered:
.L_overlay_start_2:
0xb7: {  	(tag) =	ssettag $0x2  }
0xb8: {  	s0 =	rddreg [dreg:$0x0];
	s2 =	stileid.u32  }
0xb9: {  	s1 =	rddreg [dreg:$0x1];
	p0 =	sne.s32 s2, $0x0  }
0xba: {  	s3 =	rddreg [dreg:$0x2];
	[bflag:$0x3] =	sbarrier.arrive $0xFFFF;
	s2 =	simm.s32 @!p0 $0x1C04  }
0xbb: {  	[timem:s3], [sflag:s2] =	dma.local @!p0 [hbm:s0], s1  }
0xbc: {  	s0 =	simm.s32 @!p0 $0x4  }
0xbd: {  	_ =	swait.ge @!p0 [sflag:s0], s1  }
0xbe: {  	s1 =	ssub.s32 @!p0 $0x0, s1;
	[sflag:s0] =	ssyncset.done @!p0 $0x0  }
0xbf: {  	[sflag:s0] =	ssyncadd.s32 @!p0 s1  }
0xc0: {  	[bflag:$0x3] =	sbarrier.arrive $0xFFFF  }
0xc1: {  	_ =	shalt  }

// kernel: kernel.19.cloned.1.call-start
scs
__scs_entry_jumppad:
0x0: {  	(pc) =	sbr.rel $0x88, $3  }
0x1: {  	(tag) =	ssettag $0x0;
	lr =	simm.s32 $0x1  }
0x2: {  	[smem:$0x3F96] =	sst lr;
	_ =	strace $0xD0000000  }
0x3: {  	_ = 	snop  }
0x4: {  	_ = 	snop  }
0x5: {  	_ = 	snop  }
0x6: {  	_ = 	snop  }
0x7: {  	_ = 	snop  }
__scs_overlays_trampoline_lowered:
0x8: {  	[smem:$0x3FA5] =	sst s0  }
0x9: {  	[smem:$0x3FA6] =	sst s1  }
0xa: {  	[smem:$0x3FA7] =	sst s2  }
0xb: {  	[smem:$0x3FA8] =	sst s3  }
0xc: {  	[smem:$0x3FA9] =	sst s4  }
0xd: {  	[smem:$0x3FAA] =	sst s5  }
0xe: {  	[smem:$0x3FAB] =	sst s6  }
0xf: {  	[smem:$0x3FAC] =	sst s7  }
0x10: {  	[smem:$0x3FAD] =	sst s8  }
0x11: {  	[smem:$0x3FAE] =	sst s9;
	s0 =	simm.s32 @!p0 $0x0  }
0x12: {  	s1 =	sld [smem:$0x3F94];
	s0 =	simm.s32 @p0 $0x1  }
0x13: {  	[smem:$0x3FAF] =	sst s0;
	s0 =	simm.s32 @!p1 $0x0  }
0x14: {  	s2 =	sld [smem:$0x3F93];
	s0 =	simm.s32 @p1 $0x1  }
0x15: {  	[smem:$0x3FB0] =	sst s0;
	s0 =	simm.s32 @!p2 $0x0  }
0x16: {  	s3 =	sld [smem:$0x3FDB];
	s0 =	simm.s32 @p2 $0x1  }
0x17: {  	s4 =	simm.s32 $0x1BF5;
	[smem:$0x3FB2] =	sst s0  }
0x18: {  	s0 =	sld [smem:$0x3F95];
	_ =	swait.ge [sflag:s4], $0x0  }
0x19: {  	s7 =	sld [smem:$0x3F96]  }
0x1a: {  	s8 =	sadd.s32 $0xFFFFE003, lr  }
0x1b: {  	s9 =	sadd.s32 $0xFFFFFEF7, lr;
	s5 =	simm.s32 $0xFFFFFFFF;
	p2 =	slt.u32 s8, $0xFFFFF086  }
0x1c: {  	p1 =	slt.u32 s9, $0xF7A;
	s5 =	simm.s32 @!p2 $0x0  }
0x1d: {  	s5 =	simm.s32 @p1 $0x1;
	p0 =	seq.s32 s7, s2  }
0x1e: {  	s7 =	smul.u32 @!p0 $0xF7A, s2;
	p2 =	seq.s32 @!p0 s5, $0x0  }
0x1f: {  	s9 =	smul.u32 $0xF7A, s1;
	s8 =	simm.s32 @!p0 $0x1BF5;
	p2 =	por !p2, p0  }
0x20: {  	[sflag:s8] =	ssyncset.s32 @!p0 $0xFFFFF086;
	s6 =	sadd.s32 @!p0 s3, s7;
	s7 =	simm.s32 @!p0 $0x108  }
0x21: {  	s3 =	sadd.s32 s3, s9;
	s6 =	sadd.s32 @!p0 $0x88, s6;
	s7 =	simm.s32 @p2 $0x1082  }
0x22: {  	[simem:s7], [sflag:s8] =	dma.local @!p0 [hbm:s6], $0xF7A  }
0x23: {  	s9 =	sor.u32 $0xD0000000, s2;
	s6 =	simm.s32 $0x108;
	_ =	swait.ge @!p0 [sflag:s8], $0x0  }
0x24: {  	s3 =	sadd.s32 $0x88, s3;
	s6 =	simm.s32 @!p1 $0x1082;
	[sflag:s4] =	ssyncset.s32 $0xFFFFF086  }
0x25: {  	[simem:s6], [sflag:s4] =	dma.local [hbm:s3], $0xF7A  }
0x26: {  	[smem:$0x3F96] =	sst s1;
	(tag) =	ssettag s2;
	_ =	strace s9  }
0x27: {  	s1 =	sld [smem:$0x3FA6]  }
0x28: {  	s2 =	sld [smem:$0x3FA7]  }
0x29: {  	s4 =	sld [smem:$0x3FA9]  }
0x2a: {  	p0 =	seq.s32 s5, $0x0;
	s5 =	sld [smem:$0x3FAA]  }
0x2b: {  	s6 =	sld [smem:$0x3FAB]  }
0x2c: {  	s7 =	sld [smem:$0x3FAC]  }
0x2d: {  	s3 =	simm.s32 $0x108;
	s8 =	sld [smem:$0x3FAD]  }
0x2e: {  	s3 =	simm.s32 @!p0 $0x1082;
	s9 =	sld [smem:$0x3FAE]  }
0x2f: {  	lr =	sadd.s32 s0, s3;
	s0 =	sld [smem:$0x3FA5]  }
0x30: {  	s3 =	sld [smem:$0x3FA8]  }
0x31: {  	[smem:$0x3FB1] =	sst s10  }
0x32: {  	s10 =	sld [smem:$0x3FAF];
	_ =	sdelay $0x3  }
0x33: {  	p0 =	seq.s32 s10, $0x1;
	s10 =	sld [smem:$0x3FB1];
	_ =	sdelay $0x3  }
0x34: {  	[smem:$0x3FB1] =	sst s10  }
0x35: {  	s10 =	sld [smem:$0x3FB0];
	_ =	sdelay $0x3  }
0x36: {  	p1 =	seq.s32 s10, $0x1;
	s10 =	sld [smem:$0x3FB1];
	_ =	sdelay $0x3  }
0x37: {  	[smem:$0x3FB1] =	sst s10  }
0x38: {  	s10 =	sld [smem:$0x3FB2]  }
0x39: {  	_ = 	snop;
	(pc) =	sbr.ind lr, $3  }
0x3a: {  	_ = 	snop  }
0x3b: {  	_ = 	snop  }
0x3c: {  	p2 =	seq.s32 s10, $0x1;
	s10 =	sld [smem:$0x3FB1]  }
0x3d: {  	_ =	shalt  }
0x3e: {  	_ =	shalt  }
0x3f: {  	_ =	shalt  }
0x40: {  	_ =	shalt  }
0x41: {  	_ =	shalt  }
0x42: {  	_ =	shalt  }
0x43: {  	_ =	shalt  }
0x44: {  	_ =	shalt  }
0x45: {  	_ =	shalt  }
0x46: {  	_ =	shalt  }
0x47: {  	_ =	shalt  }
0x48: {  	_ =	shalt  }
0x49: {  	_ =	shalt  }
0x4a: {  	_ =	shalt  }
0x4b: {  	_ =	shalt  }
0x4c: {  	_ =	shalt  }
0x4d: {  	_ =	shalt  }
0x4e: {  	_ =	shalt  }
0x4f: {  	_ =	shalt  }
0x50: {  	_ =	shalt  }
0x51: {  	_ =	shalt  }
0x52: {  	_ =	shalt  }
0x53: {  	_ =	shalt  }
0x54: {  	_ =	shalt  }
0x55: {  	_ =	shalt  }
0x56: {  	_ =	shalt  }
0x57: {  	_ =	shalt  }
0x58: {  	_ =	shalt  }
0x59: {  	_ =	shalt  }
0x5a: {  	_ =	shalt  }
0x5b: {  	_ =	shalt  }
0x5c: {  	_ =	shalt  }
0x5d: {  	_ =	shalt  }
0x5e: {  	_ =	shalt  }
0x5f: {  	_ =	shalt  }
0x60: {  	_ =	shalt  }
0x61: {  	_ =	shalt  }
0x62: {  	_ =	shalt  }
0x63: {  	_ =	shalt  }
0x64: {  	_ =	shalt  }
0x65: {  	_ =	shalt  }
0x66: {  	_ =	shalt  }
0x67: {  	_ =	shalt  }
0x68: {  	_ =	shalt  }
0x69: {  	_ =	shalt  }
0x6a: {  	_ =	shalt  }
0x6b: {  	_ =	shalt  }
0x6c: {  	_ =	shalt  }
0x6d: {  	_ =	shalt  }
0x6e: {  	_ =	shalt  }
0x6f: {  	_ =	shalt  }
0x70: {  	_ =	shalt  }
0x71: {  	_ =	shalt  }
0x72: {  	_ =	shalt  }
0x73: {  	_ =	shalt  }
0x74: {  	_ =	shalt  }
0x75: {  	_ =	shalt  }
0x76: {  	_ =	shalt  }
0x77: {  	_ =	shalt  }
0x78: {  	_ =	shalt  }
0x79: {  	_ =	shalt  }
0x7a: {  	_ =	shalt  }
0x7b: {  	_ =	shalt  }
0x7c: {  	_ =	shalt  }
0x7d: {  	_ =	shalt  }
0x7e: {  	_ =	shalt  }
0x7f: {  	_ =	shalt  }
0x80: {  	_ =	shalt  }
0x81: {  	_ =	shalt  }
0x82: {  	_ =	shalt  }
0x83: {  	_ =	shalt  }
0x84: {  	_ =	shalt  }
0x85: {  	_ =	shalt  }
0x86: {  	_ =	shalt  }
0x87: {  	_ =	shalt  }
.Lfunc_end0:
.L_simem_size_0:
called_computation.3_lowered:
.L_overlay_start_0:
0x88: {  	s2 =	sld [smem:$0x3FD9]  }
0x89: {  	s3 =	sld [smem:$0x3FFE];
	_ =	sdelay $0x1  }
0x8a: {  	s1 =	srdreg.scid  }
0x8b: {  	s0 =	sand.u32 $0x1, s1  }
0x8c: {  	s16 =	sshll.u32 s0, $0xA;
	s2 =	sadd.s32 s3, s2  }
0x8d: {  	s2 =	sadd.s32 s2, s16  }
0x8e: {  	[smem:$0x3FBD] =	sst s2  }
0x8f: {  	_ = 	snop  }
0x90: {  	(tm) =	ssettm $0x1  }
0x91: {  	s17 =	sld [smem:$0x3FFB];
	_ =	sdelay $0x3  }
0x92: {  	_ =	strace s17  }
0x93: {  	s2 =	sld [smem:$0x3FFC];
	_ =	sdelay $0x3  }
0x94: {  	_ =	strace s2  }
0x95: {  	s2 =	sld [smem:$0x3FFD];
	_ =	sdelay $0x3  }
0x96: {  	_ =	strace s2  }
0x97: {  	_ =	strace $0x8FFFFFFF  }
0x98: {  	s18 =	sld [smem:$0x3FDB];
	_ =	sdelay $0x1  }
0x99: {  	s19 =	simm.s32 $_scs_section_size  }
0x9a: {  	s4 =	simm.s32 $_size__tile_overlayer_lowered;
	s5 =	simm.s32 $_tile_overlayer_lowered  }
0x9b: {  	s22 =	simm.s32 $0x1BFF;
	s21 =	sshll.u32 s5, $0x1;
	s2 =	sadd.s32 s19, s18  }
0x9c: {  	s6 =	simm.s32 $0x0;
	s20 =	sshll.u32 s4, $0x1;
	s4 =	sadd.s32 s21, s2  }
0x9d: {  	[timem:s6], [sflag:s22] =	dma.local [hbm:s4], s20  }
0x9e: {  	_ =	swait.ge [sflag:s22], s20  }
0x9f: {  	s3 =	ssub.s32 $0x0, s20;
	[sflag:s22] =	ssyncset.done $0x0  }
0xa0: {  	[sflag:s22] =	ssyncadd.s32 s3;
	_ =	sdelay $0x1  }
0xa1: {  	s23 =	simm.s32 $0x1B8B  }
0xa2: {  	_ =	swait.ge [sflag:s23], $0x1  }
0xa3: {  	[sflag:s23] =	ssyncset.done $0x0  }
0xa4: {  	s25 =	simm.s32 $0x1B8E;
	s24 =	sld [smem:$0x3FFE];
	[sflag:s23] =	ssyncadd.s32 $0xFFFFFFFF  }
0xa5: {  	s26 =	simm.s32 $execute0_lowered;
	[smem:$0x3FD2] =	sst s25  }
0xa6: {  	s4 =	sshll.u32 s26, $0x1;
	_ =	strace $0x8000004F;
	[dreg:$0x1] =	wrdreg $0xFFFFFFFF  }
0xa7: {  	s28 =	simm.s32 $_size_execute0_lowered;
	s2 =	sadd.s32 s2, s4;
	[dreg:$0x0] =	wrdreg $0x0  }
0xa8: {  	s4 =	sshll.u32 s28, $0x1;
	[dreg:$0x2] =	wrdreg s2  }
0xa9: {  	[dreg:$0x3] =	wrdreg s4  }
0xaa: {  	[dreg:$0x4] =	wrdreg $0xC0  }
0xab: {  	_ =	task [dreg:s6], $0x5FFFF  }
0xac: {  	[dreg:$0x1] =	wrdreg $0xFFFFFFFF  }
0xad: {  	[dreg:$0x0] =	wrdreg $0x60  }
0xae: {  	[dreg:$0x2] =	wrdreg s24  }
0xaf: {  	[dreg:$0x3] =	wrdreg $0xA8000  }
0xb0: {  	[dreg:$0x4] =	wrdreg $0x9  }
0xb1: {  	_ =	task.clear_ibuf [dreg:s6], $0x5FFFF;
	_ =	strace $0x9000004F  }
0xb2: {  	s29 =	simm.s32 $0x9;
	_ =	strace $0x80000051  }
0xb3: {  	_ =	swait.ge [sflag:s29], $0x1  }
0xb4: {  	[sflag:s29] =	ssyncadd.s32 $0xFFFFFFFF  }
0xb5: {  	_ =	strace $0x90000051  }
0xb6: {  	_ =	sfence  }
0xb7: {  	s30 =	sld [smem:$0x0];
	_ =	sdelay $0x2  }
0xb8: {  	s31 =	sshll.u32 s1, $0xD;
	s1 =	sshrl.u32 s1, $0x2  }
0xb9: {  	s3 =	sand.u32 $0x4000, s31;
	s1 =	sadd.s32 s1, s30  }
0xba: {  	s0 =	sor.u32 s3, s0;
	s1 =	sshll.u32 s1, $0x11  }
0xbb: {  	s0 =	sor.u32 s1, s0  }
0xbc: {  	s0 =	sadd.s32 $0x8F2B, s0  }
0xbd: {  	[sflag:s0] =	ssyncadd.remote.s32 $0x1  }
0xbe: {  	_ =	sfence.sel $0xFFFF  }
0xbf: {  	[dreg:$0x0] =	wrdreg $0xFFFFFFFF;
	(pc) =	sbr.abs _section_cstart, $3  }
0xc0: {  	[dreg:$0x1] =	wrdreg $0xFFFFFFFF  }
0xc1: {  	_ =	task.clear_ibuf [dreg:s6], $0x2FFFF;
	_ =	strace $0x9FFFFFFF  }
0xc2: {  	(tm) =	ssettm $0x7FFFFFFF  }
0xc3: {  	_ =	shalt  }
tec
execute0_lowered:
.L_overlay_start_1:
0x0: {  	(tag) =	ssettag $0x1  }
0x1: {  	s6 =	rddreg [dreg:$0x0]  }
0x2: {  	s1 =	rddreg [dreg:$0x1]  }
0x3: {  	s2 =	srdreg.scid;
	s3 =	simm.s32 $0x0;
	s16 =	simm.s32 $0x1400  }
0x4: {  	s17 =	simm.s32 $0x80;
	s18 =	simm.s32 $0x2800;
	s19 =	simm.s32 $0x3  }
0x5: {  	s20 =	simm.s32 $0x6800;
	s21 =	simm.s32 $0x1;
	s22 =	simm.s32 $0x2  }
0x6: {  	s23 =	simm.s32 $0x1380;
	s24 =	simm.s32 $0x2700;
	s25 =	simm.s32 $0x2780  }
0x7: {  	s26 =	simm.s32 $0x0;
	s7 =	sand.u32 $0x1, s2;
	s2 =	stileid.u32  }
0x8: {  	[smem:$0x7FF] =	sst s3;
	s4 =	sadd.s32 $0x17200, s6;
	s5 =	smul.u32 $0x140000, s7  }
0x9: {  	s10 =	sadd.s32 $0x3200, s6;
	s11 =	sadd.s32 $0xD200, s6;
	s8 =	smul.u32 $0x14000, s2  }
0xa: {  	_ =	strace $0x80000050;
	s9 =	sshll.u32 s7, $0x4;
	s7 =	ssub.s32 $0x2, s7  }
0xb: {  	s12 =	smul.u32 $0x50000, s2;
	s9 =	sor.u32 s2, s9;
	s28 =	sshrl.u32 s7, $0x1  }
0xc: {  	s8 =	sadd.s32 s8, s5;
	s5 =	sadd.s32 $0x3F200, s6;
	s29 =	smul.u32 $0x2800, s9  }
0xd: {  	s30 =	sshrl.u32 s12, $0x2;
	s9 =	smul.u32 $0x500, s9;
	s8 =	sshrl.u32 s8, $0x3  }
0xe: {  	s14 =	ssub.s32 s7, s28;
	s15 =	sadd.s32 s30, s1;
	s13 =	sadd.s32 s8, s6  }
0xf: {  	s6 =	sshll.u32 s2, $0x6;
	s31 =	sshrl.u32 s29, $0x3;
	s8 =	sadd.s32 s10, s9  }
0x10: {  	s9 =	sadd.s32 s11, s9;
	s7 =	sor.u32 $0x1C03, s6;
	s12 =	sadd.s32 $0x280, s31  }
0x11: {  	s10 =	sadd.s32 s10, s12;
	s11 =	sadd.s32 s11, s12;
	s12 =	sadd.s32 $0x41A00, s13  }
0x12: {  	s13 =	smax.u32 s14, $0x1;
	s14 =	sshrl.u32 s15, $0x3;
	s15 =	simm.s32 $0x4  }
.LBB2_1:
0x13: {  	[spmem:s14], [sflag:s7] =	dma.local [hbm:s5], $0x2800  }
0x14: {  	[tilespmem:s3], [sflag:$0x4] =	stream.linear.gather [hbm4b:s8+s3], $0x1400, $0x38;
	[tilespmem:$0x1E800] =	vst v63  }
0x15: {  	_ =	swait.ge [sflag:s15], $0x1400  }
0x16: {  	[sflag:s15] =	ssyncset.done $0x0  }
0x17: {  	[sflag:s15] =	ssyncadd.s32 $0xFFFFEC00  }
0x18: {  	[tilespmem:s16], [sflag:$0x4] =	stream.linear.gather [hbm4b:s9+s3], $0x1400, $0x38;
	[tilespmem:$0x1E800] =	vst v63  }
0x19: {  	_ =	swait.ge [sflag:s15], $0x1400  }
0x1a: {  	[sflag:s15] =	ssyncset.done $0x0  }
0x1b: {  	[sflag:s15] =	ssyncadd.s32 $0xFFFFEC00  }
0x1c: {  	[tilespmem:s18], [sflag:$0x1] =	stream.indirect.gather [hbm4b:s4+s17], $0x80, s3, s17, $0xb8;
	[tilespmem:$0x1E800] =	vst v63  }
0x1d: {  	_ =	swait.ge [sflag:s19], $0x2800  }
0x1e: {  	[sflag:s19] =	ssyncset.done $0x0  }
0x1f: {  	[sflag:s19] =	ssyncadd.s32 $0xFFFFD800  }
0x20: {  	s28 =	simm.s32 $0x80;
	[bflag:$0x0] =	sbarrier.arrive $0xFFFF  }
0x21: {  	[tilespmem:s20], [sflag:$0x2] =	stream.indirect.gather [hbm4b:s4+s17], $0x80, s28, s17, $0xb8;
	[tilespmem:$0x1E800] =	vst v63  }
0x22: {  	_ =	swait.ge [sflag:s21], $0x4000  }
0x23: {  	[sflag:s21] =	ssyncset.done $0x0  }
0x24: {  	s28 =	simm.s32 $0x1400;
	[sflag:s21] =	ssyncadd.s32 $0xFFFFC000  }
0x25: {  	[spmem:s1] =	stream.indirect.scatter.add.f32 [tilespmem:s18], [sflag:$0x4], $0x80, s28, s17, $0xb8;
	[tilespmem:$0x1E800] =	vst v63  }
0x26: {  	_ =	swait.ge [sflag:s15], $0x4000  }
0x27: {  	[sflag:s15] =	ssyncset.done $0x0  }
0x28: {  	s28 =	simm.s32 $0x100;
	[sflag:s15] =	ssyncadd.s32 $0xFFFFC000  }
0x29: {  	[tilespmem:s18], [sflag:$0x1] =	stream.indirect.gather [hbm4b:s4+s17], $0x80, s28, s17, $0xb8;
	[tilespmem:$0x1E800] =	vst v63  }
0x2a: {  	_ =	swait.ge [sflag:s22], $0x4000  }
0x2b: {  	[sflag:s22] =	ssyncset.done $0x0  }
0x2c: {  	s28 =	simm.s32 $0x1480;
	[sflag:s22] =	ssyncadd.s32 $0xFFFFC000  }
0x2d: {  	[spmem:s1] =	stream.indirect.scatter.add.f32 [tilespmem:s20], [sflag:$0x4], $0x80, s28, s17, $0xb8;
	[tilespmem:$0x1E800] =	vst v63  }
0x2e: {  	_ =	swait.ge [sflag:s15], $0x4000  }
0x2f: {  	s29 =	simm.s32 $0x800;
	s28 =	simm.s32 $0x100;
	[sflag:s15] =	ssyncset.done $0x0  }
.LBB2_2:
0x30: {  	s30 =	sadd.s32 $0x80, s28  }
0x31: {  	[sflag:s15] =	ssyncadd.s32 $0xFFFFC000;
	s31 =	smov.u32 s29;
	s0 =	sadd.s32 $0x400, s29  }
0x32: {  	[tilespmem:s20], [sflag:$0x2] =	stream.indirect.gather [hbm4b:s4+s17], $0x80, s30, s17, $0xb8;
	[tilespmem:$0x1E800] =	vst v63  }
0x33: {  	p0 =	sne.s32 s29, $0x4800;
	_ =	swait.ge [sflag:s21], $0x4000  }
0x34: {  	[sflag:s21] =	ssyncset.done $0x0  }
0x35: {  	s29 =	sadd.s32 $0x1400, s28;
	[sflag:s21] =	ssyncadd.s32 $0xFFFFC000  }
0x36: {  	[spmem:s1] =	stream.indirect.scatter.add.f32 [tilespmem:s18], [sflag:$0x4], $0x80, s29, s17, $0xb8;
	[tilespmem:$0x1E800] =	vst v63  }
0x37: {  	_ =	swait.ge [sflag:s15], $0x4000  }
0x38: {  	[sflag:s15] =	ssyncset.done $0x0  }
0x39: {  	s29 =	sadd.s32 $0x100, s28;
	[sflag:s15] =	ssyncadd.s32 $0xFFFFC000  }
0x3a: {  	[tilespmem:s18], [sflag:$0x1] =	stream.indirect.gather [hbm4b:s4+s17], $0x80, s29, s17, $0xb8;
	[tilespmem:$0x1E800] =	vst v63  }
0x3b: {  	_ =	swait.ge [sflag:s22], $0x4000  }
.Ltmp0:
0x3c: {  	[sflag:s22] =	ssyncset.done $0x0;
	(pc) =	sbr.rel @p0 .LBB2_2-.Ltmp0, $4  }
0x3d: {  	s28 =	sadd.s32 $0x1480, s28;
	[sflag:s22] =	ssyncadd.s32 $0xFFFFC000  }
0x3e: {  	[spmem:s1] =	stream.indirect.scatter.add.f32 [tilespmem:s20], [sflag:$0x4], $0x80, s28, s17, $0xb8;
	[tilespmem:$0x1E800] =	vst v63  }
0x3f: {  	_ =	swait.ge [sflag:s15], $0x4000  }
0x40: {  	s29 =	smov.u32 s0;
	s28 =	sshra.s32 s31, $0x2;
	[sflag:s15] =	ssyncset.done $0x0  }
0x41: {  	s0 =	sadd.s32 $0x80, s28;
	[sflag:s15] =	ssyncadd.s32 $0xFFFFC000  }
0x42: {  	[tilespmem:s20], [sflag:$0x2] =	stream.indirect.gather [hbm4b:s4+s17], $0x80, s0, s17, $0xb8;
	[tilespmem:$0x1E800] =	vst v63  }
0x43: {  	_ =	swait.ge [sflag:s21], $0x4000  }
0x44: {  	[sflag:s21] =	ssyncset.done $0x0  }
0x45: {  	s30 =	sadd.s32 $0x1400, s28;
	[sflag:s21] =	ssyncadd.s32 $0xFFFFC000  }
0x46: {  	[spmem:s1] =	stream.indirect.scatter.add.f32 [tilespmem:s18], [sflag:$0x4], $0x80, s30, s17, $0xb8;
	[tilespmem:$0x1E800] =	vst v63  }
0x47: {  	_ =	swait.ge [sflag:s15], $0x4000  }
0x48: {  	[sflag:s15] =	ssyncset.done $0x0  }
0x49: {  	s31 =	sadd.s32 $0x100, s28;
	[sflag:s15] =	ssyncadd.s32 $0xFFFFC000  }
0x4a: {  	[tilespmem:s18], [sflag:$0x1] =	stream.indirect.gather [hbm4b:s4+s17], $0x80, s31, s17, $0xb8;
	[tilespmem:$0x1E800] =	vst v63  }
0x4b: {  	_ =	swait.ge [sflag:s22], $0x4000  }
0x4c: {  	[sflag:s22] =	ssyncset.done $0x0  }
0x4d: {  	s30 =	sadd.s32 $0x1480, s28;
	[sflag:s22] =	ssyncadd.s32 $0xFFFFC000  }
0x4e: {  	[spmem:s1] =	stream.indirect.scatter.add.f32 [tilespmem:s20], [sflag:$0x4], $0x80, s30, s17, $0xb8;
	[tilespmem:$0x1E800] =	vst v63  }
0x4f: {  	_ =	swait.ge [sflag:s15], $0x4000  }
0x50: {  	[sflag:s15] =	ssyncset.done $0x0  }
0x51: {  	[sflag:s15] =	ssyncadd.s32 $0xFFFFC000  }
0x52: {  	[tilespmem:s20], [sflag:$0x2] =	stream.indirect.gather [hbm4b:s4+s17], $0x80, s23, s17, $0xb8;
	[tilespmem:$0x1E800] =	vst v63  }
0x53: {  	_ =	swait.ge [sflag:s21], $0x4000  }
0x54: {  	[sflag:s21] =	ssyncset.done $0x0  }
0x55: {  	[sflag:s21] =	ssyncadd.s32 $0xFFFFC000  }
0x56: {  	[spmem:s1] =	stream.indirect.scatter.add.f32 [tilespmem:s18], [sflag:$0x4], $0x80, s24, s17, $0xb8;
	[tilespmem:$0x1E800] =	vst v63  }
0x57: {  	_ =	swait.ge [sflag:s15], $0x4000  }
0x58: {  	[sflag:s15] =	ssyncset.done $0x0  }
0x59: {  	[sflag:s15] =	ssyncadd.s32 $0xFFFFC000  }
0x5a: {  	_ =	swait.ge [sflag:s22], $0x4000  }
0x5b: {  	[sflag:s22] =	ssyncset.done $0x0  }
0x5c: {  	[sflag:s22] =	ssyncadd.s32 $0xFFFFC000  }
0x5d: {  	[spmem:s1] =	stream.indirect.scatter.add.f32 [tilespmem:s20], [sflag:$0x4], $0x80, s25, s17, $0xb8;
	[tilespmem:$0x1E800] =	vst v63  }
0x5e: {  	_ =	swait.ge [sflag:s15], $0x4000  }
0x5f: {  	[sflag:s15] =	ssyncset.done $0x0  }
0x60: {  	s31 =	simm.s32 $0x0;
	[sflag:s15] =	ssyncadd.s32 $0xFFFFC000  }
0x61: {  	[tilespmem:s31], [sflag:$0x4] =	stream.linear.gather [hbm4b:s10+s31], $0x1400, $0x38;
	[tilespmem:$0x1E800] =	vst v63  }
0x62: {  	_ =	swait.ge [sflag:s15], $0x1400  }
0x63: {  	[sflag:s15] =	ssyncset.done $0x0  }
0x64: {  	[sflag:s15] =	ssyncadd.s32 $0xFFFFEC00  }
0x65: {  	[tilespmem:s16], [sflag:$0x4] =	stream.linear.gather [hbm4b:s11+s31], $0x1400, $0x38;
	[tilespmem:$0x1E800] =	vst v63  }
0x66: {  	_ =	swait.ge [sflag:s15], $0x1400  }
0x67: {  	[sflag:s15] =	ssyncset.done $0x0  }
0x68: {  	[sflag:s15] =	ssyncadd.s32 $0xFFFFEC00  }
0x69: {  	[tilespmem:s18], [sflag:$0x1] =	stream.indirect.gather [hbm4b:s4+s17], $0x80, s31, s17, $0xb8;
	[tilespmem:$0x1E800] =	vst v63  }
0x6a: {  	s30 =	simm.s32 $0x80  }
0x6b: {  	[tilespmem:s20], [sflag:$0x2] =	stream.indirect.gather [hbm4b:s4+s17], $0x80, s30, s17, $0xb8;
	[tilespmem:$0x1E800] =	vst v63  }
0x6c: {  	_ =	swait.ge [sflag:s21], $0x4000  }
0x6d: {  	[sflag:s21] =	ssyncset.done $0x0  }
0x6e: {  	s31 =	simm.s32 $0x1400;
	[sflag:s21] =	ssyncadd.s32 $0xFFFFC000  }
0x6f: {  	[spmem:s1] =	stream.indirect.scatter.add.f32 [tilespmem:s18], [sflag:$0x4], $0x80, s31, s17, $0xb8;
	[tilespmem:$0x1E800] =	vst v63  }
0x70: {  	_ =	swait.ge [sflag:s15], $0x4000  }
0x71: {  	[sflag:s15] =	ssyncset.done $0x0  }
0x72: {  	s30 =	simm.s32 $0x100;
	[sflag:s15] =	ssyncadd.s32 $0xFFFFC000  }
0x73: {  	[tilespmem:s18], [sflag:$0x1] =	stream.indirect.gather [hbm4b:s4+s17], $0x80, s30, s17, $0xb8;
	[tilespmem:$0x1E800] =	vst v63  }
0x74: {  	_ =	swait.ge [sflag:s22], $0x4000  }
0x75: {  	[sflag:s22] =	ssyncset.done $0x0  }
0x76: {  	s31 =	simm.s32 $0x1480;
	[sflag:s22] =	ssyncadd.s32 $0xFFFFC000  }
0x77: {  	[spmem:s1] =	stream.indirect.scatter.add.f32 [tilespmem:s20], [sflag:$0x4], $0x80, s31, s17, $0xb8;
	[tilespmem:$0x1E800] =	vst v63  }
0x78: {  	_ =	swait.ge [sflag:s15], $0x4000  }
0x79: {  	s29 =	simm.s32 $0x800;
	s28 =	simm.s32 $0x100;
	[sflag:s15] =	ssyncset.done $0x0  }
.LBB2_4:
0x7a: {  	s0 =	sadd.s32 $0x80, s28  }
0x7b: {  	[sflag:s15] =	ssyncadd.s32 $0xFFFFC000;
	s30 =	smov.u32 s29;
	s31 =	sadd.s32 $0x400, s29  }
0x7c: {  	[tilespmem:s20], [sflag:$0x2] =	stream.indirect.gather [hbm4b:s4+s17], $0x80, s0, s17, $0xb8;
	[tilespmem:$0x1E800] =	vst v63  }
0x7d: {  	p0 =	sne.s32 s29, $0x4800;
	_ =	swait.ge [sflag:s21], $0x4000  }
0x7e: {  	[sflag:s21] =	ssyncset.done $0x0  }
0x7f: {  	s0 =	sadd.s32 $0x1400, s28;
	[sflag:s21] =	ssyncadd.s32 $0xFFFFC000  }
0x80: {  	[spmem:s1] =	stream.indirect.scatter.add.f32 [tilespmem:s18], [sflag:$0x4], $0x80, s0, s17, $0xb8;
	[tilespmem:$0x1E800] =	vst v63  }
0x81: {  	_ =	swait.ge [sflag:s15], $0x4000  }
0x82: {  	[sflag:s15] =	ssyncset.done $0x0  }
0x83: {  	s0 =	sadd.s32 $0x100, s28;
	[sflag:s15] =	ssyncadd.s32 $0xFFFFC000  }
0x84: {  	[tilespmem:s18], [sflag:$0x1] =	stream.indirect.gather [hbm4b:s4+s17], $0x80, s0, s17, $0xb8;
	[tilespmem:$0x1E800] =	vst v63  }
0x85: {  	_ =	swait.ge [sflag:s22], $0x4000  }
.Ltmp1:
0x86: {  	[sflag:s22] =	ssyncset.done $0x0;
	(pc) =	sbr.rel @p0 .LBB2_4-.Ltmp1, $4  }
0x87: {  	s0 =	sadd.s32 $0x1480, s28;
	[sflag:s22] =	ssyncadd.s32 $0xFFFFC000  }
0x88: {  	[spmem:s1] =	stream.indirect.scatter.add.f32 [tilespmem:s20], [sflag:$0x4], $0x80, s0, s17, $0xb8;
	[tilespmem:$0x1E800] =	vst v63  }
0x89: {  	_ =	swait.ge [sflag:s15], $0x4000  }
0x8a: {  	s29 =	smov.u32 s31;
	s28 =	sshra.s32 s30, $0x2;
	[sflag:s15] =	ssyncset.done $0x0  }
0x8b: {  	s0 =	sadd.s32 $0x80, s28;
	[sflag:s15] =	ssyncadd.s32 $0xFFFFC000  }
0x8c: {  	[tilespmem:s20], [sflag:$0x2] =	stream.indirect.gather [hbm4b:s4+s17], $0x80, s0, s17, $0xb8;
	[tilespmem:$0x1E800] =	vst v63  }
0x8d: {  	_ =	swait.ge [sflag:s21], $0x4000  }
0x8e: {  	[sflag:s21] =	ssyncset.done $0x0  }
0x8f: {  	s31 =	sadd.s32 $0x1400, s28;
	[sflag:s21] =	ssyncadd.s32 $0xFFFFC000  }
0x90: {  	[spmem:s1] =	stream.indirect.scatter.add.f32 [tilespmem:s18], [sflag:$0x4], $0x80, s31, s17, $0xb8;
	[tilespmem:$0x1E800] =	vst v63  }
0x91: {  	_ =	swait.ge [sflag:s15], $0x4000  }
0x92: {  	[sflag:s15] =	ssyncset.done $0x0  }
0x93: {  	s29 =	sadd.s32 $0x100, s28;
	[sflag:s15] =	ssyncadd.s32 $0xFFFFC000  }
0x94: {  	[tilespmem:s18], [sflag:$0x1] =	stream.indirect.gather [hbm4b:s4+s17], $0x80, s29, s17, $0xb8;
	[tilespmem:$0x1E800] =	vst v63  }
0x95: {  	_ =	swait.ge [sflag:s22], $0x4000  }
0x96: {  	[sflag:s22] =	ssyncset.done $0x0  }
0x97: {  	s30 =	sadd.s32 $0x1480, s28;
	[sflag:s22] =	ssyncadd.s32 $0xFFFFC000  }
0x98: {  	[spmem:s1] =	stream.indirect.scatter.add.f32 [tilespmem:s20], [sflag:$0x4], $0x80, s30, s17, $0xb8;
	[tilespmem:$0x1E800] =	vst v63  }
0x99: {  	_ =	swait.ge [sflag:s15], $0x4000  }
0x9a: {  	[sflag:s15] =	ssyncset.done $0x0  }
0x9b: {  	[sflag:s15] =	ssyncadd.s32 $0xFFFFC000  }
0x9c: {  	[tilespmem:s20], [sflag:$0x2] =	stream.indirect.gather [hbm4b:s4+s17], $0x80, s23, s17, $0xb8;
	[tilespmem:$0x1E800] =	vst v63  }
0x9d: {  	_ =	swait.ge [sflag:s21], $0x4000  }
0x9e: {  	[sflag:s21] =	ssyncset.done $0x0  }
0x9f: {  	[sflag:s21] =	ssyncadd.s32 $0xFFFFC000  }
0xa0: {  	[spmem:s1] =	stream.indirect.scatter.add.f32 [tilespmem:s18], [sflag:$0x4], $0x80, s24, s17, $0xb8;
	[tilespmem:$0x1E800] =	vst v63  }
0xa1: {  	_ =	swait.ge [sflag:s15], $0x4000  }
0xa2: {  	[sflag:s15] =	ssyncset.done $0x0  }
0xa3: {  	[sflag:s15] =	ssyncadd.s32 $0xFFFFC000  }
0xa4: {  	_ =	swait.ge [sflag:s22], $0x4000  }
0xa5: {  	[sflag:s22] =	ssyncset.done $0x0  }
0xa6: {  	[sflag:s22] =	ssyncadd.s32 $0xFFFFC000  }
0xa7: {  	[spmem:s1] =	stream.indirect.scatter.add.f32 [tilespmem:s20], [sflag:$0x4], $0x80, s25, s17, $0xb8;
	[tilespmem:$0x1E800] =	vst v63  }
0xa8: {  	_ =	swait.ge [sflag:s15], $0x4000  }
0xa9: {  	s26 =	sadd.s32 $0x1, s26;
	[sflag:s15] =	ssyncset.done $0x0  }
0xaa: {  	p0 =	sne.s32 s26, s13;
	[sflag:s15] =	ssyncadd.s32 $0xFFFFC000  }
.Ltmp2:
0xab: {  	s31 =	sor.u32 $0x1C04, s6;
	[bflag:$0x0] =	sbarrier.arrive $0xFFFF;
	(pc) =	sbr.rel @p0 .LBB2_1-.Ltmp2, $4  }
0xac: {  	[hbm:s12], [sflag:s31] =	dma.local [spmem:s14], $0x2800  }
0xad: {  	_ =	swait.ge [sflag:s15], $0x2800  }
0xae: {  	[sflag:s15] =	ssyncset.done $0x0  }
0xaf: {  	[sflag:s15] =	ssyncadd.s32 $0xFFFFD800  }
0xb0: {  	_ =	sfence.sel $0x180000  }
0xb1: {  	[bflag:$0x0] =	sbarrier.arrive $0xFFFF  }
0xb2: {  	_ =	strace $0x90000050  }
0xb3: {  	[bflag:$0x2] =	sbarrier.arrive $0xFFFF  }
0xb4: {  	p0 =	sne.s32 s2, $0x0;
	s0 =	rddreg [dreg:$0x2]  }
0xb5: {  	s0 =	sadd.s32 @!p0 $0x100000, s0  }
0xb6: {  	[sflag:s0] =	ssyncadd.tile.s32 @!p0 $0x1;
	_ =	shalt  }
.Lfunc_end2:
_tile_overlayer_lowered:
.L_overlay_start_2:
0xb7: {  	(tag) =	ssettag $0x2  }
0xb8: {  	s0 =	rddreg [dreg:$0x0];
	s2 =	stileid.u32  }
0xb9: {  	s1 =	rddreg [dreg:$0x1];
	p0 =	sne.s32 s2, $0x0  }
0xba: {  	s3 =	rddreg [dreg:$0x2];
	[bflag:$0x3] =	sbarrier.arrive $0xFFFF;
	s2 =	simm.s32 @!p0 $0x1C04  }
0xbb: {  	[timem:s3], [sflag:s2] =	dma.local @!p0 [hbm:s0], s1  }
0xbc: {  	s0 =	simm.s32 @!p0 $0x4  }
0xbd: {  	_ =	swait.ge @!p0 [sflag:s0], s1  }
0xbe: {  	s1 =	ssub.s32 @!p0 $0x0, s1;
	[sflag:s0] =	ssyncset.done @!p0 $0x0  }
0xbf: {  	[sflag:s0] =	ssyncadd.s32 @!p0 s1  }
0xc0: {  	[bflag:$0x3] =	sbarrier.arrive $0xFFFF  }
0xc1: {  	_ =	shalt  }

</sc_bundles>
